<compile_context>
chip_gen: v7x
topology: tpu7x:2x2x1
jax: 0.10.2.dev20260603
libtpu: 0.0.44.dev20260713+nightly
codegen_flags: <defaults>
</compile_context>

<pallas_src>
import functools

import jax
import jax.numpy as jnp
from jax import lax
from jax.experimental import pallas as pl
from jax.experimental.pallas import tpu as pltpu
from jax.experimental.pallas import tpu_sc as plsc

N_NODES = 10000
D = 128
E = 320000

NC = 2
NS = 16
NW = NC * NS
CHUNK = 80
N_GROUPS = 5
G_CHUNKS = 25
N_CHUNKS = N_GROUPS * G_CHUNKS
E_PER_W = N_CHUNKS * CHUNK
E_PAD = NW * E_PER_W
DUMP_ROWS = NS
AGG_ROWS = N_NODES + DUMP_ROWS
ROW_SLICE = 640
ROW_STRIDE = 624
ROW_LAST = N_NODES - ROW_SLICE
DEG_PAD = 10240
DEG_PER_TILE = DEG_PAD // NS


def _sc_agg_body(src_hbm, dst_hbm, x_hbm, agg_out, deg0_out, deg1_out,
                 srcv_a, dstv_a, srcv_b, dstv_b, rows, rows_b, dbuf, ones_v,
                 agg_sh, deg_sh, sem, sem_b, sem_i, sem_h):
    cid = lax.axis_index("c")
    sid = lax.axis_index("s")
    wid = cid * NS + sid
    row0 = pl.multiple_of(jnp.minimum(sid * ROW_STRIDE, ROW_LAST), 8)
    deg0 = pl.multiple_of(sid * DEG_PER_TILE, 128)
    n_slices = ROW_SLICE // CHUNK
    slices = [pl.ds(row0 + t * CHUNK, CHUNK) for t in range(n_slices)]
    idx_bufs = [(srcv_a, dstv_a), (srcv_b, dstv_b)]
    row_bufs = [(rows, sem), (rows_b, sem_b)]

    def zrow(i, carry):
        for k in range(D // 16):
            rows[i, pl.ds(k * 16, 16)] = jnp.zeros((16,), jnp.float32)
        return carry
    lax.fori_loop(0, CHUNK, zrow, 0)

    def zdeg(i, carry):
        dbuf[pl.ds(i * 16, 16)] = jnp.zeros((16,), jnp.float32)
        return carry
    lax.fori_loop(0, DEG_PER_TILE // 16, zdeg, 0)

    for k in range(CHUNK // 16):
        ones_v[pl.ds(k * 16, 16)] = jnp.ones((16,), jnp.float32)

    for t in range(n_slices):
        pltpu.async_copy(rows, agg_sh.at[slices[t]], sem)
    pltpu.async_copy(dbuf, deg_sh.at[pl.ds(deg0, DEG_PER_TILE)], sem_b)
    pltpu.async_copy(src_hbm.at[wid, 0], srcv_a, sem_i)
    pltpu.async_copy(dst_hbm.at[wid, 0], dstv_a, sem_i)
    for t in range(n_slices):
        pltpu.make_async_copy(rows, agg_sh.at[slices[t]], sem).wait()
    pltpu.make_async_copy(dbuf, deg_sh.at[pl.ds(deg0, DEG_PER_TILE)], sem_b).wait()
    plsc.subcore_barrier()

    for g in range(N_GROUPS):
        srcv, dstv = idx_bufs[g % 2]
        pltpu.make_async_copy(src_hbm.at[wid, g], srcv, sem_i).wait()
        pltpu.make_async_copy(dst_hbm.at[wid, g], dstv, sem_i).wait()
        if g + 1 < N_GROUPS:
            nsv, ndv = idx_bufs[(g + 1) % 2]
            pltpu.async_copy(src_hbm.at[wid, g + 1], nsv, sem_i)
            pltpu.async_copy(dst_hbm.at[wid, g + 1], ndv, sem_i)
        pltpu.async_copy(x_hbm.at[srcv.at[0]], rows, sem)

        def pipe(i, carry2, srcv=srcv, dstv=dstv):
            j = 2 * i
            pltpu.async_copy(x_hbm.at[srcv.at[j + 1]], rows_b, sem_b)
            pltpu.make_async_copy(x_hbm.at[srcv.at[j]], rows, sem).wait()
            pltpu.sync_copy(rows, agg_sh.at[dstv.at[j]], add=True)
            pltpu.sync_copy(ones_v, deg_sh.at[dstv.at[j]], add=True)
            pltpu.async_copy(x_hbm.at[srcv.at[j + 2]], rows, sem)
            pltpu.make_async_copy(x_hbm.at[srcv.at[j + 1]], rows_b, sem_b).wait()
            pltpu.sync_copy(rows_b, agg_sh.at[dstv.at[j + 1]], add=True)
            pltpu.sync_copy(ones_v, deg_sh.at[dstv.at[j + 1]], add=True)
            return carry2
        lax.fori_loop(0, (G_CHUNKS - 1) // 2, pipe, 0)

        if G_CHUNKS % 2:
            pltpu.make_async_copy(x_hbm.at[srcv.at[G_CHUNKS - 1]], rows, sem).wait()
            pltpu.sync_copy(rows, agg_sh.at[dstv.at[G_CHUNKS - 1]], add=True)
            pltpu.sync_copy(ones_v, deg_sh.at[dstv.at[G_CHUNKS - 1]], add=True)
        else:
            pltpu.async_copy(x_hbm.at[srcv.at[G_CHUNKS - 1]], rows_b, sem_b)
            pltpu.make_async_copy(x_hbm.at[srcv.at[G_CHUNKS - 2]], rows, sem).wait()
            pltpu.sync_copy(rows, agg_sh.at[dstv.at[G_CHUNKS - 2]], add=True)
            pltpu.sync_copy(ones_v, deg_sh.at[dstv.at[G_CHUNKS - 2]], add=True)
            pltpu.make_async_copy(x_hbm.at[srcv.at[G_CHUNKS - 1]], rows_b, sem_b).wait()
            pltpu.sync_copy(rows_b, agg_sh.at[dstv.at[G_CHUNKS - 1]], add=True)
            pltpu.sync_copy(ones_v, deg_sh.at[dstv.at[G_CHUNKS - 1]], add=True)

    plsc.subcore_barrier()

    pltpu.async_copy(agg_sh.at[slices[0]], rows, sem)
    for t in range(n_slices):
        buf, sm = row_bufs[t % 2]
        pltpu.make_async_copy(agg_sh.at[slices[t]], buf, sm).wait()
        pltpu.async_copy(buf, agg_out.at[cid, slices[t]], sem_h)
        if t + 1 < n_slices:
            nbuf, nsm = row_bufs[(t + 1) % 2]
            if t >= 1:
                pbuf, _ = row_bufs[(t - 1) % 2]
                pltpu.make_async_copy(pbuf, agg_out.at[cid, slices[t - 1]], sem_h).wait()
            pltpu.async_copy(agg_sh.at[slices[t + 1]], nbuf, nsm)
    pltpu.make_async_copy(row_bufs[(n_slices - 2) % 2][0],
                          agg_out.at[cid, slices[n_slices - 2]], sem_h).wait()
    pltpu.make_async_copy(row_bufs[(n_slices - 1) % 2][0],
                          agg_out.at[cid, slices[n_slices - 1]], sem_h).wait()
    pltpu.sync_copy(deg_sh.at[pl.ds(deg0, DEG_PER_TILE)], dbuf)

    @pl.when(cid == 0)
    def _():
        pltpu.sync_copy(dbuf, deg0_out.at[pl.ds(deg0, DEG_PER_TILE)])

    @pl.when(cid == 1)
    def _():
        pltpu.sync_copy(dbuf, deg1_out.at[pl.ds(deg0, DEG_PER_TILE)])


_sc_agg = functools.partial(
    pl.kernel,
    out_type=(jax.ShapeDtypeStruct((NC, N_NODES, D), jnp.float32),
              jax.ShapeDtypeStruct((DEG_PAD,), jnp.float32),
              jax.ShapeDtypeStruct((DEG_PAD,), jnp.float32)),
    mesh=plsc.VectorSubcoreMesh(core_axis_name="c", subcore_axis_name="s"),
    scratch_types=[
        pltpu.VMEM((G_CHUNKS, CHUNK), jnp.int32),
        pltpu.VMEM((G_CHUNKS, CHUNK), jnp.int32),
        pltpu.VMEM((G_CHUNKS, CHUNK), jnp.int32),
        pltpu.VMEM((G_CHUNKS, CHUNK), jnp.int32),
        pltpu.VMEM((CHUNK, D), jnp.float32),
        pltpu.VMEM((CHUNK, D), jnp.float32),
        pltpu.VMEM((DEG_PER_TILE,), jnp.float32),
        pltpu.VMEM((CHUNK,), jnp.float32),
        pltpu.VMEM_SHARED((AGG_ROWS, D), jnp.float32),
        pltpu.VMEM_SHARED((DEG_PAD,), jnp.float32),
        pltpu.SemaphoreType.DMA,
        pltpu.SemaphoreType.DMA,
        pltpu.SemaphoreType.DMA,
        pltpu.SemaphoreType.DMA,
    ],
)(_sc_agg_body)


BN = 2000


def _tc_self_body(x_ref, ws_ref, b_ref, o_ref):
    o_ref[...] = jnp.dot(x_ref[...], ws_ref[...],
                         preferred_element_type=jnp.float32) + b_ref[...]


def _tc_self(x, W_self, b2):
    return pl.pallas_call(
        _tc_self_body,
        out_shape=jax.ShapeDtypeStruct((N_NODES, D), jnp.float32),
        grid=(N_NODES // BN,),
        in_specs=[
            pl.BlockSpec((BN, D), lambda i: (i, 0)),
            pl.BlockSpec((D, D), lambda i: (0, 0)),
            pl.BlockSpec((1, D), lambda i: (0, 0)),
        ],
        out_specs=pl.BlockSpec((BN, D), lambda i: (i, 0)),
    )(x, W_self, b2)


def _tc_body(self_ref, agg_ref, deg_ref, wn_ref, o_ref):
    deg = deg_ref[...]
    degsum = deg[:, 0:1] + deg[:, 1:2]
    inv = 1.0 / jnp.maximum(degsum, 1.0)
    aggs = agg_ref[0] + agg_ref[1]
    mean = aggs * inv
    acc = self_ref[...] + jnp.dot(mean, wn_ref[...],
                                  preferred_element_type=jnp.float32)
    o_ref[...] = jnp.maximum(acc, 0.0)


def _tc_combine(selfpart, agg2, deg_t, W_neigh):
    return pl.pallas_call(
        _tc_body,
        out_shape=jax.ShapeDtypeStruct((N_NODES, D), jnp.float32),
        grid=(N_NODES // BN,),
        in_specs=[
            pl.BlockSpec((BN, D), lambda i: (i, 0)),
            pl.BlockSpec((NC, BN, D), lambda i: (0, i, 0)),
            pl.BlockSpec((BN, NC), lambda i: (i, 0)),
            pl.BlockSpec((D, D), lambda i: (0, 0)),
        ],
        out_specs=pl.BlockSpec((BN, D), lambda i: (i, 0)),
    )(selfpart, agg2, deg_t, W_neigh)


def kernel(x, edge_index, W_self, W_neigh, b):
    pad_per_w = E_PER_W - E // NW
    src = jnp.concatenate(
        [edge_index[0].astype(jnp.int32).reshape(NW, E // NW),
         jnp.zeros((NW, pad_per_w), jnp.int32)], axis=1,
    ).reshape(NW, N_GROUPS, G_CHUNKS, CHUNK)
    dump = N_NODES + (jnp.arange(NW, dtype=jnp.int32) % NS)
    dst = jnp.concatenate(
        [edge_index[1].astype(jnp.int32).reshape(NW, E // NW),
         jnp.broadcast_to(dump[:, None], (NW, pad_per_w))], axis=1,
    ).reshape(NW, N_GROUPS, G_CHUNKS, CHUNK)
    selfpart = _tc_self(x, W_self, b.reshape(1, D))
    agg2, dega, degb = _sc_agg(src, dst, x)
    deg_t = jnp.stack([dega[:N_NODES], degb[:N_NODES]], axis=1)
    return _tc_combine(selfpart, agg2, deg_t, W_neigh)

# --- scband reference (transcript-rebuilt; emitter-appended) ---
"""Pipeline reference for scband-hloc-sage-plus-14963666059367 (READ-ONLY COPY).

The authoritative reference and input builder live on the scoring server;
editing this copy changes nothing except your own understanding.
"""

import jax, jax.numpy as jnp
import numpy as np

N_NODES = 10000
N_EDGES = 320000
D_FEAT = 128


def setup_inputs(seed: int = 0) -> dict:
    key = jax.random.key(seed)
    k1, k2, k3, k4, k5 = jax.random.split(key, 5)
    x = jax.random.normal(k1, (N_NODES, D_FEAT), dtype=jnp.float32)
    edge_index = jax.random.randint(k2, (2, N_EDGES), 0, N_NODES, dtype=jnp.int64)
    scale = 1.0 / np.sqrt(D_FEAT)
    W_self = jax.random.normal(k3, (D_FEAT, D_FEAT), dtype=jnp.float32) * scale
    W_neigh = jax.random.normal(k4, (D_FEAT, D_FEAT), dtype=jnp.float32) * scale
    b = jax.random.normal(k5, (D_FEAT,), dtype=jnp.float32) * 0.01
    return {"x": x, "edge_index": edge_index, "W_self": W_self, "W_neigh": W_neigh, "b": b}


def reference(x, edge_index, W_self, W_neigh, b):
    # Heterogeneous-local SAGE layer (mean aggregation over incoming edges):
    # gather source features, scatter-add to destination nodes, normalize by
    # in-degree, then combine self and neighbor transforms with ReLU.
    src = edge_index[0]
    dst = edge_index[1]
    msg = jnp.take(x, src, axis=0)                      # gather  [E, D]
    agg = jax.ops.segment_sum(msg, dst, num_segments=N_NODES)   # scatter-add [N, D]
    deg = jax.ops.segment_sum(jnp.ones((msg.shape[0],), dtype=x.dtype), dst, num_segments=N_NODES)
    mean_neigh = agg / jnp.clip(deg, 1.0)[:, None]
    out = x @ W_self + mean_neigh @ W_neigh + b
    return jax.nn.relu(out)

if __name__ == "__main__":
    import jax
    _d = setup_inputs()
    print(jax.jit(kernel)(*tuple(_d.values())))

</pallas_src>

<mosaic_0001>
#map = affine_map<(d0, d1) -> (0, 0, 0, 0)>
#map1 = affine_map<(d0, d1) -> (0, 0)>
#map2 = affine_map<(d0, d1) -> (0, 0, 0)>
#map3 = affine_map<(d0, d1) -> (0)>
module attributes {stable_mosaic.version = 14 : i64} {
  func.func @_sc_agg_body(%arg0: i32, %arg1: i32, %arg2: memref<32x5x25x80xi32, #tpu.memory_space<hbm>>, %arg3: memref<32x5x25x80xi32, #tpu.memory_space<hbm>>, %arg4: memref<10000x128xf32, #tpu.memory_space<hbm>>, %arg5: memref<2x10000x128xf32, #tpu.memory_space<hbm>>, %arg6: memref<10240xf32, #tpu.memory_space<hbm>>, %arg7: memref<10240xf32, #tpu.memory_space<hbm>>, %arg8: memref<25x80xi32, #tpu.memory_space<vmem>>, %arg9: memref<25x80xi32, #tpu.memory_space<vmem>>, %arg10: memref<25x80xi32, #tpu.memory_space<vmem>>, %arg11: memref<25x80xi32, #tpu.memory_space<vmem>>, %arg12: memref<80x128xf32, #tpu.memory_space<vmem>>, %arg13: memref<80x128xf32, #tpu.memory_space<vmem>>, %arg14: memref<640xf32, #tpu.memory_space<vmem>>, %arg15: memref<80xf32, #tpu.memory_space<vmem>>, %arg16: memref<10016x128xf32, #tpu.memory_space<vmem_shared>>, %arg17: memref<10240xf32, #tpu.memory_space<vmem_shared>>, %arg18: memref<!tpu.dma_semaphore, #tpu.memory_space<semaphore_mem>>, %arg19: memref<!tpu.dma_semaphore, #tpu.memory_space<semaphore_mem>>, %arg20: memref<!tpu.dma_semaphore, #tpu.memory_space<semaphore_mem>>, %arg21: memref<!tpu.dma_semaphore, #tpu.memory_space<semaphore_mem>>) attributes {dimension_semantics = [#tpu.dimension_semantics<core_parallel>, #tpu.dimension_semantics<subcore_parallel>], iteration_bounds = array<i64: 2, 16>, scalar_prefetch = 0 : i64, scratch_operands = 14 : i64, tpu.core_type = #tpu.core_type<sc_vector_subcore>, window_params = [{transform_indices = #map}, {transform_indices = #map}, {transform_indices = #map1}, {transform_indices = #map2}, {transform_indices = #map3}, {transform_indices = #map3}]} {
    %mul3A = arith.constant 16 : i32
    %mul3A_0 = arith.muli %arg0, %mul3A : i32
    %add3A = arith.addi %mul3A_0, %arg1 : i32
    %mul3A_1 = arith.constant 624 : i32
    %mul3A_2 = arith.muli %arg1, %mul3A_1 : i32
    %min3A = arith.constant 9360 : i32
    %min3A_3 = arith.minsi %mul3A_2, %min3A : i32
    %multiple_of3A = tpu.assume_multiple %min3A_3, 8 : i32
    %mul3A_4 = arith.constant 640 : i32
    %mul3A_5 = arith.muli %arg1, %mul3A_4 : i32
    %multiple_of3A_6 = tpu.assume_multiple %mul3A_5, 128 : i32
    %add3A_7 = arith.constant 0 : i32
    %add3A_8 = arith.addi %multiple_of3A, %add3A_7 : i32
    %add3A_9 = arith.constant 80 : i32
    %add3A_10 = arith.addi %multiple_of3A, %add3A_9 : i32
    %add3A_11 = arith.constant 160 : i32
    %add3A_12 = arith.addi %multiple_of3A, %add3A_11 : i32
    %add3A_13 = arith.constant 240 : i32
    %add3A_14 = arith.addi %multiple_of3A, %add3A_13 : i32
    %add3A_15 = arith.constant 320 : i32
    %add3A_16 = arith.addi %multiple_of3A, %add3A_15 : i32
    %add3A_17 = arith.constant 400 : i32
    %add3A_18 = arith.addi %multiple_of3A, %add3A_17 : i32
    %add3A_19 = arith.constant 480 : i32
    %add3A_20 = arith.addi %multiple_of3A, %add3A_19 : i32
    %add3A_21 = arith.constant 560 : i32
    %add3A_22 = arith.addi %multiple_of3A, %add3A_21 : i32
    %scan3A = arith.constant 0 : i32
    %scan3A_23 = arith.constant 0 : i32
    %scan3A_24 = arith.constant 80 : i32
    %scan3A_25 = arith.addi %scan3A_23, %scan3A_24 : i32
    %scan3A_26 = arith.constant 1 : i32
    scf.for %scan3A_585 = %scan3A_23 to %scan3A_25 step %scan3A_26  : i32 {
      %broadcast_in_dim3A_586 = arith.constant 0.000000e+00 : f32
      %broadcast_in_dim3A_587 = vector.broadcast %broadcast_in_dim3A_586 : f32 to vector<16xf32>
      %swap3A_588 = arith.index_cast %scan3A_585 : i32 to index
      %swap3A_589 = arith.constant 0 : index
      %swap3A_590 = tpu.vector_load %arg12[%swap3A_588, %swap3A_589] {strides = array<i32>} : memref<80x128xf32, #tpu.memory_space<vmem>>, vector<1x16xf32>,
      %swap3A_591 = vector.shape_cast %swap3A_590 : vector<1x16xf32> to vector<16xf32>
      %swap3A_592 = vector.shape_cast %broadcast_in_dim3A_587 : vector<16xf32> to vector<1x16xf32>
      tpu.vector_store %arg12[%swap3A_588, %swap3A_589], %swap3A_592 {strides = array<i32>} : memref<80x128xf32, #tpu.memory_space<vmem>>, vector<1x16xf32>,
      %broadcast_in_dim3A_593 = arith.constant 0.000000e+00 : f32
      %broadcast_in_dim3A_594 = vector.broadcast %broadcast_in_dim3A_593 : f32 to vector<16xf32>
      %swap3A_595 = arith.index_cast %scan3A_585 : i32 to index
      %swap3A_596 = arith.constant 16 : index
      %swap3A_597 = tpu.vector_load %arg12[%swap3A_595, %swap3A_596] {strides = array<i32>} : memref<80x128xf32, #tpu.memory_space<vmem>>, vector<1x16xf32>,
      %swap3A_598 = vector.shape_cast %swap3A_597 : vector<1x16xf32> to vector<16xf32>
      %swap3A_599 = vector.shape_cast %broadcast_in_dim3A_594 : vector<16xf32> to vector<1x16xf32>
      tpu.vector_store %arg12[%swap3A_595, %swap3A_596], %swap3A_599 {strides = array<i32>} : memref<80x128xf32, #tpu.memory_space<vmem>>, vector<1x16xf32>,
      %broadcast_in_dim3A_600 = arith.constant 0.000000e+00 : f32
      %broadcast_in_dim3A_601 = vector.broadcast %broadcast_in_dim3A_600 : f32 to vector<16xf32>
      %swap3A_602 = arith.index_cast %scan3A_585 : i32 to index
      %swap3A_603 = arith.constant 32 : index
      %swap3A_604 = tpu.vector_load %arg12[%swap3A_602, %swap3A_603] {strides = array<i32>} : memref<80x128xf32, #tpu.memory_space<vmem>>, vector<1x16xf32>,
      %swap3A_605 = vector.shape_cast %swap3A_604 : vector<1x16xf32> to vector<16xf32>
      %swap3A_606 = vector.shape_cast %broadcast_in_dim3A_601 : vector<16xf32> to vector<1x16xf32>
      tpu.vector_store %arg12[%swap3A_602, %swap3A_603], %swap3A_606 {strides = array<i32>} : memref<80x128xf32, #tpu.memory_space<vmem>>, vector<1x16xf32>,
      %broadcast_in_dim3A_607 = arith.constant 0.000000e+00 : f32
      %broadcast_in_dim3A_608 = vector.broadcast %broadcast_in_dim3A_607 : f32 to vector<16xf32>
      %swap3A_609 = arith.index_cast %scan3A_585 : i32 to index
      %swap3A_610 = arith.constant 48 : index
      %swap3A_611 = tpu.vector_load %arg12[%swap3A_609, %swap3A_610] {strides = array<i32>} : memref<80x128xf32, #tpu.memory_space<vmem>>, vector<1x16xf32>,
      %swap3A_612 = vector.shape_cast %swap3A_611 : vector<1x16xf32> to vector<16xf32>
      %swap3A_613 = vector.shape_cast %broadcast_in_dim3A_608 : vector<16xf32> to vector<1x16xf32>
      tpu.vector_store %arg12[%swap3A_609, %swap3A_610], %swap3A_613 {strides = array<i32>} : memref<80x128xf32, #tpu.memory_space<vmem>>, vector<1x16xf32>,
      %broadcast_in_dim3A_614 = arith.constant 0.000000e+00 : f32
      %broadcast_in_dim3A_615 = vector.broadcast %broadcast_in_dim3A_614 : f32 to vector<16xf32>
      %swap3A_616 = arith.index_cast %scan3A_585 : i32 to index
      %swap3A_617 = arith.constant 64 : index
      %swap3A_618 = tpu.vector_load %arg12[%swap3A_616, %swap3A_617] {strides = array<i32>} : memref<80x128xf32, #tpu.memory_space<vmem>>, vector<1x16xf32>,
      %swap3A_619 = vector.shape_cast %swap3A_618 : vector<1x16xf32> to vector<16xf32>
      %swap3A_620 = vector.shape_cast %broadcast_in_dim3A_615 : vector<16xf32> to vector<1x16xf32>
      tpu.vector_store %arg12[%swap3A_616, %swap3A_617], %swap3A_620 {strides = array<i32>} : memref<80x128xf32, #tpu.memory_space<vmem>>, vector<1x16xf32>,
      %broadcast_in_dim3A_621 = arith.constant 0.000000e+00 : f32
      %broadcast_in_dim3A_622 = vector.broadcast %broadcast_in_dim3A_621 : f32 to vector<16xf32>
      %swap3A_623 = arith.index_cast %scan3A_585 : i32 to index
      %swap3A_624 = arith.constant 80 : index
      %swap3A_625 = tpu.vector_load %arg12[%swap3A_623, %swap3A_624] {strides = array<i32>} : memref<80x128xf32, #tpu.memory_space<vmem>>, vector<1x16xf32>,
      %swap3A_626 = vector.shape_cast %swap3A_625 : vector<1x16xf32> to vector<16xf32>
      %swap3A_627 = vector.shape_cast %broadcast_in_dim3A_622 : vector<16xf32> to vector<1x16xf32>
      tpu.vector_store %arg12[%swap3A_623, %swap3A_624], %swap3A_627 {strides = array<i32>} : memref<80x128xf32, #tpu.memory_space<vmem>>, vector<1x16xf32>,
      %broadcast_in_dim3A_628 = arith.constant 0.000000e+00 : f32
      %broadcast_in_dim3A_629 = vector.broadcast %broadcast_in_dim3A_628 : f32 to vector<16xf32>
      %swap3A_630 = arith.index_cast %scan3A_585 : i32 to index
      %swap3A_631 = arith.constant 96 : index
      %swap3A_632 = tpu.vector_load %arg12[%swap3A_630, %swap3A_631] {strides = array<i32>} : memref<80x128xf32, #tpu.memory_space<vmem>>, vector<1x16xf32>,
      %swap3A_633 = vector.shape_cast %swap3A_632 : vector<1x16xf32> to vector<16xf32>
      %swap3A_634 = vector.shape_cast %broadcast_in_dim3A_629 : vector<16xf32> to vector<1x16xf32>
      tpu.vector_store %arg12[%swap3A_630, %swap3A_631], %swap3A_634 {strides = array<i32>} : memref<80x128xf32, #tpu.memory_space<vmem>>, vector<1x16xf32>,
      %broadcast_in_dim3A_635 = arith.constant 0.000000e+00 : f32
      %broadcast_in_dim3A_636 = vector.broadcast %broadcast_in_dim3A_635 : f32 to vector<16xf32>
      %swap3A_637 = arith.index_cast %scan3A_585 : i32 to index
      %swap3A_638 = arith.constant 112 : index
      %swap3A_639 = tpu.vector_load %arg12[%swap3A_637, %swap3A_638] {strides = array<i32>} : memref<80x128xf32, #tpu.memory_space<vmem>>, vector<1x16xf32>,
      %swap3A_640 = vector.shape_cast %swap3A_639 : vector<1x16xf32> to vector<16xf32>
      %swap3A_641 = vector.shape_cast %broadcast_in_dim3A_636 : vector<16xf32> to vector<1x16xf32>
      tpu.vector_store %arg12[%swap3A_637, %swap3A_638], %swap3A_641 {strides = array<i32>} : memref<80x128xf32, #tpu.memory_space<vmem>>, vector<1x16xf32>,
    }
    %scan3A_27 = arith.constant 80 : i32
    %scan3A_28 = arith.constant 0 : i32
    %scan3A_29 = arith.constant 0 : i32
    %scan3A_30 = arith.constant 40 : i32
    %scan3A_31 = arith.addi %scan3A_29, %scan3A_30 : i32
    %scan3A_32 = arith.constant 1 : i32
    scf.for %scan3A_585 = %scan3A_29 to %scan3A_31 step %scan3A_32  : i32 {
      %broadcast_in_dim3A_586 = arith.constant 0.000000e+00 : f32
      %broadcast_in_dim3A_587 = vector.broadcast %broadcast_in_dim3A_586 : f32 to vector<16xf32>
      %mul3A_588 = arith.constant 16 : i32
      %mul3A_589 = arith.muli %scan3A_585, %mul3A_588 : i32
      %swap3A_590 = arith.index_cast %mul3A_589 : i32 to index
      %swap3A_591 = tpu.vector_load %arg14[%swap3A_590] {strides = array<i32>} : memref<640xf32, #tpu.memory_space<vmem>>, vector<16xf32>,
      %swap3A_592 = vector.shape_cast %swap3A_591 : vector<16xf32> to vector<16xf32>
      %swap3A_593 = vector.shape_cast %broadcast_in_dim3A_587 : vector<16xf32> to vector<16xf32>
      tpu.vector_store %arg14[%swap3A_590], %swap3A_593 {strides = array<i32>} : memref<640xf32, #tpu.memory_space<vmem>>, vector<16xf32>,
    }
    %scan3A_33 = arith.constant 40 : i32
    %broadcast_in_dim3A = arith.constant 1.000000e+00 : f32
    %broadcast_in_dim3A_34 = vector.broadcast %broadcast_in_dim3A : f32 to vector<16xf32>
    %swap3A = arith.constant 0 : index
    %swap3A_35 = tpu.vector_load %arg15[%swap3A] {strides = array<i32>} : memref<80xf32, #tpu.memory_space<vmem>>, vector<16xf32>,
    %swap3A_36 = vector.shape_cast %swap3A_35 : vector<16xf32> to vector<16xf32>
    %swap3A_37 = vector.shape_cast %broadcast_in_dim3A_34 : vector<16xf32> to vector<16xf32>
    tpu.vector_store %arg15[%swap3A], %swap3A_37 {strides = array<i32>} : memref<80xf32, #tpu.memory_space<vmem>>, vector<16xf32>,
    %broadcast_in_dim3A_38 = arith.constant 1.000000e+00 : f32
    %broadcast_in_dim3A_39 = vector.broadcast %broadcast_in_dim3A_38 : f32 to vector<16xf32>
    %swap3A_40 = arith.constant 16 : index
    %swap3A_41 = tpu.vector_load %arg15[%swap3A_40] {strides = array<i32>} : memref<80xf32, #tpu.memory_space<vmem>>, vector<16xf32>,
    %swap3A_42 = vector.shape_cast %swap3A_41 : vector<16xf32> to vector<16xf32>
    %swap3A_43 = vector.shape_cast %broadcast_in_dim3A_39 : vector<16xf32> to vector<16xf32>
    tpu.vector_store %arg15[%swap3A_40], %swap3A_43 {strides = array<i32>} : memref<80xf32, #tpu.memory_space<vmem>>, vector<16xf32>,
    %broadcast_in_dim3A_44 = arith.constant 1.000000e+00 : f32
    %broadcast_in_dim3A_45 = vector.broadcast %broadcast_in_dim3A_44 : f32 to vector<16xf32>
    %swap3A_46 = arith.constant 32 : index
    %swap3A_47 = tpu.vector_load %arg15[%swap3A_46] {strides = array<i32>} : memref<80xf32, #tpu.memory_space<vmem>>, vector<16xf32>,
    %swap3A_48 = vector.shape_cast %swap3A_47 : vector<16xf32> to vector<16xf32>
    %swap3A_49 = vector.shape_cast %broadcast_in_dim3A_45 : vector<16xf32> to vector<16xf32>
    tpu.vector_store %arg15[%swap3A_46], %swap3A_49 {strides = array<i32>} : memref<80xf32, #tpu.memory_space<vmem>>, vector<16xf32>,
    %broadcast_in_dim3A_50 = arith.constant 1.000000e+00 : f32
    %broadcast_in_dim3A_51 = vector.broadcast %broadcast_in_dim3A_50 : f32 to vector<16xf32>
    %swap3A_52 = arith.constant 48 : index
    %swap3A_53 = tpu.vector_load %arg15[%swap3A_52] {strides = array<i32>} : memref<80xf32, #tpu.memory_space<vmem>>, vector<16xf32>,
    %swap3A_54 = vector.shape_cast %swap3A_53 : vector<16xf32> to vector<16xf32>
    %swap3A_55 = vector.shape_cast %broadcast_in_dim3A_51 : vector<16xf32> to vector<16xf32>
    tpu.vector_store %arg15[%swap3A_52], %swap3A_55 {strides = array<i32>} : memref<80xf32, #tpu.memory_space<vmem>>, vector<16xf32>,
    %broadcast_in_dim3A_56 = arith.constant 1.000000e+00 : f32
    %broadcast_in_dim3A_57 = vector.broadcast %broadcast_in_dim3A_56 : f32 to vector<16xf32>
    %swap3A_58 = arith.constant 64 : index
    %swap3A_59 = tpu.vector_load %arg15[%swap3A_58] {strides = array<i32>} : memref<80xf32, #tpu.memory_space<vmem>>, vector<16xf32>,
    %swap3A_60 = vector.shape_cast %swap3A_59 : vector<16xf32> to vector<16xf32>
    %swap3A_61 = vector.shape_cast %broadcast_in_dim3A_57 : vector<16xf32> to vector<16xf32>
    tpu.vector_store %arg15[%swap3A_58], %swap3A_61 {strides = array<i32>} : memref<80xf32, #tpu.memory_space<vmem>>, vector<16xf32>,
    %dma_start3A = arith.constant 0 : i32
    %dma_start3A_62 = tpu.memref_slice %arg16[%add3A_8, %dma_start3A] : memref<10016x128xf32, #tpu.memory_space<vmem_shared>> -> memref<80x128xf32, #tpu.memory_space<vmem_shared>>
    %dma_start3A_63 = arith.constant 0 : i32
    %dma_start3A_64 = tpu.memref_slice %arg16[%add3A_8, %dma_start3A_63] : memref<10016x128xf32, #tpu.memory_space<vmem_shared>> -> memref<80x128xf32, #tpu.memory_space<vmem_shared>>
    tpu.enqueue_dma source(%arg12 : memref<80x128xf32, #tpu.memory_space<vmem>>) target(%dma_start3A_64 : memref<80x128xf32, #tpu.memory_space<vmem_shared>>) target_semaphore(%arg18 : memref<!tpu.dma_semaphore, #tpu.memory_space<semaphore_mem>>)
    %dma_start3A_65 = arith.constant 0 : i32
    %dma_start3A_66 = tpu.memref_slice %arg16[%add3A_10, %dma_start3A_65] : memref<10016x128xf32, #tpu.memory_space<vmem_shared>> -> memref<80x128xf32, #tpu.memory_space<vmem_shared>>
    %dma_start3A_67 = arith.constant 0 : i32
    %dma_start3A_68 = tpu.memref_slice %arg16[%add3A_10, %dma_start3A_67] : memref<10016x128xf32, #tpu.memory_space<vmem_shared>> -> memref<80x128xf32, #tpu.memory_space<vmem_shared>>
    tpu.enqueue_dma source(%arg12 : memref<80x128xf32, #tpu.memory_space<vmem>>) target(%dma_start3A_68 : memref<80x128xf32, #tpu.memory_space<vmem_shared>>) target_semaphore(%arg18 : memref<!tpu.dma_semaphore, #tpu.memory_space<semaphore_mem>>)
    %dma_start3A_69 = arith.constant 0 : i32
    %dma_start3A_70 = tpu.memref_slice %arg16[%add3A_12, %dma_start3A_69] : memref<10016x128xf32, #tpu.memory_space<vmem_shared>> -> memref<80x128xf32, #tpu.memory_space<vmem_shared>>
    %dma_start3A_71 = arith.constant 0 : i32
    %dma_start3A_72 = tpu.memref_slice %arg16[%add3A_12, %dma_start3A_71] : memref<10016x128xf32, #tpu.memory_space<vmem_shared>> -> memref<80x128xf32, #tpu.memory_space<vmem_shared>>
    tpu.enqueue_dma source(%arg12 : memref<80x128xf32, #tpu.memory_space<vmem>>) target(%dma_start3A_72 : memref<80x128xf32, #tpu.memory_space<vmem_shared>>) target_semaphore(%arg18 : memref<!tpu.dma_semaphore, #tpu.memory_space<semaphore_mem>>)
    %dma_start3A_73 = arith.constant 0 : i32
    %dma_start3A_74 = tpu.memref_slice %arg16[%add3A_14, %dma_start3A_73] : memref<10016x128xf32, #tpu.memory_space<vmem_shared>> -> memref<80x128xf32, #tpu.memory_space<vmem_shared>>
    %dma_start3A_75 = arith.constant 0 : i32
    %dma_start3A_76 = tpu.memref_slice %arg16[%add3A_14, %dma_start3A_75] : memref<10016x128xf32, #tpu.memory_space<vmem_shared>> -> memref<80x128xf32, #tpu.memory_space<vmem_shared>>
    tpu.enqueue_dma source(%arg12 : memref<80x128xf32, #tpu.memory_space<vmem>>) target(%dma_start3A_76 : memref<80x128xf32, #tpu.memory_space<vmem_shared>>) target_semaphore(%arg18 : memref<!tpu.dma_semaphore, #tpu.memory_space<semaphore_mem>>)
    %dma_start3A_77 = arith.constant 0 : i32
    %dma_start3A_78 = tpu.memref_slice %arg16[%add3A_16, %dma_start3A_77] : memref<10016x128xf32, #tpu.memory_space<vmem_shared>> -> memref<80x128xf32, #tpu.memory_space<vmem_shared>>
    %dma_start3A_79 = arith.constant 0 : i32
    %dma_start3A_80 = tpu.memref_slice %arg16[%add3A_16, %dma_start3A_79] : memref<10016x128xf32, #tpu.memory_space<vmem_shared>> -> memref<80x128xf32, #tpu.memory_space<vmem_shared>>
    tpu.enqueue_dma source(%arg12 : memref<80x128xf32, #tpu.memory_space<vmem>>) target(%dma_start3A_80 : memref<80x128xf32, #tpu.memory_space<vmem_shared>>) target_semaphore(%arg18 : memref<!tpu.dma_semaphore, #tpu.memory_space<semaphore_mem>>)
    %dma_start3A_81 = arith.constant 0 : i32
    %dma_start3A_82 = tpu.memref_slice %arg16[%add3A_18, %dma_start3A_81] : memref<10016x128xf32, #tpu.memory_space<vmem_shared>> -> memref<80x128xf32, #tpu.memory_space<vmem_shared>>
    %dma_start3A_83 = arith.constant 0 : i32
    %dma_start3A_84 = tpu.memref_slice %arg16[%add3A_18, %dma_start3A_83] : memref<10016x128xf32, #tpu.memory_space<vmem_shared>> -> memref<80x128xf32, #tpu.memory_space<vmem_shared>>
    tpu.enqueue_dma source(%arg12 : memref<80x128xf32, #tpu.memory_space<vmem>>) target(%dma_start3A_84 : memref<80x128xf32, #tpu.memory_space<vmem_shared>>) target_semaphore(%arg18 : memref<!tpu.dma_semaphore, #tpu.memory_space<semaphore_mem>>)
    %dma_start3A_85 = arith.constant 0 : i32
    %dma_start3A_86 = tpu.memref_slice %arg16[%add3A_20, %dma_start3A_85] : memref<10016x128xf32, #tpu.memory_space<vmem_shared>> -> memref<80x128xf32, #tpu.memory_space<vmem_shared>>
    %dma_start3A_87 = arith.constant 0 : i32
    %dma_start3A_88 = tpu.memref_slice %arg16[%add3A_20, %dma_start3A_87] : memref<10016x128xf32, #tpu.memory_space<vmem_shared>> -> memref<80x128xf32, #tpu.memory_space<vmem_shared>>
    tpu.enqueue_dma source(%arg12 : memref<80x128xf32, #tpu.memory_space<vmem>>) target(%dma_start3A_88 : memref<80x128xf32, #tpu.memory_space<vmem_shared>>) target_semaphore(%arg18 : memref<!tpu.dma_semaphore, #tpu.memory_space<semaphore_mem>>)
    %dma_start3A_89 = arith.constant 0 : i32
    %dma_start3A_90 = tpu.memref_slice %arg16[%add3A_22, %dma_start3A_89] : memref<10016x128xf32, #tpu.memory_space<vmem_shared>> -> memref<80x128xf32, #tpu.memory_space<vmem_shared>>
    %dma_start3A_91 = arith.constant 0 : i32
    %dma_start3A_92 = tpu.memref_slice %arg16[%add3A_22, %dma_start3A_91] : memref<10016x128xf32, #tpu.memory_space<vmem_shared>> -> memref<80x128xf32, #tpu.memory_space<vmem_shared>>
    tpu.enqueue_dma source(%arg12 : memref<80x128xf32, #tpu.memory_space<vmem>>) target(%dma_start3A_92 : memref<80x128xf32, #tpu.memory_space<vmem_shared>>) target_semaphore(%arg18 : memref<!tpu.dma_semaphore, #tpu.memory_space<semaphore_mem>>)
    %dma_start3A_93 = tpu.memref_slice %arg17[%multiple_of3A_6] : memref<10240xf32, #tpu.memory_space<vmem_shared>> -> memref<640xf32, #tpu.memory_space<vmem_shared>>
    %dma_start3A_94 = tpu.memref_slice %arg17[%multiple_of3A_6] : memref<10240xf32, #tpu.memory_space<vmem_shared>> -> memref<640xf32, #tpu.memory_space<vmem_shared>>
    tpu.enqueue_dma source(%arg14 : memref<640xf32, #tpu.memory_space<vmem>>) target(%dma_start3A_94 : memref<640xf32, #tpu.memory_space<vmem_shared>>) target_semaphore(%arg19 : memref<!tpu.dma_semaphore, #tpu.memory_space<semaphore_mem>>)
    %dma_start3A_95 = arith.constant 0 : i32
    %dma_start3A_96 = arith.constant 0 : i32
    %dma_start3A_97 = arith.constant 0 : i32
    %dma_start3A_98 = tpu.memref_slice %arg2[%add3A, %dma_start3A_95, %dma_start3A_96, %dma_start3A_97] : memref<32x5x25x80xi32, #tpu.memory_space<hbm>> -> memref<1x1x25x80xi32, #tpu.memory_space<hbm>>
    %dma_start3A_99 = tpu.memref_squeeze %dma_start3A_98 : memref<1x1x25x80xi32, #tpu.memory_space<hbm>> -> memref<25x80xi32, #tpu.memory_space<hbm>>
    %dma_start3A_100 = arith.constant 0 : i32
    %dma_start3A_101 = arith.constant 0 : i32
    %dma_start3A_102 = tpu.memref_slice %arg2[%add3A, %dma_start3A_95, %dma_start3A_100, %dma_start3A_101] : memref<32x5x25x80xi32, #tpu.memory_space<hbm>> -> memref<1x1x25x80xi32, #tpu.memory_space<hbm>>
    %dma_start3A_103 = tpu.memref_squeeze %dma_start3A_102 : memref<1x1x25x80xi32, #tpu.memory_space<hbm>> -> memref<25x80xi32, #tpu.memory_space<hbm>>
    tpu.enqueue_dma source(%dma_start3A_103 : memref<25x80xi32, #tpu.memory_space<hbm>>) target(%arg8 : memref<25x80xi32, #tpu.memory_space<vmem>>) target_semaphore(%arg20 : memref<!tpu.dma_semaphore, #tpu.memory_space<semaphore_mem>>)
    %dma_start3A_104 = arith.constant 0 : i32
    %dma_start3A_105 = arith.constant 0 : i32
    %dma_start3A_106 = arith.constant 0 : i32
    %dma_start3A_107 = tpu.memref_slice %arg3[%add3A, %dma_start3A_104, %dma_start3A_105, %dma_start3A_106] : memref<32x5x25x80xi32, #tpu.memory_space<hbm>> -> memref<1x1x25x80xi32, #tpu.memory_space<hbm>>
    %dma_start3A_108 = tpu.memref_squeeze %dma_start3A_107 : memref<1x1x25x80xi32, #tpu.memory_space<hbm>> -> memref<25x80xi32, #tpu.memory_space<hbm>>
    %dma_start3A_109 = arith.constant 0 : i32
    %dma_start3A_110 = arith.constant 0 : i32
    %dma_start3A_111 = tpu.memref_slice %arg3[%add3A, %dma_start3A_104, %dma_start3A_109, %dma_start3A_110] : memref<32x5x25x80xi32, #tpu.memory_space<hbm>> -> memref<1x1x25x80xi32, #tpu.memory_space<hbm>>
    %dma_start3A_112 = tpu.memref_squeeze %dma_start3A_111 : memref<1x1x25x80xi32, #tpu.memory_space<hbm>> -> memref<25x80xi32, #tpu.memory_space<hbm>>
    tpu.enqueue_dma source(%dma_start3A_112 : memref<25x80xi32, #tpu.memory_space<hbm>>) target(%arg9 : memref<25x80xi32, #tpu.memory_space<vmem>>) target_semaphore(%arg20 : memref<!tpu.dma_semaphore, #tpu.memory_space<semaphore_mem>>)
    %dma_wait3A = arith.constant 0 : i32
    %dma_wait3A_113 = tpu.memref_slice %arg16[%add3A_8, %dma_wait3A] : memref<10016x128xf32, #tpu.memory_space<vmem_shared>> -> memref<80x128xf32, #tpu.memory_space<vmem_shared>>
    %dma_wait3A_114 = arith.constant 0 : i32
    %dma_wait3A_115 = tpu.memref_slice %arg16[%add3A_8, %dma_wait3A_114] : memref<10016x128xf32, #tpu.memory_space<vmem_shared>> -> memref<80x128xf32, #tpu.memory_space<vmem_shared>>
    tpu.wait_dma2 semaphore(%arg18 : memref<!tpu.dma_semaphore, #tpu.memory_space<semaphore_mem>>) src(%arg12 : memref<80x128xf32, #tpu.memory_space<vmem>>) dst(%dma_wait3A_115 : memref<80x128xf32, #tpu.memory_space<vmem_shared>>)
    %dma_wait3A_116 = arith.constant 0 : i32
    %dma_wait3A_117 = tpu.memref_slice %arg16[%add3A_10, %dma_wait3A_116] : memref<10016x128xf32, #tpu.memory_space<vmem_shared>> -> memref<80x128xf32, #tpu.memory_space<vmem_shared>>
    %dma_wait3A_118 = arith.constant 0 : i32
    %dma_wait3A_119 = tpu.memref_slice %arg16[%add3A_10, %dma_wait3A_118] : memref<10016x128xf32, #tpu.memory_space<vmem_shared>> -> memref<80x128xf32, #tpu.memory_space<vmem_shared>>
    tpu.wait_dma2 semaphore(%arg18 : memref<!tpu.dma_semaphore, #tpu.memory_space<semaphore_mem>>) src(%arg12 : memref<80x128xf32, #tpu.memory_space<vmem>>) dst(%dma_wait3A_119 : memref<80x128xf32, #tpu.memory_space<vmem_shared>>)
    %dma_wait3A_120 = arith.constant 0 : i32
    %dma_wait3A_121 = tpu.memref_slice %arg16[%add3A_12, %dma_wait3A_120] : memref<10016x128xf32, #tpu.memory_space<vmem_shared>> -> memref<80x128xf32, #tpu.memory_space<vmem_shared>>
    %dma_wait3A_122 = arith.constant 0 : i32
    %dma_wait3A_123 = tpu.memref_slice %arg16[%add3A_12, %dma_wait3A_122] : memref<10016x128xf32, #tpu.memory_space<vmem_shared>> -> memref<80x128xf32, #tpu.memory_space<vmem_shared>>
    tpu.wait_dma2 semaphore(%arg18 : memref<!tpu.dma_semaphore, #tpu.memory_space<semaphore_mem>>) src(%arg12 : memref<80x128xf32, #tpu.memory_space<vmem>>) dst(%dma_wait3A_123 : memref<80x128xf32, #tpu.memory_space<vmem_shared>>)
    %dma_wait3A_124 = arith.constant 0 : i32
    %dma_wait3A_125 = tpu.memref_slice %arg16[%add3A_14, %dma_wait3A_124] : memref<10016x128xf32, #tpu.memory_space<vmem_shared>> -> memref<80x128xf32, #tpu.memory_space<vmem_shared>>
    %dma_wait3A_126 = arith.constant 0 : i32
    %dma_wait3A_127 = tpu.memref_slice %arg16[%add3A_14, %dma_wait3A_126] : memref<10016x128xf32, #tpu.memory_space<vmem_shared>> -> memref<80x128xf32, #tpu.memory_space<vmem_shared>>
    tpu.wait_dma2 semaphore(%arg18 : memref<!tpu.dma_semaphore, #tpu.memory_space<semaphore_mem>>) src(%arg12 : memref<80x128xf32, #tpu.memory_space<vmem>>) dst(%dma_wait3A_127 : memref<80x128xf32, #tpu.memory_space<vmem_shared>>)
    %dma_wait3A_128 = arith.constant 0 : i32
    %dma_wait3A_129 = tpu.memref_slice %arg16[%add3A_16, %dma_wait3A_128] : memref<10016x128xf32, #tpu.memory_space<vmem_shared>> -> memref<80x128xf32, #tpu.memory_space<vmem_shared>>
    %dma_wait3A_130 = arith.constant 0 : i32
    %dma_wait3A_131 = tpu.memref_slice %arg16[%add3A_16, %dma_wait3A_130] : memref<10016x128xf32, #tpu.memory_space<vmem_shared>> -> memref<80x128xf32, #tpu.memory_space<vmem_shared>>
    tpu.wait_dma2 semaphore(%arg18 : memref<!tpu.dma_semaphore, #tpu.memory_space<semaphore_mem>>) src(%arg12 : memref<80x128xf32, #tpu.memory_space<vmem>>) dst(%dma_wait3A_131 : memref<80x128xf32, #tpu.memory_space<vmem_shared>>)
    %dma_wait3A_132 = arith.constant 0 : i32
    %dma_wait3A_133 = tpu.memref_slice %arg16[%add3A_18, %dma_wait3A_132] : memref<10016x128xf32, #tpu.memory_space<vmem_shared>> -> memref<80x128xf32, #tpu.memory_space<vmem_shared>>
    %dma_wait3A_134 = arith.constant 0 : i32
    %dma_wait3A_135 = tpu.memref_slice %arg16[%add3A_18, %dma_wait3A_134] : memref<10016x128xf32, #tpu.memory_space<vmem_shared>> -> memref<80x128xf32, #tpu.memory_space<vmem_shared>>
    tpu.wait_dma2 semaphore(%arg18 : memref<!tpu.dma_semaphore, #tpu.memory_space<semaphore_mem>>) src(%arg12 : memref<80x128xf32, #tpu.memory_space<vmem>>) dst(%dma_wait3A_135 : memref<80x128xf32, #tpu.memory_space<vmem_shared>>)
    %dma_wait3A_136 = arith.constant 0 : i32
    %dma_wait3A_137 = tpu.memref_slice %arg16[%add3A_20, %dma_wait3A_136] : memref<10016x128xf32, #tpu.memory_space<vmem_shared>> -> memref<80x128xf32, #tpu.memory_space<vmem_shared>>
    %dma_wait3A_138 = arith.constant 0 : i32
    %dma_wait3A_139 = tpu.memref_slice %arg16[%add3A_20, %dma_wait3A_138] : memref<10016x128xf32, #tpu.memory_space<vmem_shared>> -> memref<80x128xf32, #tpu.memory_space<vmem_shared>>
    tpu.wait_dma2 semaphore(%arg18 : memref<!tpu.dma_semaphore, #tpu.memory_space<semaphore_mem>>) src(%arg12 : memref<80x128xf32, #tpu.memory_space<vmem>>) dst(%dma_wait3A_139 : memref<80x128xf32, #tpu.memory_space<vmem_shared>>)
    %dma_wait3A_140 = arith.constant 0 : i32
    %dma_wait3A_141 = tpu.memref_slice %arg16[%add3A_22, %dma_wait3A_140] : memref<10016x128xf32, #tpu.memory_space<vmem_shared>> -> memref<80x128xf32, #tpu.memory_space<vmem_shared>>
    %dma_wait3A_142 = arith.constant 0 : i32
    %dma_wait3A_143 = tpu.memref_slice %arg16[%add3A_22, %dma_wait3A_142] : memref<10016x128xf32, #tpu.memory_space<vmem_shared>> -> memref<80x128xf32, #tpu.memory_space<vmem_shared>>
    tpu.wait_dma2 semaphore(%arg18 : memref<!tpu.dma_semaphore, #tpu.memory_space<semaphore_mem>>) src(%arg12 : memref<80x128xf32, #tpu.memory_space<vmem>>) dst(%dma_wait3A_143 : memref<80x128xf32, #tpu.memory_space<vmem_shared>>)
    %dma_wait3A_144 = tpu.memref_slice %arg17[%multiple_of3A_6] : memref<10240xf32, #tpu.memory_space<vmem_shared>> -> memref<640xf32, #tpu.memory_space<vmem_shared>>
    %dma_wait3A_145 = tpu.memref_slice %arg17[%multiple_of3A_6] : memref<10240xf32, #tpu.memory_space<vmem_shared>> -> memref<640xf32, #tpu.memory_space<vmem_shared>>
    tpu.wait_dma2 semaphore(%arg19 : memref<!tpu.dma_semaphore, #tpu.memory_space<semaphore_mem>>) src(%arg14 : memref<640xf32, #tpu.memory_space<vmem>>) dst(%dma_wait3A_145 : memref<640xf32, #tpu.memory_space<vmem_shared>>)
    %barrier3A = arith.constant 0 : index
    tpu.barrier barrier_id(%barrier3A)
    %dma_wait3A_146 = arith.constant 0 : i32
    %dma_wait3A_147 = arith.constant 0 : i32
    %dma_wait3A_148 = arith.constant 0 : i32
    %dma_wait3A_149 = tpu.memref_slice %arg2[%add3A, %dma_wait3A_146, %dma_wait3A_147, %dma_wait3A_148] : memref<32x5x25x80xi32, #tpu.memory_space<hbm>> -> memref<1x1x25x80xi32, #tpu.memory_space<hbm>>
    %dma_wait3A_150 = tpu.memref_squeeze %dma_wait3A_149 : memref<1x1x25x80xi32, #tpu.memory_space<hbm>> -> memref<25x80xi32, #tpu.memory_space<hbm>>
    %dma_wait3A_151 = arith.constant 0 : i32
    %dma_wait3A_152 = arith.constant 0 : i32
    %dma_wait3A_153 = tpu.memref_slice %arg2[%add3A, %dma_wait3A_146, %dma_wait3A_151, %dma_wait3A_152] : memref<32x5x25x80xi32, #tpu.memory_space<hbm>> -> memref<1x1x25x80xi32, #tpu.memory_space<hbm>>
    %dma_wait3A_154 = tpu.memref_squeeze %dma_wait3A_153 : memref<1x1x25x80xi32, #tpu.memory_space<hbm>> -> memref<25x80xi32, #tpu.memory_space<hbm>>
    tpu.wait_dma2 semaphore(%arg20 : memref<!tpu.dma_semaphore, #tpu.memory_space<semaphore_mem>>) src(%dma_wait3A_154 : memref<25x80xi32, #tpu.memory_space<hbm>>) dst(%arg8 : memref<25x80xi32, #tpu.memory_space<vmem>>)
    %dma_wait3A_155 = arith.constant 0 : i32
    %dma_wait3A_156 = arith.constant 0 : i32
    %dma_wait3A_157 = arith.constant 0 : i32
    %dma_wait3A_158 = tpu.memref_slice %arg3[%add3A, %dma_wait3A_155, %dma_wait3A_156, %dma_wait3A_157] : memref<32x5x25x80xi32, #tpu.memory_space<hbm>> -> memref<1x1x25x80xi32, #tpu.memory_space<hbm>>
    %dma_wait3A_159 = tpu.memref_squeeze %dma_wait3A_158 : memref<1x1x25x80xi32, #tpu.memory_space<hbm>> -> memref<25x80xi32, #tpu.memory_space<hbm>>
    %dma_wait3A_160 = arith.constant 0 : i32
    %dma_wait3A_161 = arith.constant 0 : i32
    %dma_wait3A_162 = tpu.memref_slice %arg3[%add3A, %dma_wait3A_155, %dma_wait3A_160, %dma_wait3A_161] : memref<32x5x25x80xi32, #tpu.memory_space<hbm>> -> memref<1x1x25x80xi32, #tpu.memory_space<hbm>>
    %dma_wait3A_163 = tpu.memref_squeeze %dma_wait3A_162 : memref<1x1x25x80xi32, #tpu.memory_space<hbm>> -> memref<25x80xi32, #tpu.memory_space<hbm>>
    tpu.wait_dma2 semaphore(%arg20 : memref<!tpu.dma_semaphore, #tpu.memory_space<semaphore_mem>>) src(%dma_wait3A_163 : memref<25x80xi32, #tpu.memory_space<hbm>>) dst(%arg9 : memref<25x80xi32, #tpu.memory_space<vmem>>)
    %dma_start3A_164 = arith.constant 1 : i32
    %dma_start3A_165 = arith.constant 0 : i32
    %dma_start3A_166 = arith.constant 0 : i32
    %dma_start3A_167 = tpu.memref_slice %arg2[%add3A, %dma_start3A_164, %dma_start3A_165, %dma_start3A_166] : memref<32x5x25x80xi32, #tpu.memory_space<hbm>> -> memref<1x1x25x80xi32, #tpu.memory_space<hbm>>
    %dma_start3A_168 = tpu.memref_squeeze %dma_start3A_167 : memref<1x1x25x80xi32, #tpu.memory_space<hbm>> -> memref<25x80xi32, #tpu.memory_space<hbm>>
    %dma_start3A_169 = arith.constant 0 : i32
    %dma_start3A_170 = arith.constant 0 : i32
    %dma_start3A_171 = tpu.memref_slice %arg2[%add3A, %dma_start3A_164, %dma_start3A_169, %dma_start3A_170] : memref<32x5x25x80xi32, #tpu.memory_space<hbm>> -> memref<1x1x25x80xi32, #tpu.memory_space<hbm>>
    %dma_start3A_172 = tpu.memref_squeeze %dma_start3A_171 : memref<1x1x25x80xi32, #tpu.memory_space<hbm>> -> memref<25x80xi32, #tpu.memory_space<hbm>>
    tpu.enqueue_dma source(%dma_start3A_172 : memref<25x80xi32, #tpu.memory_space<hbm>>) target(%arg10 : memref<25x80xi32, #tpu.memory_space<vmem>>) target_semaphore(%arg20 : memref<!tpu.dma_semaphore, #tpu.memory_space<semaphore_mem>>)
    %dma_start3A_173 = arith.constant 1 : i32
    %dma_start3A_174 = arith.constant 0 : i32
    %dma_start3A_175 = arith.constant 0 : i32
    %dma_start3A_176 = tpu.memref_slice %arg3[%add3A, %dma_start3A_173, %dma_start3A_174, %dma_start3A_175] : memref<32x5x25x80xi32, #tpu.memory_space<hbm>> -> memref<1x1x25x80xi32, #tpu.memory_space<hbm>>
    %dma_start3A_177 = tpu.memref_squeeze %dma_start3A_176 : memref<1x1x25x80xi32, #tpu.memory_space<hbm>> -> memref<25x80xi32, #tpu.memory_space<hbm>>
    %dma_start3A_178 = arith.constant 0 : i32
    %dma_start3A_179 = arith.constant 0 : i32
    %dma_start3A_180 = tpu.memref_slice %arg3[%add3A, %dma_start3A_173, %dma_start3A_178, %dma_start3A_179] : memref<32x5x25x80xi32, #tpu.memory_space<hbm>> -> memref<1x1x25x80xi32, #tpu.memory_space<hbm>>
    %dma_start3A_181 = tpu.memref_squeeze %dma_start3A_180 : memref<1x1x25x80xi32, #tpu.memory_space<hbm>> -> memref<25x80xi32, #tpu.memory_space<hbm>>
    tpu.enqueue_dma source(%dma_start3A_181 : memref<25x80xi32, #tpu.memory_space<hbm>>) target(%arg11 : memref<25x80xi32, #tpu.memory_space<vmem>>) target_semaphore(%arg20 : memref<!tpu.dma_semaphore, #tpu.memory_space<semaphore_mem>>)
    %dma_start3A_182 = arith.constant 0 : i32
    %dma_start3A_183 = arith.constant 0 : i32
    %dma_start3A_184 = tpu.memref_slice %arg8[%dma_start3A_182, %dma_start3A_183] : memref<25x80xi32, #tpu.memory_space<vmem>> -> memref<1x80xi32, #tpu.memory_space<vmem>>
    %dma_start3A_185 = tpu.memref_squeeze %dma_start3A_184 : memref<1x80xi32, #tpu.memory_space<vmem>> -> memref<80xi32, #tpu.memory_space<vmem>>
    %dma_start3A_186 = arith.constant 0 : i32
    %dma_start3A_187 = arith.constant 0 : i32
    %dma_start3A_188 = tpu.memref_slice %arg4[%dma_start3A_186, %dma_start3A_187] : memref<10000x128xf32, #tpu.memory_space<hbm>> -> memref<10000x128xf32, #tpu.memory_space<hbm>>
    tpu.enqueue_indirect_dma source(%dma_start3A_188 : memref<10000x128xf32, #tpu.memory_space<hbm>>) target(%arg12 : memref<80x128xf32, #tpu.memory_space<vmem>>) offsets(%dma_start3A_185 : memref<80xi32, #tpu.memory_space<vmem>>) semaphore(%arg18 : memref<!tpu.dma_semaphore, #tpu.memory_space<semaphore_mem>>)
    %scan3A_189 = arith.constant 0 : i32
    %scan3A_190 = arith.constant 0 : i32
    %scan3A_191 = arith.constant 12 : i32
    %scan3A_192 = arith.addi %scan3A_190, %scan3A_191 : i32
    %scan3A_193 = arith.constant 1 : i32
    scf.for %scan3A_585 = %scan3A_190 to %scan3A_192 step %scan3A_193  : i32 {
      %mul3A_586 = arith.constant 2 : i32
      %mul3A_587 = arith.muli %mul3A_586, %scan3A_585 : i32
      %add3A_588 = arith.constant 1 : i32
      %add3A_589 = arith.addi %mul3A_587, %add3A_588 : i32
      %dma_start3A_590 = arith.constant 0 : i32
      %dma_start3A_591 = tpu.memref_slice %arg8[%add3A_589, %dma_start3A_590] : memref<25x80xi32, #tpu.memory_space<vmem>> -> memref<1x80xi32, #tpu.memory_space<vmem>>
      %dma_start3A_592 = tpu.memref_squeeze %dma_start3A_591 : memref<1x80xi32, #tpu.memory_space<vmem>> -> memref<80xi32, #tpu.memory_space<vmem>>
      %dma_start3A_593 = arith.constant 0 : i32
      %dma_start3A_594 = arith.constant 0 : i32
      %dma_start3A_595 = tpu.memref_slice %arg4[%dma_start3A_593, %dma_start3A_594] : memref<10000x128xf32, #tpu.memory_space<hbm>> -> memref<10000x128xf32, #tpu.memory_space<hbm>>
      tpu.enqueue_indirect_dma source(%dma_start3A_595 : memref<10000x128xf32, #tpu.memory_space<hbm>>) target(%arg13 : memref<80x128xf32, #tpu.memory_space<vmem>>) offsets(%dma_start3A_592 : memref<80xi32, #tpu.memory_space<vmem>>) semaphore(%arg19 : memref<!tpu.dma_semaphore, #tpu.memory_space<semaphore_mem>>)
      %dma_wait3A_596 = arith.constant 0 : i32
      %dma_wait3A_597 = tpu.memref_slice %arg8[%mul3A_587, %dma_wait3A_596] : memref<25x80xi32, #tpu.memory_space<vmem>> -> memref<1x80xi32, #tpu.memory_space<vmem>>
      %dma_wait3A_598 = tpu.memref_squeeze %dma_wait3A_597 : memref<1x80xi32, #tpu.memory_space<vmem>> -> memref<80xi32, #tpu.memory_space<vmem>>
      %dma_wait3A_599 = arith.constant 0 : i32
      %dma_wait3A_600 = arith.constant 0 : i32
      %dma_wait3A_601 = tpu.memref_slice %arg4[%dma_wait3A_599, %dma_wait3A_600] : memref<10000x128xf32, #tpu.memory_space<hbm>> -> memref<10000x128xf32, #tpu.memory_space<hbm>>
      tpu.wait_indirect_dma semaphore(%arg18 : memref<!tpu.dma_semaphore, #tpu.memory_space<semaphore_mem>>) src(%dma_wait3A_601 : memref<10000x128xf32, #tpu.memory_space<hbm>>) dst(%arg12 : memref<80x128xf32, #tpu.memory_space<vmem>>)
      "tpu.region"() ({
        %run_scoped3A_622 = tpu.sem_alloc : memref<!tpu.dma_semaphore, #tpu.memory_space<semaphore_mem>>
        %dma_start3A_623 = arith.constant 0 : i32
        %dma_start3A_624 = tpu.memref_slice %arg9[%mul3A_587, %dma_start3A_623] : memref<25x80xi32, #tpu.memory_space<vmem>> -> memref<1x80xi32, #tpu.memory_space<vmem>>
        %dma_start3A_625 = tpu.memref_squeeze %dma_start3A_624 : memref<1x80xi32, #tpu.memory_space<vmem>> -> memref<80xi32, #tpu.memory_space<vmem>>
        %dma_start3A_626 = arith.constant 0 : i32
        %dma_start3A_627 = arith.constant 0 : i32
        %dma_start3A_628 = tpu.memref_slice %arg16[%dma_start3A_626, %dma_start3A_627] : memref<10016x128xf32, #tpu.memory_space<vmem_shared>> -> memref<10016x128xf32, #tpu.memory_space<vmem_shared>>
        tpu.enqueue_indirect_dma source(%arg12 : memref<80x128xf32, #tpu.memory_space<vmem>>) target(%dma_start3A_628 : memref<10016x128xf32, #tpu.memory_space<vmem_shared>>) offsets(%dma_start3A_625 : memref<80xi32, #tpu.memory_space<vmem>>) semaphore(%run_scoped3A_622 : memref<!tpu.dma_semaphore, #tpu.memory_space<semaphore_mem>>) {add = true}
        %dma_wait3A_629 = arith.constant 0 : i32
        %dma_wait3A_630 = tpu.memref_slice %arg9[%mul3A_587, %dma_wait3A_629] : memref<25x80xi32, #tpu.memory_space<vmem>> -> memref<1x80xi32, #tpu.memory_space<vmem>>
        %dma_wait3A_631 = tpu.memref_squeeze %dma_wait3A_630 : memref<1x80xi32, #tpu.memory_space<vmem>> -> memref<80xi32, #tpu.memory_space<vmem>>
        %dma_wait3A_632 = arith.constant 0 : i32
        %dma_wait3A_633 = arith.constant 0 : i32
        %dma_wait3A_634 = tpu.memref_slice %arg16[%dma_wait3A_632, %dma_wait3A_633] : memref<10016x128xf32, #tpu.memory_space<vmem_shared>> -> memref<10016x128xf32, #tpu.memory_space<vmem_shared>>
        tpu.wait_indirect_dma semaphore(%run_scoped3A_622 : memref<!tpu.dma_semaphore, #tpu.memory_space<semaphore_mem>>) src(%arg12 : memref<80x128xf32, #tpu.memory_space<vmem>>) dst(%dma_wait3A_634 : memref<10016x128xf32, #tpu.memory_space<vmem_shared>>)
        tpu.yield
      }) : () -> ()
      "tpu.region"() ({
        %run_scoped3A_622 = tpu.sem_alloc : memref<!tpu.dma_semaphore, #tpu.memory_space<semaphore_mem>>
        %dma_start3A_623 = arith.constant 0 : i32
        %dma_start3A_624 = tpu.memref_slice %arg9[%mul3A_587, %dma_start3A_623] : memref<25x80xi32, #tpu.memory_space<vmem>> -> memref<1x80xi32, #tpu.memory_space<vmem>>
        %dma_start3A_625 = tpu.memref_squeeze %dma_start3A_624 : memref<1x80xi32, #tpu.memory_space<vmem>> -> memref<80xi32, #tpu.memory_space<vmem>>
        %dma_start3A_626 = arith.constant 0 : i32
        %dma_start3A_627 = tpu.memref_slice %arg17[%dma_start3A_626] : memref<10240xf32, #tpu.memory_space<vmem_shared>> -> memref<10240xf32, #tpu.memory_space<vmem_shared>>
        tpu.enqueue_indirect_dma source(%arg15 : memref<80xf32, #tpu.memory_space<vmem>>) target(%dma_start3A_627 : memref<10240xf32, #tpu.memory_space<vmem_shared>>) offsets(%dma_start3A_625 : memref<80xi32, #tpu.memory_space<vmem>>) semaphore(%run_scoped3A_622 : memref<!tpu.dma_semaphore, #tpu.memory_space<semaphore_mem>>) {add = true}
        %dma_wait3A_628 = arith.constant 0 : i32
        %dma_wait3A_629 = tpu.memref_slice %arg9[%mul3A_587, %dma_wait3A_628] : memref<25x80xi32, #tpu.memory_space<vmem>> -> memref<1x80xi32, #tpu.memory_space<vmem>>
        %dma_wait3A_630 = tpu.memref_squeeze %dma_wait3A_629 : memref<1x80xi32, #tpu.memory_space<vmem>> -> memref<80xi32, #tpu.memory_space<vmem>>
        %dma_wait3A_631 = arith.constant 0 : i32
        %dma_wait3A_632 = tpu.memref_slice %arg17[%dma_wait3A_631] : memref<10240xf32, #tpu.memory_space<vmem_shared>> -> memref<10240xf32, #tpu.memory_space<vmem_shared>>
        tpu.wait_indirect_dma semaphore(%run_scoped3A_622 : memref<!tpu.dma_semaphore, #tpu.memory_space<semaphore_mem>>) src(%arg15 : memref<80xf32, #tpu.memory_space<vmem>>) dst(%dma_wait3A_632 : memref<10240xf32, #tpu.memory_space<vmem_shared>>)
        tpu.yield
      }) : () -> ()
      %add3A_602 = arith.constant 2 : i32
      %add3A_603 = arith.addi %mul3A_587, %add3A_602 : i32
      %dma_start3A_604 = arith.constant 0 : i32
      %dma_start3A_605 = tpu.memref_slice %arg8[%add3A_603, %dma_start3A_604] : memref<25x80xi32, #tpu.memory_space<vmem>> -> memref<1x80xi32, #tpu.memory_space<vmem>>
      %dma_start3A_606 = tpu.memref_squeeze %dma_start3A_605 : memref<1x80xi32, #tpu.memory_space<vmem>> -> memref<80xi32, #tpu.memory_space<vmem>>
      %dma_start3A_607 = arith.constant 0 : i32
      %dma_start3A_608 = arith.constant 0 : i32
      %dma_start3A_609 = tpu.memref_slice %arg4[%dma_start3A_607, %dma_start3A_608] : memref<10000x128xf32, #tpu.memory_space<hbm>> -> memref<10000x128xf32, #tpu.memory_space<hbm>>
      tpu.enqueue_indirect_dma source(%dma_start3A_609 : memref<10000x128xf32, #tpu.memory_space<hbm>>) target(%arg12 : memref<80x128xf32, #tpu.memory_space<vmem>>) offsets(%dma_start3A_606 : memref<80xi32, #tpu.memory_space<vmem>>) semaphore(%arg18 : memref<!tpu.dma_semaphore, #tpu.memory_space<semaphore_mem>>)
      %add3A_610 = arith.constant 1 : i32
      %add3A_611 = arith.addi %mul3A_587, %add3A_610 : i32
      %dma_wait3A_612 = arith.constant 0 : i32
      %dma_wait3A_613 = tpu.memref_slice %arg8[%add3A_611, %dma_wait3A_612] : memref<25x80xi32, #tpu.memory_space<vmem>> -> memref<1x80xi32, #tpu.memory_space<vmem>>
      %dma_wait3A_614 = tpu.memref_squeeze %dma_wait3A_613 : memref<1x80xi32, #tpu.memory_space<vmem>> -> memref<80xi32, #tpu.memory_space<vmem>>
      %dma_wait3A_615 = arith.constant 0 : i32
      %dma_wait3A_616 = arith.constant 0 : i32
      %dma_wait3A_617 = tpu.memref_slice %arg4[%dma_wait3A_615, %dma_wait3A_616] : memref<10000x128xf32, #tpu.memory_space<hbm>> -> memref<10000x128xf32, #tpu.memory_space<hbm>>
      tpu.wait_indirect_dma semaphore(%arg19 : memref<!tpu.dma_semaphore, #tpu.memory_space<semaphore_mem>>) src(%dma_wait3A_617 : memref<10000x128xf32, #tpu.memory_space<hbm>>) dst(%arg13 : memref<80x128xf32, #tpu.memory_space<vmem>>)
      %add3A_618 = arith.constant 1 : i32
      %add3A_619 = arith.addi %mul3A_587, %add3A_618 : i32
      "tpu.region"() ({
        %run_scoped3A_622 = tpu.sem_alloc : memref<!tpu.dma_semaphore, #tpu.memory_space<semaphore_mem>>
        %dma_start3A_623 = arith.constant 0 : i32
        %dma_start3A_624 = tpu.memref_slice %arg9[%add3A_619, %dma_start3A_623] : memref<25x80xi32, #tpu.memory_space<vmem>> -> memref<1x80xi32, #tpu.memory_space<vmem>>
        %dma_start3A_625 = tpu.memref_squeeze %dma_start3A_624 : memref<1x80xi32, #tpu.memory_space<vmem>> -> memref<80xi32, #tpu.memory_space<vmem>>
        %dma_start3A_626 = arith.constant 0 : i32
        %dma_start3A_627 = arith.constant 0 : i32
        %dma_start3A_628 = tpu.memref_slice %arg16[%dma_start3A_626, %dma_start3A_627] : memref<10016x128xf32, #tpu.memory_space<vmem_shared>> -> memref<10016x128xf32, #tpu.memory_space<vmem_shared>>
        tpu.enqueue_indirect_dma source(%arg13 : memref<80x128xf32, #tpu.memory_space<vmem>>) target(%dma_start3A_628 : memref<10016x128xf32, #tpu.memory_space<vmem_shared>>) offsets(%dma_start3A_625 : memref<80xi32, #tpu.memory_space<vmem>>) semaphore(%run_scoped3A_622 : memref<!tpu.dma_semaphore, #tpu.memory_space<semaphore_mem>>) {add = true}
        %dma_wait3A_629 = arith.constant 0 : i32
        %dma_wait3A_630 = tpu.memref_slice %arg9[%add3A_619, %dma_wait3A_629] : memref<25x80xi32, #tpu.memory_space<vmem>> -> memref<1x80xi32, #tpu.memory_space<vmem>>
        %dma_wait3A_631 = tpu.memref_squeeze %dma_wait3A_630 : memref<1x80xi32, #tpu.memory_space<vmem>> -> memref<80xi32, #tpu.memory_space<vmem>>
        %dma_wait3A_632 = arith.constant 0 : i32
        %dma_wait3A_633 = arith.constant 0 : i32
        %dma_wait3A_634 = tpu.memref_slice %arg16[%dma_wait3A_632, %dma_wait3A_633] : memref<10016x128xf32, #tpu.memory_space<vmem_shared>> -> memref<10016x128xf32, #tpu.memory_space<vmem_shared>>
        tpu.wait_indirect_dma semaphore(%run_scoped3A_622 : memref<!tpu.dma_semaphore, #tpu.memory_space<semaphore_mem>>) src(%arg13 : memref<80x128xf32, #tpu.memory_space<vmem>>) dst(%dma_wait3A_634 : memref<10016x128xf32, #tpu.memory_space<vmem_shared>>)
        tpu.yield
      }) : () -> ()
      %add3A_620 = arith.constant 1 : i32
      %add3A_621 = arith.addi %mul3A_587, %add3A_620 : i32
      "tpu.region"() ({
        %run_scoped3A_622 = tpu.sem_alloc : memref<!tpu.dma_semaphore, #tpu.memory_space<semaphore_mem>>
        %dma_start3A_623 = arith.constant 0 : i32
        %dma_start3A_624 = tpu.memref_slice %arg9[%add3A_621, %dma_start3A_623] : memref<25x80xi32, #tpu.memory_space<vmem>> -> memref<1x80xi32, #tpu.memory_space<vmem>>
        %dma_start3A_625 = tpu.memref_squeeze %dma_start3A_624 : memref<1x80xi32, #tpu.memory_space<vmem>> -> memref<80xi32, #tpu.memory_space<vmem>>
        %dma_start3A_626 = arith.constant 0 : i32
        %dma_start3A_627 = tpu.memref_slice %arg17[%dma_start3A_626] : memref<10240xf32, #tpu.memory_space<vmem_shared>> -> memref<10240xf32, #tpu.memory_space<vmem_shared>>
        tpu.enqueue_indirect_dma source(%arg15 : memref<80xf32, #tpu.memory_space<vmem>>) target(%dma_start3A_627 : memref<10240xf32, #tpu.memory_space<vmem_shared>>) offsets(%dma_start3A_625 : memref<80xi32, #tpu.memory_space<vmem>>) semaphore(%run_scoped3A_622 : memref<!tpu.dma_semaphore, #tpu.memory_space<semaphore_mem>>) {add = true}
        %dma_wait3A_628 = arith.constant 0 : i32
        %dma_wait3A_629 = tpu.memref_slice %arg9[%add3A_621, %dma_wait3A_628] : memref<25x80xi32, #tpu.memory_space<vmem>> -> memref<1x80xi32, #tpu.memory_space<vmem>>
        %dma_wait3A_630 = tpu.memref_squeeze %dma_wait3A_629 : memref<1x80xi32, #tpu.memory_space<vmem>> -> memref<80xi32, #tpu.memory_space<vmem>>
        %dma_wait3A_631 = arith.constant 0 : i32
        %dma_wait3A_632 = tpu.memref_slice %arg17[%dma_wait3A_631] : memref<10240xf32, #tpu.memory_space<vmem_shared>> -> memref<10240xf32, #tpu.memory_space<vmem_shared>>
        tpu.wait_indirect_dma semaphore(%run_scoped3A_622 : memref<!tpu.dma_semaphore, #tpu.memory_space<semaphore_mem>>) src(%arg15 : memref<80xf32, #tpu.memory_space<vmem>>) dst(%dma_wait3A_632 : memref<10240xf32, #tpu.memory_space<vmem_shared>>)
        tpu.yield
      }) : () -> ()
    }
    %scan3A_194 = arith.constant 12 : i32
    %dma_wait3A_195 = arith.constant 24 : i32
    %dma_wait3A_196 = arith.constant 0 : i32
    %dma_wait3A_197 = tpu.memref_slice %arg8[%dma_wait3A_195, %dma_wait3A_196] : memref<25x80xi32, #tpu.memory_space<vmem>> -> memref<1x80xi32, #tpu.memory_space<vmem>>
    %dma_wait3A_198 = tpu.memref_squeeze %dma_wait3A_197 : memref<1x80xi32, #tpu.memory_space<vmem>> -> memref<80xi32, #tpu.memory_space<vmem>>
    %dma_wait3A_199 = arith.constant 0 : i32
    %dma_wait3A_200 = arith.constant 0 : i32
    %dma_wait3A_201 = tpu.memref_slice %arg4[%dma_wait3A_199, %dma_wait3A_200] : memref<10000x128xf32, #tpu.memory_space<hbm>> -> memref<10000x128xf32, #tpu.memory_space<hbm>>
    tpu.wait_indirect_dma semaphore(%arg18 : memref<!tpu.dma_semaphore, #tpu.memory_space<semaphore_mem>>) src(%dma_wait3A_201 : memref<10000x128xf32, #tpu.memory_space<hbm>>) dst(%arg12 : memref<80x128xf32, #tpu.memory_space<vmem>>)
    %run_scoped3A = arith.constant 24 : i32
    "tpu.region"() ({
      %run_scoped3A_585 = tpu.sem_alloc : memref<!tpu.dma_semaphore, #tpu.memory_space<semaphore_mem>>
      %dma_start3A_586 = arith.constant 0 : i32
      %dma_start3A_587 = tpu.memref_slice %arg9[%run_scoped3A, %dma_start3A_586] : memref<25x80xi32, #tpu.memory_space<vmem>> -> memref<1x80xi32, #tpu.memory_space<vmem>>
      %dma_start3A_588 = tpu.memref_squeeze %dma_start3A_587 : memref<1x80xi32, #tpu.memory_space<vmem>> -> memref<80xi32, #tpu.memory_space<vmem>>
      %dma_start3A_589 = arith.constant 0 : i32
      %dma_start3A_590 = arith.constant 0 : i32
      %dma_start3A_591 = tpu.memref_slice %arg16[%dma_start3A_589, %dma_start3A_590] : memref<10016x128xf32, #tpu.memory_space<vmem_shared>> -> memref<10016x128xf32, #tpu.memory_space<vmem_shared>>
      tpu.enqueue_indirect_dma source(%arg12 : memref<80x128xf32, #tpu.memory_space<vmem>>) target(%dma_start3A_591 : memref<10016x128xf32, #tpu.memory_space<vmem_shared>>) offsets(%dma_start3A_588 : memref<80xi32, #tpu.memory_space<vmem>>) semaphore(%run_scoped3A_585 : memref<!tpu.dma_semaphore, #tpu.memory_space<semaphore_mem>>) {add = true}
      %dma_wait3A_592 = arith.constant 0 : i32
      %dma_wait3A_593 = tpu.memref_slice %arg9[%run_scoped3A, %dma_wait3A_592] : memref<25x80xi32, #tpu.memory_space<vmem>> -> memref<1x80xi32, #tpu.memory_space<vmem>>
      %dma_wait3A_594 = tpu.memref_squeeze %dma_wait3A_593 : memref<1x80xi32, #tpu.memory_space<vmem>> -> memref<80xi32, #tpu.memory_space<vmem>>
      %dma_wait3A_595 = arith.constant 0 : i32
      %dma_wait3A_596 = arith.constant 0 : i32
      %dma_wait3A_597 = tpu.memref_slice %arg16[%dma_wait3A_595, %dma_wait3A_596] : memref<10016x128xf32, #tpu.memory_space<vmem_shared>> -> memref<10016x128xf32, #tpu.memory_space<vmem_shared>>
      tpu.wait_indirect_dma semaphore(%run_scoped3A_585 : memref<!tpu.dma_semaphore, #tpu.memory_space<semaphore_mem>>) src(%arg12 : memref<80x128xf32, #tpu.memory_space<vmem>>) dst(%dma_wait3A_597 : memref<10016x128xf32, #tpu.memory_space<vmem_shared>>)
      tpu.yield
    }) : () -> ()
    %run_scoped3A_202 = arith.constant 24 : i32
    "tpu.region"() ({
      %run_scoped3A_585 = tpu.sem_alloc : memref<!tpu.dma_semaphore, #tpu.memory_space<semaphore_mem>>
      %dma_start3A_586 = arith.constant 0 : i32
      %dma_start3A_587 = tpu.memref_slice %arg9[%run_scoped3A_202, %dma_start3A_586] : memref<25x80xi32, #tpu.memory_space<vmem>> -> memref<1x80xi32, #tpu.memory_space<vmem>>
      %dma_start3A_588 = tpu.memref_squeeze %dma_start3A_587 : memref<1x80xi32, #tpu.memory_space<vmem>> -> memref<80xi32, #tpu.memory_space<vmem>>
      %dma_start3A_589 = arith.constant 0 : i32
      %dma_start3A_590 = tpu.memref_slice %arg17[%dma_start3A_589] : memref<10240xf32, #tpu.memory_space<vmem_shared>> -> memref<10240xf32, #tpu.memory_space<vmem_shared>>
      tpu.enqueue_indirect_dma source(%arg15 : memref<80xf32, #tpu.memory_space<vmem>>) target(%dma_start3A_590 : memref<10240xf32, #tpu.memory_space<vmem_shared>>) offsets(%dma_start3A_588 : memref<80xi32, #tpu.memory_space<vmem>>) semaphore(%run_scoped3A_585 : memref<!tpu.dma_semaphore, #tpu.memory_space<semaphore_mem>>) {add = true}
      %dma_wait3A_591 = arith.constant 0 : i32
      %dma_wait3A_592 = tpu.memref_slice %arg9[%run_scoped3A_202, %dma_wait3A_591] : memref<25x80xi32, #tpu.memory_space<vmem>> -> memref<1x80xi32, #tpu.memory_space<vmem>>
      %dma_wait3A_593 = tpu.memref_squeeze %dma_wait3A_592 : memref<1x80xi32, #tpu.memory_space<vmem>> -> memref<80xi32, #tpu.memory_space<vmem>>
      %dma_wait3A_594 = arith.constant 0 : i32
      %dma_wait3A_595 = tpu.memref_slice %arg17[%dma_wait3A_594] : memref<10240xf32, #tpu.memory_space<vmem_shared>> -> memref<10240xf32, #tpu.memory_space<vmem_shared>>
      tpu.wait_indirect_dma semaphore(%run_scoped3A_585 : memref<!tpu.dma_semaphore, #tpu.memory_space<semaphore_mem>>) src(%arg15 : memref<80xf32, #tpu.memory_space<vmem>>) dst(%dma_wait3A_595 : memref<10240xf32, #tpu.memory_space<vmem_shared>>)
      tpu.yield
    }) : () -> ()
    %dma_wait3A_203 = arith.constant 1 : i32
    %dma_wait3A_204 = arith.constant 0 : i32
    %dma_wait3A_205 = arith.constant 0 : i32
    %dma_wait3A_206 = tpu.memref_slice %arg2[%add3A, %dma_wait3A_203, %dma_wait3A_204, %dma_wait3A_205] : memref<32x5x25x80xi32, #tpu.memory_space<hbm>> -> memref<1x1x25x80xi32, #tpu.memory_space<hbm>>
    %dma_wait3A_207 = tpu.memref_squeeze %dma_wait3A_206 : memref<1x1x25x80xi32, #tpu.memory_space<hbm>> -> memref<25x80xi32, #tpu.memory_space<hbm>>
    %dma_wait3A_208 = arith.constant 0 : i32
    %dma_wait3A_209 = arith.constant 0 : i32
    %dma_wait3A_210 = tpu.memref_slice %arg2[%add3A, %dma_wait3A_203, %dma_wait3A_208, %dma_wait3A_209] : memref<32x5x25x80xi32, #tpu.memory_space<hbm>> -> memref<1x1x25x80xi32, #tpu.memory_space<hbm>>
    %dma_wait3A_211 = tpu.memref_squeeze %dma_wait3A_210 : memref<1x1x25x80xi32, #tpu.memory_space<hbm>> -> memref<25x80xi32, #tpu.memory_space<hbm>>
    tpu.wait_dma2 semaphore(%arg20 : memref<!tpu.dma_semaphore, #tpu.memory_space<semaphore_mem>>) src(%dma_wait3A_211 : memref<25x80xi32, #tpu.memory_space<hbm>>) dst(%arg10 : memref<25x80xi32, #tpu.memory_space<vmem>>)
    %dma_wait3A_212 = arith.constant 1 : i32
    %dma_wait3A_213 = arith.constant 0 : i32
    %dma_wait3A_214 = arith.constant 0 : i32
    %dma_wait3A_215 = tpu.memref_slice %arg3[%add3A, %dma_wait3A_212, %dma_wait3A_213, %dma_wait3A_214] : memref<32x5x25x80xi32, #tpu.memory_space<hbm>> -> memref<1x1x25x80xi32, #tpu.memory_space<hbm>>
    %dma_wait3A_216 = tpu.memref_squeeze %dma_wait3A_215 : memref<1x1x25x80xi32, #tpu.memory_space<hbm>> -> memref<25x80xi32, #tpu.memory_space<hbm>>
    %dma_wait3A_217 = arith.constant 0 : i32
    %dma_wait3A_218 = arith.constant 0 : i32
    %dma_wait3A_219 = tpu.memref_slice %arg3[%add3A, %dma_wait3A_212, %dma_wait3A_217, %dma_wait3A_218] : memref<32x5x25x80xi32, #tpu.memory_space<hbm>> -> memref<1x1x25x80xi32, #tpu.memory_space<hbm>>
    %dma_wait3A_220 = tpu.memref_squeeze %dma_wait3A_219 : memref<1x1x25x80xi32, #tpu.memory_space<hbm>> -> memref<25x80xi32, #tpu.memory_space<hbm>>
    tpu.wait_dma2 semaphore(%arg20 : memref<!tpu.dma_semaphore, #tpu.memory_space<semaphore_mem>>) src(%dma_wait3A_220 : memref<25x80xi32, #tpu.memory_space<hbm>>) dst(%arg11 : memref<25x80xi32, #tpu.memory_space<vmem>>)
    %dma_start3A_221 = arith.constant 2 : i32
    %dma_start3A_222 = arith.constant 0 : i32
    %dma_start3A_223 = arith.constant 0 : i32
    %dma_start3A_224 = tpu.memref_slice %arg2[%add3A, %dma_start3A_221, %dma_start3A_222, %dma_start3A_223] : memref<32x5x25x80xi32, #tpu.memory_space<hbm>> -> memref<1x1x25x80xi32, #tpu.memory_space<hbm>>
    %dma_start3A_225 = tpu.memref_squeeze %dma_start3A_224 : memref<1x1x25x80xi32, #tpu.memory_space<hbm>> -> memref<25x80xi32, #tpu.memory_space<hbm>>
    %dma_start3A_226 = arith.constant 0 : i32
    %dma_start3A_227 = arith.constant 0 : i32
    %dma_start3A_228 = tpu.memref_slice %arg2[%add3A, %dma_start3A_221, %dma_start3A_226, %dma_start3A_227] : memref<32x5x25x80xi32, #tpu.memory_space<hbm>> -> memref<1x1x25x80xi32, #tpu.memory_space<hbm>>
    %dma_start3A_229 = tpu.memref_squeeze %dma_start3A_228 : memref<1x1x25x80xi32, #tpu.memory_space<hbm>> -> memref<25x80xi32, #tpu.memory_space<hbm>>
    tpu.enqueue_dma source(%dma_start3A_229 : memref<25x80xi32, #tpu.memory_space<hbm>>) target(%arg8 : memref<25x80xi32, #tpu.memory_space<vmem>>) target_semaphore(%arg20 : memref<!tpu.dma_semaphore, #tpu.memory_space<semaphore_mem>>)
    %dma_start3A_230 = arith.constant 2 : i32
    %dma_start3A_231 = arith.constant 0 : i32
    %dma_start3A_232 = arith.constant 0 : i32
    %dma_start3A_233 = tpu.memref_slice %arg3[%add3A, %dma_start3A_230, %dma_start3A_231, %dma_start3A_232] : memref<32x5x25x80xi32, #tpu.memory_space<hbm>> -> memref<1x1x25x80xi32, #tpu.memory_space<hbm>>
    %dma_start3A_234 = tpu.memref_squeeze %dma_start3A_233 : memref<1x1x25x80xi32, #tpu.memory_space<hbm>> -> memref<25x80xi32, #tpu.memory_space<hbm>>
    %dma_start3A_235 = arith.constant 0 : i32
    %dma_start3A_236 = arith.constant 0 : i32
    %dma_start3A_237 = tpu.memref_slice %arg3[%add3A, %dma_start3A_230, %dma_start3A_235, %dma_start3A_236] : memref<32x5x25x80xi32, #tpu.memory_space<hbm>> -> memref<1x1x25x80xi32, #tpu.memory_space<hbm>>
    %dma_start3A_238 = tpu.memref_squeeze %dma_start3A_237 : memref<1x1x25x80xi32, #tpu.memory_space<hbm>> -> memref<25x80xi32, #tpu.memory_space<hbm>>
    tpu.enqueue_dma source(%dma_start3A_238 : memref<25x80xi32, #tpu.memory_space<hbm>>) target(%arg9 : memref<25x80xi32, #tpu.memory_space<vmem>>) target_semaphore(%arg20 : memref<!tpu.dma_semaphore, #tpu.memory_space<semaphore_mem>>)
    %dma_start3A_239 = arith.constant 0 : i32
    %dma_start3A_240 = arith.constant 0 : i32
    %dma_start3A_241 = tpu.memref_slice %arg10[%dma_start3A_239, %dma_start3A_240] : memref<25x80xi32, #tpu.memory_space<vmem>> -> memref<1x80xi32, #tpu.memory_space<vmem>>
    %dma_start3A_242 = tpu.memref_squeeze %dma_start3A_241 : memref<1x80xi32, #tpu.memory_space<vmem>> -> memref<80xi32, #tpu.memory_space<vmem>>
    %dma_start3A_243 = arith.constant 0 : i32
    %dma_start3A_244 = arith.constant 0 : i32
    %dma_start3A_245 = tpu.memref_slice %arg4[%dma_start3A_243, %dma_start3A_244] : memref<10000x128xf32, #tpu.memory_space<hbm>> -> memref<10000x128xf32, #tpu.memory_space<hbm>>
    tpu.enqueue_indirect_dma source(%dma_start3A_245 : memref<10000x128xf32, #tpu.memory_space<hbm>>) target(%arg12 : memref<80x128xf32, #tpu.memory_space<vmem>>) offsets(%dma_start3A_242 : memref<80xi32, #tpu.memory_space<vmem>>) semaphore(%arg18 : memref<!tpu.dma_semaphore, #tpu.memory_space<semaphore_mem>>)
    %scan3A_246 = arith.constant 0 : i32
    %scan3A_247 = arith.constant 0 : i32
    %scan3A_248 = arith.constant 12 : i32
    %scan3A_249 = arith.addi %scan3A_247, %scan3A_248 : i32
    %scan3A_250 = arith.constant 1 : i32
    scf.for %scan3A_585 = %scan3A_247 to %scan3A_249 step %scan3A_250  : i32 {
      %mul3A_586 = arith.constant 2 : i32
      %mul3A_587 = arith.muli %mul3A_586, %scan3A_585 : i32
      %add3A_588 = arith.constant 1 : i32
      %add3A_589 = arith.addi %mul3A_587, %add3A_588 : i32
      %dma_start3A_590 = arith.constant 0 : i32
      %dma_start3A_591 = tpu.memref_slice %arg10[%add3A_589, %dma_start3A_590] : memref<25x80xi32, #tpu.memory_space<vmem>> -> memref<1x80xi32, #tpu.memory_space<vmem>>
      %dma_start3A_592 = tpu.memref_squeeze %dma_start3A_591 : memref<1x80xi32, #tpu.memory_space<vmem>> -> memref<80xi32, #tpu.memory_space<vmem>>
      %dma_start3A_593 = arith.constant 0 : i32
      %dma_start3A_594 = arith.constant 0 : i32
      %dma_start3A_595 = tpu.memref_slice %arg4[%dma_start3A_593, %dma_start3A_594] : memref<10000x128xf32, #tpu.memory_space<hbm>> -> memref<10000x128xf32, #tpu.memory_space<hbm>>
      tpu.enqueue_indirect_dma source(%dma_start3A_595 : memref<10000x128xf32, #tpu.memory_space<hbm>>) target(%arg13 : memref<80x128xf32, #tpu.memory_space<vmem>>) offsets(%dma_start3A_592 : memref<80xi32, #tpu.memory_space<vmem>>) semaphore(%arg19 : memref<!tpu.dma_semaphore, #tpu.memory_space<semaphore_mem>>)
      %dma_wait3A_596 = arith.constant 0 : i32
      %dma_wait3A_597 = tpu.memref_slice %arg10[%mul3A_587, %dma_wait3A_596] : memref<25x80xi32, #tpu.memory_space<vmem>> -> memref<1x80xi32, #tpu.memory_space<vmem>>
      %dma_wait3A_598 = tpu.memref_squeeze %dma_wait3A_597 : memref<1x80xi32, #tpu.memory_space<vmem>> -> memref<80xi32, #tpu.memory_space<vmem>>
      %dma_wait3A_599 = arith.constant 0 : i32
      %dma_wait3A_600 = arith.constant 0 : i32
      %dma_wait3A_601 = tpu.memref_slice %arg4[%dma_wait3A_599, %dma_wait3A_600] : memref<10000x128xf32, #tpu.memory_space<hbm>> -> memref<10000x128xf32, #tpu.memory_space<hbm>>
      tpu.wait_indirect_dma semaphore(%arg18 : memref<!tpu.dma_semaphore, #tpu.memory_space<semaphore_mem>>) src(%dma_wait3A_601 : memref<10000x128xf32, #tpu.memory_space<hbm>>) dst(%arg12 : memref<80x128xf32, #tpu.memory_space<vmem>>)
      "tpu.region"() ({
        %run_scoped3A_622 = tpu.sem_alloc : memref<!tpu.dma_semaphore, #tpu.memory_space<semaphore_mem>>
        %dma_start3A_623 = arith.constant 0 : i32
        %dma_start3A_624 = tpu.memref_slice %arg11[%mul3A_587, %dma_start3A_623] : memref<25x80xi32, #tpu.memory_space<vmem>> -> memref<1x80xi32, #tpu.memory_space<vmem>>
        %dma_start3A_625 = tpu.memref_squeeze %dma_start3A_624 : memref<1x80xi32, #tpu.memory_space<vmem>> -> memref<80xi32, #tpu.memory_space<vmem>>
        %dma_start3A_626 = arith.constant 0 : i32
        %dma_start3A_627 = arith.constant 0 : i32
        %dma_start3A_628 = tpu.memref_slice %arg16[%dma_start3A_626, %dma_start3A_627] : memref<10016x128xf32, #tpu.memory_space<vmem_shared>> -> memref<10016x128xf32, #tpu.memory_space<vmem_shared>>
        tpu.enqueue_indirect_dma source(%arg12 : memref<80x128xf32, #tpu.memory_space<vmem>>) target(%dma_start3A_628 : memref<10016x128xf32, #tpu.memory_space<vmem_shared>>) offsets(%dma_start3A_625 : memref<80xi32, #tpu.memory_space<vmem>>) semaphore(%run_scoped3A_622 : memref<!tpu.dma_semaphore, #tpu.memory_space<semaphore_mem>>) {add = true}
        %dma_wait3A_629 = arith.constant 0 : i32
        %dma_wait3A_630 = tpu.memref_slice %arg11[%mul3A_587, %dma_wait3A_629] : memref<25x80xi32, #tpu.memory_space<vmem>> -> memref<1x80xi32, #tpu.memory_space<vmem>>
        %dma_wait3A_631 = tpu.memref_squeeze %dma_wait3A_630 : memref<1x80xi32, #tpu.memory_space<vmem>> -> memref<80xi32, #tpu.memory_space<vmem>>
        %dma_wait3A_632 = arith.constant 0 : i32
        %dma_wait3A_633 = arith.constant 0 : i32
        %dma_wait3A_634 = tpu.memref_slice %arg16[%dma_wait3A_632, %dma_wait3A_633] : memref<10016x128xf32, #tpu.memory_space<vmem_shared>> -> memref<10016x128xf32, #tpu.memory_space<vmem_shared>>
        tpu.wait_indirect_dma semaphore(%run_scoped3A_622 : memref<!tpu.dma_semaphore, #tpu.memory_space<semaphore_mem>>) src(%arg12 : memref<80x128xf32, #tpu.memory_space<vmem>>) dst(%dma_wait3A_634 : memref<10016x128xf32, #tpu.memory_space<vmem_shared>>)
        tpu.yield
      }) : () -> ()
      "tpu.region"() ({
        %run_scoped3A_622 = tpu.sem_alloc : memref<!tpu.dma_semaphore, #tpu.memory_space<semaphore_mem>>
        %dma_start3A_623 = arith.constant 0 : i32
        %dma_start3A_624 = tpu.memref_slice %arg11[%mul3A_587, %dma_start3A_623] : memref<25x80xi32, #tpu.memory_space<vmem>> -> memref<1x80xi32, #tpu.memory_space<vmem>>
        %dma_start3A_625 = tpu.memref_squeeze %dma_start3A_624 : memref<1x80xi32, #tpu.memory_space<vmem>> -> memref<80xi32, #tpu.memory_space<vmem>>
        %dma_start3A_626 = arith.constant 0 : i32
        %dma_start3A_627 = tpu.memref_slice %arg17[%dma_start3A_626] : memref<10240xf32, #tpu.memory_space<vmem_shared>> -> memref<10240xf32, #tpu.memory_space<vmem_shared>>
        tpu.enqueue_indirect_dma source(%arg15 : memref<80xf32, #tpu.memory_space<vmem>>) target(%dma_start3A_627 : memref<10240xf32, #tpu.memory_space<vmem_shared>>) offsets(%dma_start3A_625 : memref<80xi32, #tpu.memory_space<vmem>>) semaphore(%run_scoped3A_622 : memref<!tpu.dma_semaphore, #tpu.memory_space<semaphore_mem>>) {add = true}
        %dma_wait3A_628 = arith.constant 0 : i32
        %dma_wait3A_629 = tpu.memref_slice %arg11[%mul3A_587, %dma_wait3A_628] : memref<25x80xi32, #tpu.memory_space<vmem>> -> memref<1x80xi32, #tpu.memory_space<vmem>>
        %dma_wait3A_630 = tpu.memref_squeeze %dma_wait3A_629 : memref<1x80xi32, #tpu.memory_space<vmem>> -> memref<80xi32, #tpu.memory_space<vmem>>
        %dma_wait3A_631 = arith.constant 0 : i32
        %dma_wait3A_632 = tpu.memref_slice %arg17[%dma_wait3A_631] : memref<10240xf32, #tpu.memory_space<vmem_shared>> -> memref<10240xf32, #tpu.memory_space<vmem_shared>>
        tpu.wait_indirect_dma semaphore(%run_scoped3A_622 : memref<!tpu.dma_semaphore, #tpu.memory_space<semaphore_mem>>) src(%arg15 : memref<80xf32, #tpu.memory_space<vmem>>) dst(%dma_wait3A_632 : memref<10240xf32, #tpu.memory_space<vmem_shared>>)
        tpu.yield
      }) : () -> ()
      %add3A_602 = arith.constant 2 : i32
      %add3A_603 = arith.addi %mul3A_587, %add3A_602 : i32
      %dma_start3A_604 = arith.constant 0 : i32
      %dma_start3A_605 = tpu.memref_slice %arg10[%add3A_603, %dma_start3A_604] : memref<25x80xi32, #tpu.memory_space<vmem>> -> memref<1x80xi32, #tpu.memory_space<vmem>>
      %dma_start3A_606 = tpu.memref_squeeze %dma_start3A_605 : memref<1x80xi32, #tpu.memory_space<vmem>> -> memref<80xi32, #tpu.memory_space<vmem>>
      %dma_start3A_607 = arith.constant 0 : i32
      %dma_start3A_608 = arith.constant 0 : i32
      %dma_start3A_609 = tpu.memref_slice %arg4[%dma_start3A_607, %dma_start3A_608] : memref<10000x128xf32, #tpu.memory_space<hbm>> -> memref<10000x128xf32, #tpu.memory_space<hbm>>
      tpu.enqueue_indirect_dma source(%dma_start3A_609 : memref<10000x128xf32, #tpu.memory_space<hbm>>) target(%arg12 : memref<80x128xf32, #tpu.memory_space<vmem>>) offsets(%dma_start3A_606 : memref<80xi32, #tpu.memory_space<vmem>>) semaphore(%arg18 : memref<!tpu.dma_semaphore, #tpu.memory_space<semaphore_mem>>)
      %add3A_610 = arith.constant 1 : i32
      %add3A_611 = arith.addi %mul3A_587, %add3A_610 : i32
      %dma_wait3A_612 = arith.constant 0 : i32
      %dma_wait3A_613 = tpu.memref_slice %arg10[%add3A_611, %dma_wait3A_612] : memref<25x80xi32, #tpu.memory_space<vmem>> -> memref<1x80xi32, #tpu.memory_space<vmem>>
      %dma_wait3A_614 = tpu.memref_squeeze %dma_wait3A_613 : memref<1x80xi32, #tpu.memory_space<vmem>> -> memref<80xi32, #tpu.memory_space<vmem>>
      %dma_wait3A_615 = arith.constant 0 : i32
      %dma_wait3A_616 = arith.constant 0 : i32
      %dma_wait3A_617 = tpu.memref_slice %arg4[%dma_wait3A_615, %dma_wait3A_616] : memref<10000x128xf32, #tpu.memory_space<hbm>> -> memref<10000x128xf32, #tpu.memory_space<hbm>>
      tpu.wait_indirect_dma semaphore(%arg19 : memref<!tpu.dma_semaphore, #tpu.memory_space<semaphore_mem>>) src(%dma_wait3A_617 : memref<10000x128xf32, #tpu.memory_space<hbm>>) dst(%arg13 : memref<80x128xf32, #tpu.memory_space<vmem>>)
      %add3A_618 = arith.constant 1 : i32
      %add3A_619 = arith.addi %mul3A_587, %add3A_618 : i32
      "tpu.region"() ({
        %run_scoped3A_622 = tpu.sem_alloc : memref<!tpu.dma_semaphore, #tpu.memory_space<semaphore_mem>>
        %dma_start3A_623 = arith.constant 0 : i32
        %dma_start3A_624 = tpu.memref_slice %arg11[%add3A_619, %dma_start3A_623] : memref<25x80xi32, #tpu.memory_space<vmem>> -> memref<1x80xi32, #tpu.memory_space<vmem>>
        %dma_start3A_625 = tpu.memref_squeeze %dma_start3A_624 : memref<1x80xi32, #tpu.memory_space<vmem>> -> memref<80xi32, #tpu.memory_space<vmem>>
        %dma_start3A_626 = arith.constant 0 : i32
        %dma_start3A_627 = arith.constant 0 : i32
        %dma_start3A_628 = tpu.memref_slice %arg16[%dma_start3A_626, %dma_start3A_627] : memref<10016x128xf32, #tpu.memory_space<vmem_shared>> -> memref<10016x128xf32, #tpu.memory_space<vmem_shared>>
        tpu.enqueue_indirect_dma source(%arg13 : memref<80x128xf32, #tpu.memory_space<vmem>>) target(%dma_start3A_628 : memref<10016x128xf32, #tpu.memory_space<vmem_shared>>) offsets(%dma_start3A_625 : memref<80xi32, #tpu.memory_space<vmem>>) semaphore(%run_scoped3A_622 : memref<!tpu.dma_semaphore, #tpu.memory_space<semaphore_mem>>) {add = true}
        %dma_wait3A_629 = arith.constant 0 : i32
        %dma_wait3A_630 = tpu.memref_slice %arg11[%add3A_619, %dma_wait3A_629] : memref<25x80xi32, #tpu.memory_space<vmem>> -> memref<1x80xi32, #tpu.memory_space<vmem>>
        %dma_wait3A_631 = tpu.memref_squeeze %dma_wait3A_630 : memref<1x80xi32, #tpu.memory_space<vmem>> -> memref<80xi32, #tpu.memory_space<vmem>>
        %dma_wait3A_632 = arith.constant 0 : i32
        %dma_wait3A_633 = arith.constant 0 : i32
        %dma_wait3A_634 = tpu.memref_slice %arg16[%dma_wait3A_632, %dma_wait3A_633] : memref<10016x128xf32, #tpu.memory_space<vmem_shared>> -> memref<10016x128xf32, #tpu.memory_space<vmem_shared>>
        tpu.wait_indirect_dma semaphore(%run_scoped3A_622 : memref<!tpu.dma_semaphore, #tpu.memory_space<semaphore_mem>>) src(%arg13 : memref<80x128xf32, #tpu.memory_space<vmem>>) dst(%dma_wait3A_634 : memref<10016x128xf32, #tpu.memory_space<vmem_shared>>)
        tpu.yield
      }) : () -> ()
      %add3A_620 = arith.constant 1 : i32
      %add3A_621 = arith.addi %mul3A_587, %add3A_620 : i32
      "tpu.region"() ({
        %run_scoped3A_622 = tpu.sem_alloc : memref<!tpu.dma_semaphore, #tpu.memory_space<semaphore_mem>>
        %dma_start3A_623 = arith.constant 0 : i32
        %dma_start3A_624 = tpu.memref_slice %arg11[%add3A_621, %dma_start3A_623] : memref<25x80xi32, #tpu.memory_space<vmem>> -> memref<1x80xi32, #tpu.memory_space<vmem>>
        %dma_start3A_625 = tpu.memref_squeeze %dma_start3A_624 : memref<1x80xi32, #tpu.memory_space<vmem>> -> memref<80xi32, #tpu.memory_space<vmem>>
        %dma_start3A_626 = arith.constant 0 : i32
        %dma_start3A_627 = tpu.memref_slice %arg17[%dma_start3A_626] : memref<10240xf32, #tpu.memory_space<vmem_shared>> -> memref<10240xf32, #tpu.memory_space<vmem_shared>>
        tpu.enqueue_indirect_dma source(%arg15 : memref<80xf32, #tpu.memory_space<vmem>>) target(%dma_start3A_627 : memref<10240xf32, #tpu.memory_space<vmem_shared>>) offsets(%dma_start3A_625 : memref<80xi32, #tpu.memory_space<vmem>>) semaphore(%run_scoped3A_622 : memref<!tpu.dma_semaphore, #tpu.memory_space<semaphore_mem>>) {add = true}
        %dma_wait3A_628 = arith.constant 0 : i32
        %dma_wait3A_629 = tpu.memref_slice %arg11[%add3A_621, %dma_wait3A_628] : memref<25x80xi32, #tpu.memory_space<vmem>> -> memref<1x80xi32, #tpu.memory_space<vmem>>
        %dma_wait3A_630 = tpu.memref_squeeze %dma_wait3A_629 : memref<1x80xi32, #tpu.memory_space<vmem>> -> memref<80xi32, #tpu.memory_space<vmem>>
        %dma_wait3A_631 = arith.constant 0 : i32
        %dma_wait3A_632 = tpu.memref_slice %arg17[%dma_wait3A_631] : memref<10240xf32, #tpu.memory_space<vmem_shared>> -> memref<10240xf32, #tpu.memory_space<vmem_shared>>
        tpu.wait_indirect_dma semaphore(%run_scoped3A_622 : memref<!tpu.dma_semaphore, #tpu.memory_space<semaphore_mem>>) src(%arg15 : memref<80xf32, #tpu.memory_space<vmem>>) dst(%dma_wait3A_632 : memref<10240xf32, #tpu.memory_space<vmem_shared>>)
        tpu.yield
      }) : () -> ()
    }
    %scan3A_251 = arith.constant 12 : i32
    %dma_wait3A_252 = arith.constant 24 : i32
    %dma_wait3A_253 = arith.constant 0 : i32
    %dma_wait3A_254 = tpu.memref_slice %arg10[%dma_wait3A_252, %dma_wait3A_253] : memref<25x80xi32, #tpu.memory_space<vmem>> -> memref<1x80xi32, #tpu.memory_space<vmem>>
    %dma_wait3A_255 = tpu.memref_squeeze %dma_wait3A_254 : memref<1x80xi32, #tpu.memory_space<vmem>> -> memref<80xi32, #tpu.memory_space<vmem>>
    %dma_wait3A_256 = arith.constant 0 : i32
    %dma_wait3A_257 = arith.constant 0 : i32
    %dma_wait3A_258 = tpu.memref_slice %arg4[%dma_wait3A_256, %dma_wait3A_257] : memref<10000x128xf32, #tpu.memory_space<hbm>> -> memref<10000x128xf32, #tpu.memory_space<hbm>>
    tpu.wait_indirect_dma semaphore(%arg18 : memref<!tpu.dma_semaphore, #tpu.memory_space<semaphore_mem>>) src(%dma_wait3A_258 : memref<10000x128xf32, #tpu.memory_space<hbm>>) dst(%arg12 : memref<80x128xf32, #tpu.memory_space<vmem>>)
    %run_scoped3A_259 = arith.constant 24 : i32
    "tpu.region"() ({
      %run_scoped3A_585 = tpu.sem_alloc : memref<!tpu.dma_semaphore, #tpu.memory_space<semaphore_mem>>
      %dma_start3A_586 = arith.constant 0 : i32
      %dma_start3A_587 = tpu.memref_slice %arg11[%run_scoped3A_259, %dma_start3A_586] : memref<25x80xi32, #tpu.memory_space<vmem>> -> memref<1x80xi32, #tpu.memory_space<vmem>>
      %dma_start3A_588 = tpu.memref_squeeze %dma_start3A_587 : memref<1x80xi32, #tpu.memory_space<vmem>> -> memref<80xi32, #tpu.memory_space<vmem>>
      %dma_start3A_589 = arith.constant 0 : i32
      %dma_start3A_590 = arith.constant 0 : i32
      %dma_start3A_591 = tpu.memref_slice %arg16[%dma_start3A_589, %dma_start3A_590] : memref<10016x128xf32, #tpu.memory_space<vmem_shared>> -> memref<10016x128xf32, #tpu.memory_space<vmem_shared>>
      tpu.enqueue_indirect_dma source(%arg12 : memref<80x128xf32, #tpu.memory_space<vmem>>) target(%dma_start3A_591 : memref<10016x128xf32, #tpu.memory_space<vmem_shared>>) offsets(%dma_start3A_588 : memref<80xi32, #tpu.memory_space<vmem>>) semaphore(%run_scoped3A_585 : memref<!tpu.dma_semaphore, #tpu.memory_space<semaphore_mem>>) {add = true}
      %dma_wait3A_592 = arith.constant 0 : i32
      %dma_wait3A_593 = tpu.memref_slice %arg11[%run_scoped3A_259, %dma_wait3A_592] : memref<25x80xi32, #tpu.memory_space<vmem>> -> memref<1x80xi32, #tpu.memory_space<vmem>>
      %dma_wait3A_594 = tpu.memref_squeeze %dma_wait3A_593 : memref<1x80xi32, #tpu.memory_space<vmem>> -> memref<80xi32, #tpu.memory_space<vmem>>
      %dma_wait3A_595 = arith.constant 0 : i32
      %dma_wait3A_596 = arith.constant 0 : i32
      %dma_wait3A_597 = tpu.memref_slice %arg16[%dma_wait3A_595, %dma_wait3A_596] : memref<10016x128xf32, #tpu.memory_space<vmem_shared>> -> memref<10016x128xf32, #tpu.memory_space<vmem_shared>>
      tpu.wait_indirect_dma semaphore(%run_scoped3A_585 : memref<!tpu.dma_semaphore, #tpu.memory_space<semaphore_mem>>) src(%arg12 : memref<80x128xf32, #tpu.memory_space<vmem>>) dst(%dma_wait3A_597 : memref<10016x128xf32, #tpu.memory_space<vmem_shared>>)
      tpu.yield
    }) : () -> ()
    %run_scoped3A_260 = arith.constant 24 : i32
    "tpu.region"() ({
      %run_scoped3A_585 = tpu.sem_alloc : memref<!tpu.dma_semaphore, #tpu.memory_space<semaphore_mem>>
      %dma_start3A_586 = arith.constant 0 : i32
      %dma_start3A_587 = tpu.memref_slice %arg11[%run_scoped3A_260, %dma_start3A_586] : memref<25x80xi32, #tpu.memory_space<vmem>> -> memref<1x80xi32, #tpu.memory_space<vmem>>
      %dma_start3A_588 = tpu.memref_squeeze %dma_start3A_587 : memref<1x80xi32, #tpu.memory_space<vmem>> -> memref<80xi32, #tpu.memory_space<vmem>>
      %dma_start3A_589 = arith.constant 0 : i32
      %dma_start3A_590 = tpu.memref_slice %arg17[%dma_start3A_589] : memref<10240xf32, #tpu.memory_space<vmem_shared>> -> memref<10240xf32, #tpu.memory_space<vmem_shared>>
      tpu.enqueue_indirect_dma source(%arg15 : memref<80xf32, #tpu.memory_space<vmem>>) target(%dma_start3A_590 : memref<10240xf32, #tpu.memory_space<vmem_shared>>) offsets(%dma_start3A_588 : memref<80xi32, #tpu.memory_space<vmem>>) semaphore(%run_scoped3A_585 : memref<!tpu.dma_semaphore, #tpu.memory_space<semaphore_mem>>) {add = true}
      %dma_wait3A_591 = arith.constant 0 : i32
      %dma_wait3A_592 = tpu.memref_slice %arg11[%run_scoped3A_260, %dma_wait3A_591] : memref<25x80xi32, #tpu.memory_space<vmem>> -> memref<1x80xi32, #tpu.memory_space<vmem>>
      %dma_wait3A_593 = tpu.memref_squeeze %dma_wait3A_592 : memref<1x80xi32, #tpu.memory_space<vmem>> -> memref<80xi32, #tpu.memory_space<vmem>>
      %dma_wait3A_594 = arith.constant 0 : i32
      %dma_wait3A_595 = tpu.memref_slice %arg17[%dma_wait3A_594] : memref<10240xf32, #tpu.memory_space<vmem_shared>> -> memref<10240xf32, #tpu.memory_space<vmem_shared>>
      tpu.wait_indirect_dma semaphore(%run_scoped3A_585 : memref<!tpu.dma_semaphore, #tpu.memory_space<semaphore_mem>>) src(%arg15 : memref<80xf32, #tpu.memory_space<vmem>>) dst(%dma_wait3A_595 : memref<10240xf32, #tpu.memory_space<vmem_shared>>)
      tpu.yield
    }) : () -> ()
    %dma_wait3A_261 = arith.constant 2 : i32
    %dma_wait3A_262 = arith.constant 0 : i32
    %dma_wait3A_263 = arith.constant 0 : i32
    %dma_wait3A_264 = tpu.memref_slice %arg2[%add3A, %dma_wait3A_261, %dma_wait3A_262, %dma_wait3A_263] : memref<32x5x25x80xi32, #tpu.memory_space<hbm>> -> memref<1x1x25x80xi32, #tpu.memory_space<hbm>>
    %dma_wait3A_265 = tpu.memref_squeeze %dma_wait3A_264 : memref<1x1x25x80xi32, #tpu.memory_space<hbm>> -> memref<25x80xi32, #tpu.memory_space<hbm>>
    %dma_wait3A_266 = arith.constant 0 : i32
    %dma_wait3A_267 = arith.constant 0 : i32
    %dma_wait3A_268 = tpu.memref_slice %arg2[%add3A, %dma_wait3A_261, %dma_wait3A_266, %dma_wait3A_267] : memref<32x5x25x80xi32, #tpu.memory_space<hbm>> -> memref<1x1x25x80xi32, #tpu.memory_space<hbm>>
    %dma_wait3A_269 = tpu.memref_squeeze %dma_wait3A_268 : memref<1x1x25x80xi32, #tpu.memory_space<hbm>> -> memref<25x80xi32, #tpu.memory_space<hbm>>
    tpu.wait_dma2 semaphore(%arg20 : memref<!tpu.dma_semaphore, #tpu.memory_space<semaphore_mem>>) src(%dma_wait3A_269 : memref<25x80xi32, #tpu.memory_space<hbm>>) dst(%arg8 : memref<25x80xi32, #tpu.memory_space<vmem>>)
    %dma_wait3A_270 = arith.constant 2 : i32
    %dma_wait3A_271 = arith.constant 0 : i32
    %dma_wait3A_272 = arith.constant 0 : i32
    %dma_wait3A_273 = tpu.memref_slice %arg3[%add3A, %dma_wait3A_270, %dma_wait3A_271, %dma_wait3A_272] : memref<32x5x25x80xi32, #tpu.memory_space<hbm>> -> memref<1x1x25x80xi32, #tpu.memory_space<hbm>>
    %dma_wait3A_274 = tpu.memref_squeeze %dma_wait3A_273 : memref<1x1x25x80xi32, #tpu.memory_space<hbm>> -> memref<25x80xi32, #tpu.memory_space<hbm>>
    %dma_wait3A_275 = arith.constant 0 : i32
    %dma_wait3A_276 = arith.constant 0 : i32
    %dma_wait3A_277 = tpu.memref_slice %arg3[%add3A, %dma_wait3A_270, %dma_wait3A_275, %dma_wait3A_276] : memref<32x5x25x80xi32, #tpu.memory_space<hbm>> -> memref<1x1x25x80xi32, #tpu.memory_space<hbm>>
    %dma_wait3A_278 = tpu.memref_squeeze %dma_wait3A_277 : memref<1x1x25x80xi32, #tpu.memory_space<hbm>> -> memref<25x80xi32, #tpu.memory_space<hbm>>
    tpu.wait_dma2 semaphore(%arg20 : memref<!tpu.dma_semaphore, #tpu.memory_space<semaphore_mem>>) src(%dma_wait3A_278 : memref<25x80xi32, #tpu.memory_space<hbm>>) dst(%arg9 : memref<25x80xi32, #tpu.memory_space<vmem>>)
    %dma_start3A_279 = arith.constant 3 : i32
    %dma_start3A_280 = arith.constant 0 : i32
    %dma_start3A_281 = arith.constant 0 : i32
    %dma_start3A_282 = tpu.memref_slice %arg2[%add3A, %dma_start3A_279, %dma_start3A_280, %dma_start3A_281] : memref<32x5x25x80xi32, #tpu.memory_space<hbm>> -> memref<1x1x25x80xi32, #tpu.memory_space<hbm>>
    %dma_start3A_283 = tpu.memref_squeeze %dma_start3A_282 : memref<1x1x25x80xi32, #tpu.memory_space<hbm>> -> memref<25x80xi32, #tpu.memory_space<hbm>>
    %dma_start3A_284 = arith.constant 0 : i32
    %dma_start3A_285 = arith.constant 0 : i32
    %dma_start3A_286 = tpu.memref_slice %arg2[%add3A, %dma_start3A_279, %dma_start3A_284, %dma_start3A_285] : memref<32x5x25x80xi32, #tpu.memory_space<hbm>> -> memref<1x1x25x80xi32, #tpu.memory_space<hbm>>
    %dma_start3A_287 = tpu.memref_squeeze %dma_start3A_286 : memref<1x1x25x80xi32, #tpu.memory_space<hbm>> -> memref<25x80xi32, #tpu.memory_space<hbm>>
    tpu.enqueue_dma source(%dma_start3A_287 : memref<25x80xi32, #tpu.memory_space<hbm>>) target(%arg10 : memref<25x80xi32, #tpu.memory_space<vmem>>) target_semaphore(%arg20 : memref<!tpu.dma_semaphore, #tpu.memory_space<semaphore_mem>>)
    %dma_start3A_288 = arith.constant 3 : i32
    %dma_start3A_289 = arith.constant 0 : i32
    %dma_start3A_290 = arith.constant 0 : i32
    %dma_start3A_291 = tpu.memref_slice %arg3[%add3A, %dma_start3A_288, %dma_start3A_289, %dma_start3A_290] : memref<32x5x25x80xi32, #tpu.memory_space<hbm>> -> memref<1x1x25x80xi32, #tpu.memory_space<hbm>>
    %dma_start3A_292 = tpu.memref_squeeze %dma_start3A_291 : memref<1x1x25x80xi32, #tpu.memory_space<hbm>> -> memref<25x80xi32, #tpu.memory_space<hbm>>
    %dma_start3A_293 = arith.constant 0 : i32
    %dma_start3A_294 = arith.constant 0 : i32
    %dma_start3A_295 = tpu.memref_slice %arg3[%add3A, %dma_start3A_288, %dma_start3A_293, %dma_start3A_294] : memref<32x5x25x80xi32, #tpu.memory_space<hbm>> -> memref<1x1x25x80xi32, #tpu.memory_space<hbm>>
    %dma_start3A_296 = tpu.memref_squeeze %dma_start3A_295 : memref<1x1x25x80xi32, #tpu.memory_space<hbm>> -> memref<25x80xi32, #tpu.memory_space<hbm>>
    tpu.enqueue_dma source(%dma_start3A_296 : memref<25x80xi32, #tpu.memory_space<hbm>>) target(%arg11 : memref<25x80xi32, #tpu.memory_space<vmem>>) target_semaphore(%arg20 : memref<!tpu.dma_semaphore, #tpu.memory_space<semaphore_mem>>)
    %dma_start3A_297 = arith.constant 0 : i32
    %dma_start3A_298 = arith.constant 0 : i32
    %dma_start3A_299 = tpu.memref_slice %arg8[%dma_start3A_297, %dma_start3A_298] : memref<25x80xi32, #tpu.memory_space<vmem>> -> memref<1x80xi32, #tpu.memory_space<vmem>>
    %dma_start3A_300 = tpu.memref_squeeze %dma_start3A_299 : memref<1x80xi32, #tpu.memory_space<vmem>> -> memref<80xi32, #tpu.memory_space<vmem>>
    %dma_start3A_301 = arith.constant 0 : i32
    %dma_start3A_302 = arith.constant 0 : i32
    %dma_start3A_303 = tpu.memref_slice %arg4[%dma_start3A_301, %dma_start3A_302] : memref<10000x128xf32, #tpu.memory_space<hbm>> -> memref<10000x128xf32, #tpu.memory_space<hbm>>
    tpu.enqueue_indirect_dma source(%dma_start3A_303 : memref<10000x128xf32, #tpu.memory_space<hbm>>) target(%arg12 : memref<80x128xf32, #tpu.memory_space<vmem>>) offsets(%dma_start3A_300 : memref<80xi32, #tpu.memory_space<vmem>>) semaphore(%arg18 : memref<!tpu.dma_semaphore, #tpu.memory_space<semaphore_mem>>)
    %scan3A_304 = arith.constant 0 : i32
    %scan3A_305 = arith.constant 0 : i32
    %scan3A_306 = arith.constant 12 : i32
    %scan3A_307 = arith.addi %scan3A_305, %scan3A_306 : i32
    %scan3A_308 = arith.constant 1 : i32
    scf.for %scan3A_585 = %scan3A_305 to %scan3A_307 step %scan3A_308  : i32 {
      %mul3A_586 = arith.constant 2 : i32
      %mul3A_587 = arith.muli %mul3A_586, %scan3A_585 : i32
      %add3A_588 = arith.constant 1 : i32
      %add3A_589 = arith.addi %mul3A_587, %add3A_588 : i32
      %dma_start3A_590 = arith.constant 0 : i32
      %dma_start3A_591 = tpu.memref_slice %arg8[%add3A_589, %dma_start3A_590] : memref<25x80xi32, #tpu.memory_space<vmem>> -> memref<1x80xi32, #tpu.memory_space<vmem>>
      %dma_start3A_592 = tpu.memref_squeeze %dma_start3A_591 : memref<1x80xi32, #tpu.memory_space<vmem>> -> memref<80xi32, #tpu.memory_space<vmem>>
      %dma_start3A_593 = arith.constant 0 : i32
      %dma_start3A_594 = arith.constant 0 : i32
      %dma_start3A_595 = tpu.memref_slice %arg4[%dma_start3A_593, %dma_start3A_594] : memref<10000x128xf32, #tpu.memory_space<hbm>> -> memref<10000x128xf32, #tpu.memory_space<hbm>>
      tpu.enqueue_indirect_dma source(%dma_start3A_595 : memref<10000x128xf32, #tpu.memory_space<hbm>>) target(%arg13 : memref<80x128xf32, #tpu.memory_space<vmem>>) offsets(%dma_start3A_592 : memref<80xi32, #tpu.memory_space<vmem>>) semaphore(%arg19 : memref<!tpu.dma_semaphore, #tpu.memory_space<semaphore_mem>>)
      %dma_wait3A_596 = arith.constant 0 : i32
      %dma_wait3A_597 = tpu.memref_slice %arg8[%mul3A_587, %dma_wait3A_596] : memref<25x80xi32, #tpu.memory_space<vmem>> -> memref<1x80xi32, #tpu.memory_space<vmem>>
      %dma_wait3A_598 = tpu.memref_squeeze %dma_wait3A_597 : memref<1x80xi32, #tpu.memory_space<vmem>> -> memref<80xi32, #tpu.memory_space<vmem>>
      %dma_wait3A_599 = arith.constant 0 : i32
      %dma_wait3A_600 = arith.constant 0 : i32
      %dma_wait3A_601 = tpu.memref_slice %arg4[%dma_wait3A_599, %dma_wait3A_600] : memref<10000x128xf32, #tpu.memory_space<hbm>> -> memref<10000x128xf32, #tpu.memory_space<hbm>>
      tpu.wait_indirect_dma semaphore(%arg18 : memref<!tpu.dma_semaphore, #tpu.memory_space<semaphore_mem>>) src(%dma_wait3A_601 : memref<10000x128xf32, #tpu.memory_space<hbm>>) dst(%arg12 : memref<80x128xf32, #tpu.memory_space<vmem>>)
      "tpu.region"() ({
        %run_scoped3A_622 = tpu.sem_alloc : memref<!tpu.dma_semaphore, #tpu.memory_space<semaphore_mem>>
        %dma_start3A_623 = arith.constant 0 : i32
        %dma_start3A_624 = tpu.memref_slice %arg9[%mul3A_587, %dma_start3A_623] : memref<25x80xi32, #tpu.memory_space<vmem>> -> memref<1x80xi32, #tpu.memory_space<vmem>>
        %dma_start3A_625 = tpu.memref_squeeze %dma_start3A_624 : memref<1x80xi32, #tpu.memory_space<vmem>> -> memref<80xi32, #tpu.memory_space<vmem>>
        %dma_start3A_626 = arith.constant 0 : i32
        %dma_start3A_627 = arith.constant 0 : i32
        %dma_start3A_628 = tpu.memref_slice %arg16[%dma_start3A_626, %dma_start3A_627] : memref<10016x128xf32, #tpu.memory_space<vmem_shared>> -> memref<10016x128xf32, #tpu.memory_space<vmem_shared>>
        tpu.enqueue_indirect_dma source(%arg12 : memref<80x128xf32, #tpu.memory_space<vmem>>) target(%dma_start3A_628 : memref<10016x128xf32, #tpu.memory_space<vmem_shared>>) offsets(%dma_start3A_625 : memref<80xi32, #tpu.memory_space<vmem>>) semaphore(%run_scoped3A_622 : memref<!tpu.dma_semaphore, #tpu.memory_space<semaphore_mem>>) {add = true}
        %dma_wait3A_629 = arith.constant 0 : i32
        %dma_wait3A_630 = tpu.memref_slice %arg9[%mul3A_587, %dma_wait3A_629] : memref<25x80xi32, #tpu.memory_space<vmem>> -> memref<1x80xi32, #tpu.memory_space<vmem>>
        %dma_wait3A_631 = tpu.memref_squeeze %dma_wait3A_630 : memref<1x80xi32, #tpu.memory_space<vmem>> -> memref<80xi32, #tpu.memory_space<vmem>>
        %dma_wait3A_632 = arith.constant 0 : i32
        %dma_wait3A_633 = arith.constant 0 : i32
        %dma_wait3A_634 = tpu.memref_slice %arg16[%dma_wait3A_632, %dma_wait3A_633] : memref<10016x128xf32, #tpu.memory_space<vmem_shared>> -> memref<10016x128xf32, #tpu.memory_space<vmem_shared>>
        tpu.wait_indirect_dma semaphore(%run_scoped3A_622 : memref<!tpu.dma_semaphore, #tpu.memory_space<semaphore_mem>>) src(%arg12 : memref<80x128xf32, #tpu.memory_space<vmem>>) dst(%dma_wait3A_634 : memref<10016x128xf32, #tpu.memory_space<vmem_shared>>)
        tpu.yield
      }) : () -> ()
      "tpu.region"() ({
        %run_scoped3A_622 = tpu.sem_alloc : memref<!tpu.dma_semaphore, #tpu.memory_space<semaphore_mem>>
        %dma_start3A_623 = arith.constant 0 : i32
        %dma_start3A_624 = tpu.memref_slice %arg9[%mul3A_587, %dma_start3A_623] : memref<25x80xi32, #tpu.memory_space<vmem>> -> memref<1x80xi32, #tpu.memory_space<vmem>>
        %dma_start3A_625 = tpu.memref_squeeze %dma_start3A_624 : memref<1x80xi32, #tpu.memory_space<vmem>> -> memref<80xi32, #tpu.memory_space<vmem>>
        %dma_start3A_626 = arith.constant 0 : i32
        %dma_start3A_627 = tpu.memref_slice %arg17[%dma_start3A_626] : memref<10240xf32, #tpu.memory_space<vmem_shared>> -> memref<10240xf32, #tpu.memory_space<vmem_shared>>
        tpu.enqueue_indirect_dma source(%arg15 : memref<80xf32, #tpu.memory_space<vmem>>) target(%dma_start3A_627 : memref<10240xf32, #tpu.memory_space<vmem_shared>>) offsets(%dma_start3A_625 : memref<80xi32, #tpu.memory_space<vmem>>) semaphore(%run_scoped3A_622 : memref<!tpu.dma_semaphore, #tpu.memory_space<semaphore_mem>>) {add = true}
        %dma_wait3A_628 = arith.constant 0 : i32
        %dma_wait3A_629 = tpu.memref_slice %arg9[%mul3A_587, %dma_wait3A_628] : memref<25x80xi32, #tpu.memory_space<vmem>> -> memref<1x80xi32, #tpu.memory_space<vmem>>
        %dma_wait3A_630 = tpu.memref_squeeze %dma_wait3A_629 : memref<1x80xi32, #tpu.memory_space<vmem>> -> memref<80xi32, #tpu.memory_space<vmem>>
        %dma_wait3A_631 = arith.constant 0 : i32
        %dma_wait3A_632 = tpu.memref_slice %arg17[%dma_wait3A_631] : memref<10240xf32, #tpu.memory_space<vmem_shared>> -> memref<10240xf32, #tpu.memory_space<vmem_shared>>
        tpu.wait_indirect_dma semaphore(%run_scoped3A_622 : memref<!tpu.dma_semaphore, #tpu.memory_space<semaphore_mem>>) src(%arg15 : memref<80xf32, #tpu.memory_space<vmem>>) dst(%dma_wait3A_632 : memref<10240xf32, #tpu.memory_space<vmem_shared>>)
        tpu.yield
      }) : () -> ()
      %add3A_602 = arith.constant 2 : i32
      %add3A_603 = arith.addi %mul3A_587, %add3A_602 : i32
      %dma_start3A_604 = arith.constant 0 : i32
      %dma_start3A_605 = tpu.memref_slice %arg8[%add3A_603, %dma_start3A_604] : memref<25x80xi32, #tpu.memory_space<vmem>> -> memref<1x80xi32, #tpu.memory_space<vmem>>
      %dma_start3A_606 = tpu.memref_squeeze %dma_start3A_605 : memref<1x80xi32, #tpu.memory_space<vmem>> -> memref<80xi32, #tpu.memory_space<vmem>>
      %dma_start3A_607 = arith.constant 0 : i32
      %dma_start3A_608 = arith.constant 0 : i32
      %dma_start3A_609 = tpu.memref_slice %arg4[%dma_start3A_607, %dma_start3A_608] : memref<10000x128xf32, #tpu.memory_space<hbm>> -> memref<10000x128xf32, #tpu.memory_space<hbm>>
      tpu.enqueue_indirect_dma source(%dma_start3A_609 : memref<10000x128xf32, #tpu.memory_space<hbm>>) target(%arg12 : memref<80x128xf32, #tpu.memory_space<vmem>>) offsets(%dma_start3A_606 : memref<80xi32, #tpu.memory_space<vmem>>) semaphore(%arg18 : memref<!tpu.dma_semaphore, #tpu.memory_space<semaphore_mem>>)
      %add3A_610 = arith.constant 1 : i32
      %add3A_611 = arith.addi %mul3A_587, %add3A_610 : i32
      %dma_wait3A_612 = arith.constant 0 : i32
      %dma_wait3A_613 = tpu.memref_slice %arg8[%add3A_611, %dma_wait3A_612] : memref<25x80xi32, #tpu.memory_space<vmem>> -> memref<1x80xi32, #tpu.memory_space<vmem>>
      %dma_wait3A_614 = tpu.memref_squeeze %dma_wait3A_613 : memref<1x80xi32, #tpu.memory_space<vmem>> -> memref<80xi32, #tpu.memory_space<vmem>>
      %dma_wait3A_615 = arith.constant 0 : i32
      %dma_wait3A_616 = arith.constant 0 : i32
      %dma_wait3A_617 = tpu.memref_slice %arg4[%dma_wait3A_615, %dma_wait3A_616] : memref<10000x128xf32, #tpu.memory_space<hbm>> -> memref<10000x128xf32, #tpu.memory_space<hbm>>
      tpu.wait_indirect_dma semaphore(%arg19 : memref<!tpu.dma_semaphore, #tpu.memory_space<semaphore_mem>>) src(%dma_wait3A_617 : memref<10000x128xf32, #tpu.memory_space<hbm>>) dst(%arg13 : memref<80x128xf32, #tpu.memory_space<vmem>>)
      %add3A_618 = arith.constant 1 : i32
      %add3A_619 = arith.addi %mul3A_587, %add3A_618 : i32
      "tpu.region"() ({
        %run_scoped3A_622 = tpu.sem_alloc : memref<!tpu.dma_semaphore, #tpu.memory_space<semaphore_mem>>
        %dma_start3A_623 = arith.constant 0 : i32
        %dma_start3A_624 = tpu.memref_slice %arg9[%add3A_619, %dma_start3A_623] : memref<25x80xi32, #tpu.memory_space<vmem>> -> memref<1x80xi32, #tpu.memory_space<vmem>>
        %dma_start3A_625 = tpu.memref_squeeze %dma_start3A_624 : memref<1x80xi32, #tpu.memory_space<vmem>> -> memref<80xi32, #tpu.memory_space<vmem>>
        %dma_start3A_626 = arith.constant 0 : i32
        %dma_start3A_627 = arith.constant 0 : i32
        %dma_start3A_628 = tpu.memref_slice %arg16[%dma_start3A_626, %dma_start3A_627] : memref<10016x128xf32, #tpu.memory_space<vmem_shared>> -> memref<10016x128xf32, #tpu.memory_space<vmem_shared>>
        tpu.enqueue_indirect_dma source(%arg13 : memref<80x128xf32, #tpu.memory_space<vmem>>) target(%dma_start3A_628 : memref<10016x128xf32, #tpu.memory_space<vmem_shared>>) offsets(%dma_start3A_625 : memref<80xi32, #tpu.memory_space<vmem>>) semaphore(%run_scoped3A_622 : memref<!tpu.dma_semaphore, #tpu.memory_space<semaphore_mem>>) {add = true}
        %dma_wait3A_629 = arith.constant 0 : i32
        %dma_wait3A_630 = tpu.memref_slice %arg9[%add3A_619, %dma_wait3A_629] : memref<25x80xi32, #tpu.memory_space<vmem>> -> memref<1x80xi32, #tpu.memory_space<vmem>>
        %dma_wait3A_631 = tpu.memref_squeeze %dma_wait3A_630 : memref<1x80xi32, #tpu.memory_space<vmem>> -> memref<80xi32, #tpu.memory_space<vmem>>
        %dma_wait3A_632 = arith.constant 0 : i32
        %dma_wait3A_633 = arith.constant 0 : i32
        %dma_wait3A_634 = tpu.memref_slice %arg16[%dma_wait3A_632, %dma_wait3A_633] : memref<10016x128xf32, #tpu.memory_space<vmem_shared>> -> memref<10016x128xf32, #tpu.memory_space<vmem_shared>>
        tpu.wait_indirect_dma semaphore(%run_scoped3A_622 : memref<!tpu.dma_semaphore, #tpu.memory_space<semaphore_mem>>) src(%arg13 : memref<80x128xf32, #tpu.memory_space<vmem>>) dst(%dma_wait3A_634 : memref<10016x128xf32, #tpu.memory_space<vmem_shared>>)
        tpu.yield
      }) : () -> ()
      %add3A_620 = arith.constant 1 : i32
      %add3A_621 = arith.addi %mul3A_587, %add3A_620 : i32
      "tpu.region"() ({
        %run_scoped3A_622 = tpu.sem_alloc : memref<!tpu.dma_semaphore, #tpu.memory_space<semaphore_mem>>
        %dma_start3A_623 = arith.constant 0 : i32
        %dma_start3A_624 = tpu.memref_slice %arg9[%add3A_621, %dma_start3A_623] : memref<25x80xi32, #tpu.memory_space<vmem>> -> memref<1x80xi32, #tpu.memory_space<vmem>>
        %dma_start3A_625 = tpu.memref_squeeze %dma_start3A_624 : memref<1x80xi32, #tpu.memory_space<vmem>> -> memref<80xi32, #tpu.memory_space<vmem>>
        %dma_start3A_626 = arith.constant 0 : i32
        %dma_start3A_627 = tpu.memref_slice %arg17[%dma_start3A_626] : memref<10240xf32, #tpu.memory_space<vmem_shared>> -> memref<10240xf32, #tpu.memory_space<vmem_shared>>
        tpu.enqueue_indirect_dma source(%arg15 : memref<80xf32, #tpu.memory_space<vmem>>) target(%dma_start3A_627 : memref<10240xf32, #tpu.memory_space<vmem_shared>>) offsets(%dma_start3A_625 : memref<80xi32, #tpu.memory_space<vmem>>) semaphore(%run_scoped3A_622 : memref<!tpu.dma_semaphore, #tpu.memory_space<semaphore_mem>>) {add = true}
        %dma_wait3A_628 = arith.constant 0 : i32
        %dma_wait3A_629 = tpu.memref_slice %arg9[%add3A_621, %dma_wait3A_628] : memref<25x80xi32, #tpu.memory_space<vmem>> -> memref<1x80xi32, #tpu.memory_space<vmem>>
        %dma_wait3A_630 = tpu.memref_squeeze %dma_wait3A_629 : memref<1x80xi32, #tpu.memory_space<vmem>> -> memref<80xi32, #tpu.memory_space<vmem>>
        %dma_wait3A_631 = arith.constant 0 : i32
        %dma_wait3A_632 = tpu.memref_slice %arg17[%dma_wait3A_631] : memref<10240xf32, #tpu.memory_space<vmem_shared>> -> memref<10240xf32, #tpu.memory_space<vmem_shared>>
        tpu.wait_indirect_dma semaphore(%run_scoped3A_622 : memref<!tpu.dma_semaphore, #tpu.memory_space<semaphore_mem>>) src(%arg15 : memref<80xf32, #tpu.memory_space<vmem>>) dst(%dma_wait3A_632 : memref<10240xf32, #tpu.memory_space<vmem_shared>>)
        tpu.yield
      }) : () -> ()
    }
    %scan3A_309 = arith.constant 12 : i32
    %dma_wait3A_310 = arith.constant 24 : i32
    %dma_wait3A_311 = arith.constant 0 : i32
    %dma_wait3A_312 = tpu.memref_slice %arg8[%dma_wait3A_310, %dma_wait3A_311] : memref<25x80xi32, #tpu.memory_space<vmem>> -> memref<1x80xi32, #tpu.memory_space<vmem>>
    %dma_wait3A_313 = tpu.memref_squeeze %dma_wait3A_312 : memref<1x80xi32, #tpu.memory_space<vmem>> -> memref<80xi32, #tpu.memory_space<vmem>>
    %dma_wait3A_314 = arith.constant 0 : i32
    %dma_wait3A_315 = arith.constant 0 : i32
    %dma_wait3A_316 = tpu.memref_slice %arg4[%dma_wait3A_314, %dma_wait3A_315] : memref<10000x128xf32, #tpu.memory_space<hbm>> -> memref<10000x128xf32, #tpu.memory_space<hbm>>
    tpu.wait_indirect_dma semaphore(%arg18 : memref<!tpu.dma_semaphore, #tpu.memory_space<semaphore_mem>>) src(%dma_wait3A_316 : memref<10000x128xf32, #tpu.memory_space<hbm>>) dst(%arg12 : memref<80x128xf32, #tpu.memory_space<vmem>>)
    %run_scoped3A_317 = arith.constant 24 : i32
    "tpu.region"() ({
      %run_scoped3A_585 = tpu.sem_alloc : memref<!tpu.dma_semaphore, #tpu.memory_space<semaphore_mem>>
      %dma_start3A_586 = arith.constant 0 : i32
      %dma_start3A_587 = tpu.memref_slice %arg9[%run_scoped3A_317, %dma_start3A_586] : memref<25x80xi32, #tpu.memory_space<vmem>> -> memref<1x80xi32, #tpu.memory_space<vmem>>
      %dma_start3A_588 = tpu.memref_squeeze %dma_start3A_587 : memref<1x80xi32, #tpu.memory_space<vmem>> -> memref<80xi32, #tpu.memory_space<vmem>>
      %dma_start3A_589 = arith.constant 0 : i32
      %dma_start3A_590 = arith.constant 0 : i32
      %dma_start3A_591 = tpu.memref_slice %arg16[%dma_start3A_589, %dma_start3A_590] : memref<10016x128xf32, #tpu.memory_space<vmem_shared>> -> memref<10016x128xf32, #tpu.memory_space<vmem_shared>>
      tpu.enqueue_indirect_dma source(%arg12 : memref<80x128xf32, #tpu.memory_space<vmem>>) target(%dma_start3A_591 : memref<10016x128xf32, #tpu.memory_space<vmem_shared>>) offsets(%dma_start3A_588 : memref<80xi32, #tpu.memory_space<vmem>>) semaphore(%run_scoped3A_585 : memref<!tpu.dma_semaphore, #tpu.memory_space<semaphore_mem>>) {add = true}
      %dma_wait3A_592 = arith.constant 0 : i32
      %dma_wait3A_593 = tpu.memref_slice %arg9[%run_scoped3A_317, %dma_wait3A_592] : memref<25x80xi32, #tpu.memory_space<vmem>> -> memref<1x80xi32, #tpu.memory_space<vmem>>
      %dma_wait3A_594 = tpu.memref_squeeze %dma_wait3A_593 : memref<1x80xi32, #tpu.memory_space<vmem>> -> memref<80xi32, #tpu.memory_space<vmem>>
      %dma_wait3A_595 = arith.constant 0 : i32
      %dma_wait3A_596 = arith.constant 0 : i32
      %dma_wait3A_597 = tpu.memref_slice %arg16[%dma_wait3A_595, %dma_wait3A_596] : memref<10016x128xf32, #tpu.memory_space<vmem_shared>> -> memref<10016x128xf32, #tpu.memory_space<vmem_shared>>
      tpu.wait_indirect_dma semaphore(%run_scoped3A_585 : memref<!tpu.dma_semaphore, #tpu.memory_space<semaphore_mem>>) src(%arg12 : memref<80x128xf32, #tpu.memory_space<vmem>>) dst(%dma_wait3A_597 : memref<10016x128xf32, #tpu.memory_space<vmem_shared>>)
      tpu.yield
    }) : () -> ()
    %run_scoped3A_318 = arith.constant 24 : i32
    "tpu.region"() ({
      %run_scoped3A_585 = tpu.sem_alloc : memref<!tpu.dma_semaphore, #tpu.memory_space<semaphore_mem>>
      %dma_start3A_586 = arith.constant 0 : i32
      %dma_start3A_587 = tpu.memref_slice %arg9[%run_scoped3A_318, %dma_start3A_586] : memref<25x80xi32, #tpu.memory_space<vmem>> -> memref<1x80xi32, #tpu.memory_space<vmem>>
      %dma_start3A_588 = tpu.memref_squeeze %dma_start3A_587 : memref<1x80xi32, #tpu.memory_space<vmem>> -> memref<80xi32, #tpu.memory_space<vmem>>
      %dma_start3A_589 = arith.constant 0 : i32
      %dma_start3A_590 = tpu.memref_slice %arg17[%dma_start3A_589] : memref<10240xf32, #tpu.memory_space<vmem_shared>> -> memref<10240xf32, #tpu.memory_space<vmem_shared>>
      tpu.enqueue_indirect_dma source(%arg15 : memref<80xf32, #tpu.memory_space<vmem>>) target(%dma_start3A_590 : memref<10240xf32, #tpu.memory_space<vmem_shared>>) offsets(%dma_start3A_588 : memref<80xi32, #tpu.memory_space<vmem>>) semaphore(%run_scoped3A_585 : memref<!tpu.dma_semaphore, #tpu.memory_space<semaphore_mem>>) {add = true}
      %dma_wait3A_591 = arith.constant 0 : i32
      %dma_wait3A_592 = tpu.memref_slice %arg9[%run_scoped3A_318, %dma_wait3A_591] : memref<25x80xi32, #tpu.memory_space<vmem>> -> memref<1x80xi32, #tpu.memory_space<vmem>>
      %dma_wait3A_593 = tpu.memref_squeeze %dma_wait3A_592 : memref<1x80xi32, #tpu.memory_space<vmem>> -> memref<80xi32, #tpu.memory_space<vmem>>
      %dma_wait3A_594 = arith.constant 0 : i32
      %dma_wait3A_595 = tpu.memref_slice %arg17[%dma_wait3A_594] : memref<10240xf32, #tpu.memory_space<vmem_shared>> -> memref<10240xf32, #tpu.memory_space<vmem_shared>>
      tpu.wait_indirect_dma semaphore(%run_scoped3A_585 : memref<!tpu.dma_semaphore, #tpu.memory_space<semaphore_mem>>) src(%arg15 : memref<80xf32, #tpu.memory_space<vmem>>) dst(%dma_wait3A_595 : memref<10240xf32, #tpu.memory_space<vmem_shared>>)
      tpu.yield
    }) : () -> ()
    %dma_wait3A_319 = arith.constant 3 : i32
    %dma_wait3A_320 = arith.constant 0 : i32
    %dma_wait3A_321 = arith.constant 0 : i32
    %dma_wait3A_322 = tpu.memref_slice %arg2[%add3A, %dma_wait3A_319, %dma_wait3A_320, %dma_wait3A_321] : memref<32x5x25x80xi32, #tpu.memory_space<hbm>> -> memref<1x1x25x80xi32, #tpu.memory_space<hbm>>
    %dma_wait3A_323 = tpu.memref_squeeze %dma_wait3A_322 : memref<1x1x25x80xi32, #tpu.memory_space<hbm>> -> memref<25x80xi32, #tpu.memory_space<hbm>>
    %dma_wait3A_324 = arith.constant 0 : i32
    %dma_wait3A_325 = arith.constant 0 : i32
    %dma_wait3A_326 = tpu.memref_slice %arg2[%add3A, %dma_wait3A_319, %dma_wait3A_324, %dma_wait3A_325] : memref<32x5x25x80xi32, #tpu.memory_space<hbm>> -> memref<1x1x25x80xi32, #tpu.memory_space<hbm>>
    %dma_wait3A_327 = tpu.memref_squeeze %dma_wait3A_326 : memref<1x1x25x80xi32, #tpu.memory_space<hbm>> -> memref<25x80xi32, #tpu.memory_space<hbm>>
    tpu.wait_dma2 semaphore(%arg20 : memref<!tpu.dma_semaphore, #tpu.memory_space<semaphore_mem>>) src(%dma_wait3A_327 : memref<25x80xi32, #tpu.memory_space<hbm>>) dst(%arg10 : memref<25x80xi32, #tpu.memory_space<vmem>>)
    %dma_wait3A_328 = arith.constant 3 : i32
    %dma_wait3A_329 = arith.constant 0 : i32
    %dma_wait3A_330 = arith.constant 0 : i32
    %dma_wait3A_331 = tpu.memref_slice %arg3[%add3A, %dma_wait3A_328, %dma_wait3A_329, %dma_wait3A_330] : memref<32x5x25x80xi32, #tpu.memory_space<hbm>> -> memref<1x1x25x80xi32, #tpu.memory_space<hbm>>
    %dma_wait3A_332 = tpu.memref_squeeze %dma_wait3A_331 : memref<1x1x25x80xi32, #tpu.memory_space<hbm>> -> memref<25x80xi32, #tpu.memory_space<hbm>>
    %dma_wait3A_333 = arith.constant 0 : i32
    %dma_wait3A_334 = arith.constant 0 : i32
    %dma_wait3A_335 = tpu.memref_slice %arg3[%add3A, %dma_wait3A_328, %dma_wait3A_333, %dma_wait3A_334] : memref<32x5x25x80xi32, #tpu.memory_space<hbm>> -> memref<1x1x25x80xi32, #tpu.memory_space<hbm>>
    %dma_wait3A_336 = tpu.memref_squeeze %dma_wait3A_335 : memref<1x1x25x80xi32, #tpu.memory_space<hbm>> -> memref<25x80xi32, #tpu.memory_space<hbm>>
    tpu.wait_dma2 semaphore(%arg20 : memref<!tpu.dma_semaphore, #tpu.memory_space<semaphore_mem>>) src(%dma_wait3A_336 : memref<25x80xi32, #tpu.memory_space<hbm>>) dst(%arg11 : memref<25x80xi32, #tpu.memory_space<vmem>>)
    %dma_start3A_337 = arith.constant 4 : i32
    %dma_start3A_338 = arith.constant 0 : i32
    %dma_start3A_339 = arith.constant 0 : i32
    %dma_start3A_340 = tpu.memref_slice %arg2[%add3A, %dma_start3A_337, %dma_start3A_338, %dma_start3A_339] : memref<32x5x25x80xi32, #tpu.memory_space<hbm>> -> memref<1x1x25x80xi32, #tpu.memory_space<hbm>>
    %dma_start3A_341 = tpu.memref_squeeze %dma_start3A_340 : memref<1x1x25x80xi32, #tpu.memory_space<hbm>> -> memref<25x80xi32, #tpu.memory_space<hbm>>
    %dma_start3A_342 = arith.constant 0 : i32
    %dma_start3A_343 = arith.constant 0 : i32
    %dma_start3A_344 = tpu.memref_slice %arg2[%add3A, %dma_start3A_337, %dma_start3A_342, %dma_start3A_343] : memref<32x5x25x80xi32, #tpu.memory_space<hbm>> -> memref<1x1x25x80xi32, #tpu.memory_space<hbm>>
    %dma_start3A_345 = tpu.memref_squeeze %dma_start3A_344 : memref<1x1x25x80xi32, #tpu.memory_space<hbm>> -> memref<25x80xi32, #tpu.memory_space<hbm>>
    tpu.enqueue_dma source(%dma_start3A_345 : memref<25x80xi32, #tpu.memory_space<hbm>>) target(%arg8 : memref<25x80xi32, #tpu.memory_space<vmem>>) target_semaphore(%arg20 : memref<!tpu.dma_semaphore, #tpu.memory_space<semaphore_mem>>)
    %dma_start3A_346 = arith.constant 4 : i32
    %dma_start3A_347 = arith.constant 0 : i32
    %dma_start3A_348 = arith.constant 0 : i32
    %dma_start3A_349 = tpu.memref_slice %arg3[%add3A, %dma_start3A_346, %dma_start3A_347, %dma_start3A_348] : memref<32x5x25x80xi32, #tpu.memory_space<hbm>> -> memref<1x1x25x80xi32, #tpu.memory_space<hbm>>
    %dma_start3A_350 = tpu.memref_squeeze %dma_start3A_349 : memref<1x1x25x80xi32, #tpu.memory_space<hbm>> -> memref<25x80xi32, #tpu.memory_space<hbm>>
    %dma_start3A_351 = arith.constant 0 : i32
    %dma_start3A_352 = arith.constant 0 : i32
    %dma_start3A_353 = tpu.memref_slice %arg3[%add3A, %dma_start3A_346, %dma_start3A_351, %dma_start3A_352] : memref<32x5x25x80xi32, #tpu.memory_space<hbm>> -> memref<1x1x25x80xi32, #tpu.memory_space<hbm>>
    %dma_start3A_354 = tpu.memref_squeeze %dma_start3A_353 : memref<1x1x25x80xi32, #tpu.memory_space<hbm>> -> memref<25x80xi32, #tpu.memory_space<hbm>>
    tpu.enqueue_dma source(%dma_start3A_354 : memref<25x80xi32, #tpu.memory_space<hbm>>) target(%arg9 : memref<25x80xi32, #tpu.memory_space<vmem>>) target_semaphore(%arg20 : memref<!tpu.dma_semaphore, #tpu.memory_space<semaphore_mem>>)
    %dma_start3A_355 = arith.constant 0 : i32
    %dma_start3A_356 = arith.constant 0 : i32
    %dma_start3A_357 = tpu.memref_slice %arg10[%dma_start3A_355, %dma_start3A_356] : memref<25x80xi32, #tpu.memory_space<vmem>> -> memref<1x80xi32, #tpu.memory_space<vmem>>
    %dma_start3A_358 = tpu.memref_squeeze %dma_start3A_357 : memref<1x80xi32, #tpu.memory_space<vmem>> -> memref<80xi32, #tpu.memory_space<vmem>>
    %dma_start3A_359 = arith.constant 0 : i32
    %dma_start3A_360 = arith.constant 0 : i32
    %dma_start3A_361 = tpu.memref_slice %arg4[%dma_start3A_359, %dma_start3A_360] : memref<10000x128xf32, #tpu.memory_space<hbm>> -> memref<10000x128xf32, #tpu.memory_space<hbm>>
    tpu.enqueue_indirect_dma source(%dma_start3A_361 : memref<10000x128xf32, #tpu.memory_space<hbm>>) target(%arg12 : memref<80x128xf32, #tpu.memory_space<vmem>>) offsets(%dma_start3A_358 : memref<80xi32, #tpu.memory_space<vmem>>) semaphore(%arg18 : memref<!tpu.dma_semaphore, #tpu.memory_space<semaphore_mem>>)
    %scan3A_362 = arith.constant 0 : i32
    %scan3A_363 = arith.constant 0 : i32
    %scan3A_364 = arith.constant 12 : i32
    %scan3A_365 = arith.addi %scan3A_363, %scan3A_364 : i32
    %scan3A_366 = arith.constant 1 : i32
    scf.for %scan3A_585 = %scan3A_363 to %scan3A_365 step %scan3A_366  : i32 {
      %mul3A_586 = arith.constant 2 : i32
      %mul3A_587 = arith.muli %mul3A_586, %scan3A_585 : i32
      %add3A_588 = arith.constant 1 : i32
      %add3A_589 = arith.addi %mul3A_587, %add3A_588 : i32
      %dma_start3A_590 = arith.constant 0 : i32
      %dma_start3A_591 = tpu.memref_slice %arg10[%add3A_589, %dma_start3A_590] : memref<25x80xi32, #tpu.memory_space<vmem>> -> memref<1x80xi32, #tpu.memory_space<vmem>>
      %dma_start3A_592 = tpu.memref_squeeze %dma_start3A_591 : memref<1x80xi32, #tpu.memory_space<vmem>> -> memref<80xi32, #tpu.memory_space<vmem>>
      %dma_start3A_593 = arith.constant 0 : i32
      %dma_start3A_594 = arith.constant 0 : i32
      %dma_start3A_595 = tpu.memref_slice %arg4[%dma_start3A_593, %dma_start3A_594] : memref<10000x128xf32, #tpu.memory_space<hbm>> -> memref<10000x128xf32, #tpu.memory_space<hbm>>
      tpu.enqueue_indirect_dma source(%dma_start3A_595 : memref<10000x128xf32, #tpu.memory_space<hbm>>) target(%arg13 : memref<80x128xf32, #tpu.memory_space<vmem>>) offsets(%dma_start3A_592 : memref<80xi32, #tpu.memory_space<vmem>>) semaphore(%arg19 : memref<!tpu.dma_semaphore, #tpu.memory_space<semaphore_mem>>)
      %dma_wait3A_596 = arith.constant 0 : i32
      %dma_wait3A_597 = tpu.memref_slice %arg10[%mul3A_587, %dma_wait3A_596] : memref<25x80xi32, #tpu.memory_space<vmem>> -> memref<1x80xi32, #tpu.memory_space<vmem>>
      %dma_wait3A_598 = tpu.memref_squeeze %dma_wait3A_597 : memref<1x80xi32, #tpu.memory_space<vmem>> -> memref<80xi32, #tpu.memory_space<vmem>>
      %dma_wait3A_599 = arith.constant 0 : i32
      %dma_wait3A_600 = arith.constant 0 : i32
      %dma_wait3A_601 = tpu.memref_slice %arg4[%dma_wait3A_599, %dma_wait3A_600] : memref<10000x128xf32, #tpu.memory_space<hbm>> -> memref<10000x128xf32, #tpu.memory_space<hbm>>
      tpu.wait_indirect_dma semaphore(%arg18 : memref<!tpu.dma_semaphore, #tpu.memory_space<semaphore_mem>>) src(%dma_wait3A_601 : memref<10000x128xf32, #tpu.memory_space<hbm>>) dst(%arg12 : memref<80x128xf32, #tpu.memory_space<vmem>>)
      "tpu.region"() ({
        %run_scoped3A_622 = tpu.sem_alloc : memref<!tpu.dma_semaphore, #tpu.memory_space<semaphore_mem>>
        %dma_start3A_623 = arith.constant 0 : i32
        %dma_start3A_624 = tpu.memref_slice %arg11[%mul3A_587, %dma_start3A_623] : memref<25x80xi32, #tpu.memory_space<vmem>> -> memref<1x80xi32, #tpu.memory_space<vmem>>
        %dma_start3A_625 = tpu.memref_squeeze %dma_start3A_624 : memref<1x80xi32, #tpu.memory_space<vmem>> -> memref<80xi32, #tpu.memory_space<vmem>>
        %dma_start3A_626 = arith.constant 0 : i32
        %dma_start3A_627 = arith.constant 0 : i32
        %dma_start3A_628 = tpu.memref_slice %arg16[%dma_start3A_626, %dma_start3A_627] : memref<10016x128xf32, #tpu.memory_space<vmem_shared>> -> memref<10016x128xf32, #tpu.memory_space<vmem_shared>>
        tpu.enqueue_indirect_dma source(%arg12 : memref<80x128xf32, #tpu.memory_space<vmem>>) target(%dma_start3A_628 : memref<10016x128xf32, #tpu.memory_space<vmem_shared>>) offsets(%dma_start3A_625 : memref<80xi32, #tpu.memory_space<vmem>>) semaphore(%run_scoped3A_622 : memref<!tpu.dma_semaphore, #tpu.memory_space<semaphore_mem>>) {add = true}
        %dma_wait3A_629 = arith.constant 0 : i32
        %dma_wait3A_630 = tpu.memref_slice %arg11[%mul3A_587, %dma_wait3A_629] : memref<25x80xi32, #tpu.memory_space<vmem>> -> memref<1x80xi32, #tpu.memory_space<vmem>>
        %dma_wait3A_631 = tpu.memref_squeeze %dma_wait3A_630 : memref<1x80xi32, #tpu.memory_space<vmem>> -> memref<80xi32, #tpu.memory_space<vmem>>
        %dma_wait3A_632 = arith.constant 0 : i32
        %dma_wait3A_633 = arith.constant 0 : i32
        %dma_wait3A_634 = tpu.memref_slice %arg16[%dma_wait3A_632, %dma_wait3A_633] : memref<10016x128xf32, #tpu.memory_space<vmem_shared>> -> memref<10016x128xf32, #tpu.memory_space<vmem_shared>>
        tpu.wait_indirect_dma semaphore(%run_scoped3A_622 : memref<!tpu.dma_semaphore, #tpu.memory_space<semaphore_mem>>) src(%arg12 : memref<80x128xf32, #tpu.memory_space<vmem>>) dst(%dma_wait3A_634 : memref<10016x128xf32, #tpu.memory_space<vmem_shared>>)
        tpu.yield
      }) : () -> ()
      "tpu.region"() ({
        %run_scoped3A_622 = tpu.sem_alloc : memref<!tpu.dma_semaphore, #tpu.memory_space<semaphore_mem>>
        %dma_start3A_623 = arith.constant 0 : i32
        %dma_start3A_624 = tpu.memref_slice %arg11[%mul3A_587, %dma_start3A_623] : memref<25x80xi32, #tpu.memory_space<vmem>> -> memref<1x80xi32, #tpu.memory_space<vmem>>
        %dma_start3A_625 = tpu.memref_squeeze %dma_start3A_624 : memref<1x80xi32, #tpu.memory_space<vmem>> -> memref<80xi32, #tpu.memory_space<vmem>>
        %dma_start3A_626 = arith.constant 0 : i32
        %dma_start3A_627 = tpu.memref_slice %arg17[%dma_start3A_626] : memref<10240xf32, #tpu.memory_space<vmem_shared>> -> memref<10240xf32, #tpu.memory_space<vmem_shared>>
        tpu.enqueue_indirect_dma source(%arg15 : memref<80xf32, #tpu.memory_space<vmem>>) target(%dma_start3A_627 : memref<10240xf32, #tpu.memory_space<vmem_shared>>) offsets(%dma_start3A_625 : memref<80xi32, #tpu.memory_space<vmem>>) semaphore(%run_scoped3A_622 : memref<!tpu.dma_semaphore, #tpu.memory_space<semaphore_mem>>) {add = true}
        %dma_wait3A_628 = arith.constant 0 : i32
        %dma_wait3A_629 = tpu.memref_slice %arg11[%mul3A_587, %dma_wait3A_628] : memref<25x80xi32, #tpu.memory_space<vmem>> -> memref<1x80xi32, #tpu.memory_space<vmem>>
        %dma_wait3A_630 = tpu.memref_squeeze %dma_wait3A_629 : memref<1x80xi32, #tpu.memory_space<vmem>> -> memref<80xi32, #tpu.memory_space<vmem>>
        %dma_wait3A_631 = arith.constant 0 : i32
        %dma_wait3A_632 = tpu.memref_slice %arg17[%dma_wait3A_631] : memref<10240xf32, #tpu.memory_space<vmem_shared>> -> memref<10240xf32, #tpu.memory_space<vmem_shared>>
        tpu.wait_indirect_dma semaphore(%run_scoped3A_622 : memref<!tpu.dma_semaphore, #tpu.memory_space<semaphore_mem>>) src(%arg15 : memref<80xf32, #tpu.memory_space<vmem>>) dst(%dma_wait3A_632 : memref<10240xf32, #tpu.memory_space<vmem_shared>>)
        tpu.yield
      }) : () -> ()
      %add3A_602 = arith.constant 2 : i32
      %add3A_603 = arith.addi %mul3A_587, %add3A_602 : i32
      %dma_start3A_604 = arith.constant 0 : i32
      %dma_start3A_605 = tpu.memref_slice %arg10[%add3A_603, %dma_start3A_604] : memref<25x80xi32, #tpu.memory_space<vmem>> -> memref<1x80xi32, #tpu.memory_space<vmem>>
      %dma_start3A_606 = tpu.memref_squeeze %dma_start3A_605 : memref<1x80xi32, #tpu.memory_space<vmem>> -> memref<80xi32, #tpu.memory_space<vmem>>
      %dma_start3A_607 = arith.constant 0 : i32
      %dma_start3A_608 = arith.constant 0 : i32
      %dma_start3A_609 = tpu.memref_slice %arg4[%dma_start3A_607, %dma_start3A_608] : memref<10000x128xf32, #tpu.memory_space<hbm>> -> memref<10000x128xf32, #tpu.memory_space<hbm>>
      tpu.enqueue_indirect_dma source(%dma_start3A_609 : memref<10000x128xf32, #tpu.memory_space<hbm>>) target(%arg12 : memref<80x128xf32, #tpu.memory_space<vmem>>) offsets(%dma_start3A_606 : memref<80xi32, #tpu.memory_space<vmem>>) semaphore(%arg18 : memref<!tpu.dma_semaphore, #tpu.memory_space<semaphore_mem>>)
      %add3A_610 = arith.constant 1 : i32
      %add3A_611 = arith.addi %mul3A_587, %add3A_610 : i32
      %dma_wait3A_612 = arith.constant 0 : i32
      %dma_wait3A_613 = tpu.memref_slice %arg10[%add3A_611, %dma_wait3A_612] : memref<25x80xi32, #tpu.memory_space<vmem>> -> memref<1x80xi32, #tpu.memory_space<vmem>>
      %dma_wait3A_614 = tpu.memref_squeeze %dma_wait3A_613 : memref<1x80xi32, #tpu.memory_space<vmem>> -> memref<80xi32, #tpu.memory_space<vmem>>
      %dma_wait3A_615 = arith.constant 0 : i32
      %dma_wait3A_616 = arith.constant 0 : i32
      %dma_wait3A_617 = tpu.memref_slice %arg4[%dma_wait3A_615, %dma_wait3A_616] : memref<10000x128xf32, #tpu.memory_space<hbm>> -> memref<10000x128xf32, #tpu.memory_space<hbm>>
      tpu.wait_indirect_dma semaphore(%arg19 : memref<!tpu.dma_semaphore, #tpu.memory_space<semaphore_mem>>) src(%dma_wait3A_617 : memref<10000x128xf32, #tpu.memory_space<hbm>>) dst(%arg13 : memref<80x128xf32, #tpu.memory_space<vmem>>)
      %add3A_618 = arith.constant 1 : i32
      %add3A_619 = arith.addi %mul3A_587, %add3A_618 : i32
      "tpu.region"() ({
        %run_scoped3A_622 = tpu.sem_alloc : memref<!tpu.dma_semaphore, #tpu.memory_space<semaphore_mem>>
        %dma_start3A_623 = arith.constant 0 : i32
        %dma_start3A_624 = tpu.memref_slice %arg11[%add3A_619, %dma_start3A_623] : memref<25x80xi32, #tpu.memory_space<vmem>> -> memref<1x80xi32, #tpu.memory_space<vmem>>
        %dma_start3A_625 = tpu.memref_squeeze %dma_start3A_624 : memref<1x80xi32, #tpu.memory_space<vmem>> -> memref<80xi32, #tpu.memory_space<vmem>>
        %dma_start3A_626 = arith.constant 0 : i32
        %dma_start3A_627 = arith.constant 0 : i32
        %dma_start3A_628 = tpu.memref_slice %arg16[%dma_start3A_626, %dma_start3A_627] : memref<10016x128xf32, #tpu.memory_space<vmem_shared>> -> memref<10016x128xf32, #tpu.memory_space<vmem_shared>>
        tpu.enqueue_indirect_dma source(%arg13 : memref<80x128xf32, #tpu.memory_space<vmem>>) target(%dma_start3A_628 : memref<10016x128xf32, #tpu.memory_space<vmem_shared>>) offsets(%dma_start3A_625 : memref<80xi32, #tpu.memory_space<vmem>>) semaphore(%run_scoped3A_622 : memref<!tpu.dma_semaphore, #tpu.memory_space<semaphore_mem>>) {add = true}
        %dma_wait3A_629 = arith.constant 0 : i32
        %dma_wait3A_630 = tpu.memref_slice %arg11[%add3A_619, %dma_wait3A_629] : memref<25x80xi32, #tpu.memory_space<vmem>> -> memref<1x80xi32, #tpu.memory_space<vmem>>
        %dma_wait3A_631 = tpu.memref_squeeze %dma_wait3A_630 : memref<1x80xi32, #tpu.memory_space<vmem>> -> memref<80xi32, #tpu.memory_space<vmem>>
        %dma_wait3A_632 = arith.constant 0 : i32
        %dma_wait3A_633 = arith.constant 0 : i32
        %dma_wait3A_634 = tpu.memref_slice %arg16[%dma_wait3A_632, %dma_wait3A_633] : memref<10016x128xf32, #tpu.memory_space<vmem_shared>> -> memref<10016x128xf32, #tpu.memory_space<vmem_shared>>
        tpu.wait_indirect_dma semaphore(%run_scoped3A_622 : memref<!tpu.dma_semaphore, #tpu.memory_space<semaphore_mem>>) src(%arg13 : memref<80x128xf32, #tpu.memory_space<vmem>>) dst(%dma_wait3A_634 : memref<10016x128xf32, #tpu.memory_space<vmem_shared>>)
        tpu.yield
      }) : () -> ()
      %add3A_620 = arith.constant 1 : i32
      %add3A_621 = arith.addi %mul3A_587, %add3A_620 : i32
      "tpu.region"() ({
        %run_scoped3A_622 = tpu.sem_alloc : memref<!tpu.dma_semaphore, #tpu.memory_space<semaphore_mem>>
        %dma_start3A_623 = arith.constant 0 : i32
        %dma_start3A_624 = tpu.memref_slice %arg11[%add3A_621, %dma_start3A_623] : memref<25x80xi32, #tpu.memory_space<vmem>> -> memref<1x80xi32, #tpu.memory_space<vmem>>
        %dma_start3A_625 = tpu.memref_squeeze %dma_start3A_624 : memref<1x80xi32, #tpu.memory_space<vmem>> -> memref<80xi32, #tpu.memory_space<vmem>>
        %dma_start3A_626 = arith.constant 0 : i32
        %dma_start3A_627 = tpu.memref_slice %arg17[%dma_start3A_626] : memref<10240xf32, #tpu.memory_space<vmem_shared>> -> memref<10240xf32, #tpu.memory_space<vmem_shared>>
        tpu.enqueue_indirect_dma source(%arg15 : memref<80xf32, #tpu.memory_space<vmem>>) target(%dma_start3A_627 : memref<10240xf32, #tpu.memory_space<vmem_shared>>) offsets(%dma_start3A_625 : memref<80xi32, #tpu.memory_space<vmem>>) semaphore(%run_scoped3A_622 : memref<!tpu.dma_semaphore, #tpu.memory_space<semaphore_mem>>) {add = true}
        %dma_wait3A_628 = arith.constant 0 : i32
        %dma_wait3A_629 = tpu.memref_slice %arg11[%add3A_621, %dma_wait3A_628] : memref<25x80xi32, #tpu.memory_space<vmem>> -> memref<1x80xi32, #tpu.memory_space<vmem>>
        %dma_wait3A_630 = tpu.memref_squeeze %dma_wait3A_629 : memref<1x80xi32, #tpu.memory_space<vmem>> -> memref<80xi32, #tpu.memory_space<vmem>>
        %dma_wait3A_631 = arith.constant 0 : i32
        %dma_wait3A_632 = tpu.memref_slice %arg17[%dma_wait3A_631] : memref<10240xf32, #tpu.memory_space<vmem_shared>> -> memref<10240xf32, #tpu.memory_space<vmem_shared>>
        tpu.wait_indirect_dma semaphore(%run_scoped3A_622 : memref<!tpu.dma_semaphore, #tpu.memory_space<semaphore_mem>>) src(%arg15 : memref<80xf32, #tpu.memory_space<vmem>>) dst(%dma_wait3A_632 : memref<10240xf32, #tpu.memory_space<vmem_shared>>)
        tpu.yield
      }) : () -> ()
    }
    %scan3A_367 = arith.constant 12 : i32
    %dma_wait3A_368 = arith.constant 24 : i32
    %dma_wait3A_369 = arith.constant 0 : i32
    %dma_wait3A_370 = tpu.memref_slice %arg10[%dma_wait3A_368, %dma_wait3A_369] : memref<25x80xi32, #tpu.memory_space<vmem>> -> memref<1x80xi32, #tpu.memory_space<vmem>>
    %dma_wait3A_371 = tpu.memref_squeeze %dma_wait3A_370 : memref<1x80xi32, #tpu.memory_space<vmem>> -> memref<80xi32, #tpu.memory_space<vmem>>
    %dma_wait3A_372 = arith.constant 0 : i32
    %dma_wait3A_373 = arith.constant 0 : i32
    %dma_wait3A_374 = tpu.memref_slice %arg4[%dma_wait3A_372, %dma_wait3A_373] : memref<10000x128xf32, #tpu.memory_space<hbm>> -> memref<10000x128xf32, #tpu.memory_space<hbm>>
    tpu.wait_indirect_dma semaphore(%arg18 : memref<!tpu.dma_semaphore, #tpu.memory_space<semaphore_mem>>) src(%dma_wait3A_374 : memref<10000x128xf32, #tpu.memory_space<hbm>>) dst(%arg12 : memref<80x128xf32, #tpu.memory_space<vmem>>)
    %run_scoped3A_375 = arith.constant 24 : i32
    "tpu.region"() ({
      %run_scoped3A_585 = tpu.sem_alloc : memref<!tpu.dma_semaphore, #tpu.memory_space<semaphore_mem>>
      %dma_start3A_586 = arith.constant 0 : i32
      %dma_start3A_587 = tpu.memref_slice %arg11[%run_scoped3A_375, %dma_start3A_586] : memref<25x80xi32, #tpu.memory_space<vmem>> -> memref<1x80xi32, #tpu.memory_space<vmem>>
      %dma_start3A_588 = tpu.memref_squeeze %dma_start3A_587 : memref<1x80xi32, #tpu.memory_space<vmem>> -> memref<80xi32, #tpu.memory_space<vmem>>
      %dma_start3A_589 = arith.constant 0 : i32
      %dma_start3A_590 = arith.constant 0 : i32
      %dma_start3A_591 = tpu.memref_slice %arg16[%dma_start3A_589, %dma_start3A_590] : memref<10016x128xf32, #tpu.memory_space<vmem_shared>> -> memref<10016x128xf32, #tpu.memory_space<vmem_shared>>
      tpu.enqueue_indirect_dma source(%arg12 : memref<80x128xf32, #tpu.memory_space<vmem>>) target(%dma_start3A_591 : memref<10016x128xf32, #tpu.memory_space<vmem_shared>>) offsets(%dma_start3A_588 : memref<80xi32, #tpu.memory_space<vmem>>) semaphore(%run_scoped3A_585 : memref<!tpu.dma_semaphore, #tpu.memory_space<semaphore_mem>>) {add = true}
      %dma_wait3A_592 = arith.constant 0 : i32
      %dma_wait3A_593 = tpu.memref_slice %arg11[%run_scoped3A_375, %dma_wait3A_592] : memref<25x80xi32, #tpu.memory_space<vmem>> -> memref<1x80xi32, #tpu.memory_space<vmem>>
      %dma_wait3A_594 = tpu.memref_squeeze %dma_wait3A_593 : memref<1x80xi32, #tpu.memory_space<vmem>> -> memref<80xi32, #tpu.memory_space<vmem>>
      %dma_wait3A_595 = arith.constant 0 : i32
      %dma_wait3A_596 = arith.constant 0 : i32
      %dma_wait3A_597 = tpu.memref_slice %arg16[%dma_wait3A_595, %dma_wait3A_596] : memref<10016x128xf32, #tpu.memory_space<vmem_shared>> -> memref<10016x128xf32, #tpu.memory_space<vmem_shared>>
      tpu.wait_indirect_dma semaphore(%run_scoped3A_585 : memref<!tpu.dma_semaphore, #tpu.memory_space<semaphore_mem>>) src(%arg12 : memref<80x128xf32, #tpu.memory_space<vmem>>) dst(%dma_wait3A_597 : memref<10016x128xf32, #tpu.memory_space<vmem_shared>>)
      tpu.yield
    }) : () -> ()
    %run_scoped3A_376 = arith.constant 24 : i32
    "tpu.region"() ({
      %run_scoped3A_585 = tpu.sem_alloc : memref<!tpu.dma_semaphore, #tpu.memory_space<semaphore_mem>>
      %dma_start3A_586 = arith.constant 0 : i32
      %dma_start3A_587 = tpu.memref_slice %arg11[%run_scoped3A_376, %dma_start3A_586] : memref<25x80xi32, #tpu.memory_space<vmem>> -> memref<1x80xi32, #tpu.memory_space<vmem>>
      %dma_start3A_588 = tpu.memref_squeeze %dma_start3A_587 : memref<1x80xi32, #tpu.memory_space<vmem>> -> memref<80xi32, #tpu.memory_space<vmem>>
      %dma_start3A_589 = arith.constant 0 : i32
      %dma_start3A_590 = tpu.memref_slice %arg17[%dma_start3A_589] : memref<10240xf32, #tpu.memory_space<vmem_shared>> -> memref<10240xf32, #tpu.memory_space<vmem_shared>>
      tpu.enqueue_indirect_dma source(%arg15 : memref<80xf32, #tpu.memory_space<vmem>>) target(%dma_start3A_590 : memref<10240xf32, #tpu.memory_space<vmem_shared>>) offsets(%dma_start3A_588 : memref<80xi32, #tpu.memory_space<vmem>>) semaphore(%run_scoped3A_585 : memref<!tpu.dma_semaphore, #tpu.memory_space<semaphore_mem>>) {add = true}
      %dma_wait3A_591 = arith.constant 0 : i32
      %dma_wait3A_592 = tpu.memref_slice %arg11[%run_scoped3A_376, %dma_wait3A_591] : memref<25x80xi32, #tpu.memory_space<vmem>> -> memref<1x80xi32, #tpu.memory_space<vmem>>
      %dma_wait3A_593 = tpu.memref_squeeze %dma_wait3A_592 : memref<1x80xi32, #tpu.memory_space<vmem>> -> memref<80xi32, #tpu.memory_space<vmem>>
      %dma_wait3A_594 = arith.constant 0 : i32
      %dma_wait3A_595 = tpu.memref_slice %arg17[%dma_wait3A_594] : memref<10240xf32, #tpu.memory_space<vmem_shared>> -> memref<10240xf32, #tpu.memory_space<vmem_shared>>
      tpu.wait_indirect_dma semaphore(%run_scoped3A_585 : memref<!tpu.dma_semaphore, #tpu.memory_space<semaphore_mem>>) src(%arg15 : memref<80xf32, #tpu.memory_space<vmem>>) dst(%dma_wait3A_595 : memref<10240xf32, #tpu.memory_space<vmem_shared>>)
      tpu.yield
    }) : () -> ()
    %dma_wait3A_377 = arith.constant 4 : i32
    %dma_wait3A_378 = arith.constant 0 : i32
    %dma_wait3A_379 = arith.constant 0 : i32
    %dma_wait3A_380 = tpu.memref_slice %arg2[%add3A, %dma_wait3A_377, %dma_wait3A_378, %dma_wait3A_379] : memref<32x5x25x80xi32, #tpu.memory_space<hbm>> -> memref<1x1x25x80xi32, #tpu.memory_space<hbm>>
    %dma_wait3A_381 = tpu.memref_squeeze %dma_wait3A_380 : memref<1x1x25x80xi32, #tpu.memory_space<hbm>> -> memref<25x80xi32, #tpu.memory_space<hbm>>
    %dma_wait3A_382 = arith.constant 0 : i32
    %dma_wait3A_383 = arith.constant 0 : i32
    %dma_wait3A_384 = tpu.memref_slice %arg2[%add3A, %dma_wait3A_377, %dma_wait3A_382, %dma_wait3A_383] : memref<32x5x25x80xi32, #tpu.memory_space<hbm>> -> memref<1x1x25x80xi32, #tpu.memory_space<hbm>>
    %dma_wait3A_385 = tpu.memref_squeeze %dma_wait3A_384 : memref<1x1x25x80xi32, #tpu.memory_space<hbm>> -> memref<25x80xi32, #tpu.memory_space<hbm>>
    tpu.wait_dma2 semaphore(%arg20 : memref<!tpu.dma_semaphore, #tpu.memory_space<semaphore_mem>>) src(%dma_wait3A_385 : memref<25x80xi32, #tpu.memory_space<hbm>>) dst(%arg8 : memref<25x80xi32, #tpu.memory_space<vmem>>)
    %dma_wait3A_386 = arith.constant 4 : i32
    %dma_wait3A_387 = arith.constant 0 : i32
    %dma_wait3A_388 = arith.constant 0 : i32
    %dma_wait3A_389 = tpu.memref_slice %arg3[%add3A, %dma_wait3A_386, %dma_wait3A_387, %dma_wait3A_388] : memref<32x5x25x80xi32, #tpu.memory_space<hbm>> -> memref<1x1x25x80xi32, #tpu.memory_space<hbm>>
    %dma_wait3A_390 = tpu.memref_squeeze %dma_wait3A_389 : memref<1x1x25x80xi32, #tpu.memory_space<hbm>> -> memref<25x80xi32, #tpu.memory_space<hbm>>
    %dma_wait3A_391 = arith.constant 0 : i32
    %dma_wait3A_392 = arith.constant 0 : i32
    %dma_wait3A_393 = tpu.memref_slice %arg3[%add3A, %dma_wait3A_386, %dma_wait3A_391, %dma_wait3A_392] : memref<32x5x25x80xi32, #tpu.memory_space<hbm>> -> memref<1x1x25x80xi32, #tpu.memory_space<hbm>>
    %dma_wait3A_394 = tpu.memref_squeeze %dma_wait3A_393 : memref<1x1x25x80xi32, #tpu.memory_space<hbm>> -> memref<25x80xi32, #tpu.memory_space<hbm>>
    tpu.wait_dma2 semaphore(%arg20 : memref<!tpu.dma_semaphore, #tpu.memory_space<semaphore_mem>>) src(%dma_wait3A_394 : memref<25x80xi32, #tpu.memory_space<hbm>>) dst(%arg9 : memref<25x80xi32, #tpu.memory_space<vmem>>)
    %dma_start3A_395 = arith.constant 0 : i32
    %dma_start3A_396 = arith.constant 0 : i32
    %dma_start3A_397 = tpu.memref_slice %arg8[%dma_start3A_395, %dma_start3A_396] : memref<25x80xi32, #tpu.memory_space<vmem>> -> memref<1x80xi32, #tpu.memory_space<vmem>>
    %dma_start3A_398 = tpu.memref_squeeze %dma_start3A_397 : memref<1x80xi32, #tpu.memory_space<vmem>> -> memref<80xi32, #tpu.memory_space<vmem>>
    %dma_start3A_399 = arith.constant 0 : i32
    %dma_start3A_400 = arith.constant 0 : i32
    %dma_start3A_401 = tpu.memref_slice %arg4[%dma_start3A_399, %dma_start3A_400] : memref<10000x128xf32, #tpu.memory_space<hbm>> -> memref<10000x128xf32, #tpu.memory_space<hbm>>
    tpu.enqueue_indirect_dma source(%dma_start3A_401 : memref<10000x128xf32, #tpu.memory_space<hbm>>) target(%arg12 : memref<80x128xf32, #tpu.memory_space<vmem>>) offsets(%dma_start3A_398 : memref<80xi32, #tpu.memory_space<vmem>>) semaphore(%arg18 : memref<!tpu.dma_semaphore, #tpu.memory_space<semaphore_mem>>)
    %scan3A_402 = arith.constant 0 : i32
    %scan3A_403 = arith.constant 0 : i32
    %scan3A_404 = arith.constant 12 : i32
    %scan3A_405 = arith.addi %scan3A_403, %scan3A_404 : i32
    %scan3A_406 = arith.constant 1 : i32
    scf.for %scan3A_585 = %scan3A_403 to %scan3A_405 step %scan3A_406  : i32 {
      %mul3A_586 = arith.constant 2 : i32
      %mul3A_587 = arith.muli %mul3A_586, %scan3A_585 : i32
      %add3A_588 = arith.constant 1 : i32
      %add3A_589 = arith.addi %mul3A_587, %add3A_588 : i32
      %dma_start3A_590 = arith.constant 0 : i32
      %dma_start3A_591 = tpu.memref_slice %arg8[%add3A_589, %dma_start3A_590] : memref<25x80xi32, #tpu.memory_space<vmem>> -> memref<1x80xi32, #tpu.memory_space<vmem>>
      %dma_start3A_592 = tpu.memref_squeeze %dma_start3A_591 : memref<1x80xi32, #tpu.memory_space<vmem>> -> memref<80xi32, #tpu.memory_space<vmem>>
      %dma_start3A_593 = arith.constant 0 : i32
      %dma_start3A_594 = arith.constant 0 : i32
      %dma_start3A_595 = tpu.memref_slice %arg4[%dma_start3A_593, %dma_start3A_594] : memref<10000x128xf32, #tpu.memory_space<hbm>> -> memref<10000x128xf32, #tpu.memory_space<hbm>>
      tpu.enqueue_indirect_dma source(%dma_start3A_595 : memref<10000x128xf32, #tpu.memory_space<hbm>>) target(%arg13 : memref<80x128xf32, #tpu.memory_space<vmem>>) offsets(%dma_start3A_592 : memref<80xi32, #tpu.memory_space<vmem>>) semaphore(%arg19 : memref<!tpu.dma_semaphore, #tpu.memory_space<semaphore_mem>>)
      %dma_wait3A_596 = arith.constant 0 : i32
      %dma_wait3A_597 = tpu.memref_slice %arg8[%mul3A_587, %dma_wait3A_596] : memref<25x80xi32, #tpu.memory_space<vmem>> -> memref<1x80xi32, #tpu.memory_space<vmem>>
      %dma_wait3A_598 = tpu.memref_squeeze %dma_wait3A_597 : memref<1x80xi32, #tpu.memory_space<vmem>> -> memref<80xi32, #tpu.memory_space<vmem>>
      %dma_wait3A_599 = arith.constant 0 : i32
      %dma_wait3A_600 = arith.constant 0 : i32
      %dma_wait3A_601 = tpu.memref_slice %arg4[%dma_wait3A_599, %dma_wait3A_600] : memref<10000x128xf32, #tpu.memory_space<hbm>> -> memref<10000x128xf32, #tpu.memory_space<hbm>>
      tpu.wait_indirect_dma semaphore(%arg18 : memref<!tpu.dma_semaphore, #tpu.memory_space<semaphore_mem>>) src(%dma_wait3A_601 : memref<10000x128xf32, #tpu.memory_space<hbm>>) dst(%arg12 : memref<80x128xf32, #tpu.memory_space<vmem>>)
      "tpu.region"() ({
        %run_scoped3A_622 = tpu.sem_alloc : memref<!tpu.dma_semaphore, #tpu.memory_space<semaphore_mem>>
        %dma_start3A_623 = arith.constant 0 : i32
        %dma_start3A_624 = tpu.memref_slice %arg9[%mul3A_587, %dma_start3A_623] : memref<25x80xi32, #tpu.memory_space<vmem>> -> memref<1x80xi32, #tpu.memory_space<vmem>>
        %dma_start3A_625 = tpu.memref_squeeze %dma_start3A_624 : memref<1x80xi32, #tpu.memory_space<vmem>> -> memref<80xi32, #tpu.memory_space<vmem>>
        %dma_start3A_626 = arith.constant 0 : i32
        %dma_start3A_627 = arith.constant 0 : i32
        %dma_start3A_628 = tpu.memref_slice %arg16[%dma_start3A_626, %dma_start3A_627] : memref<10016x128xf32, #tpu.memory_space<vmem_shared>> -> memref<10016x128xf32, #tpu.memory_space<vmem_shared>>
        tpu.enqueue_indirect_dma source(%arg12 : memref<80x128xf32, #tpu.memory_space<vmem>>) target(%dma_start3A_628 : memref<10016x128xf32, #tpu.memory_space<vmem_shared>>) offsets(%dma_start3A_625 : memref<80xi32, #tpu.memory_space<vmem>>) semaphore(%run_scoped3A_622 : memref<!tpu.dma_semaphore, #tpu.memory_space<semaphore_mem>>) {add = true}
        %dma_wait3A_629 = arith.constant 0 : i32
        %dma_wait3A_630 = tpu.memref_slice %arg9[%mul3A_587, %dma_wait3A_629] : memref<25x80xi32, #tpu.memory_space<vmem>> -> memref<1x80xi32, #tpu.memory_space<vmem>>
        %dma_wait3A_631 = tpu.memref_squeeze %dma_wait3A_630 : memref<1x80xi32, #tpu.memory_space<vmem>> -> memref<80xi32, #tpu.memory_space<vmem>>
        %dma_wait3A_632 = arith.constant 0 : i32
        %dma_wait3A_633 = arith.constant 0 : i32
        %dma_wait3A_634 = tpu.memref_slice %arg16[%dma_wait3A_632, %dma_wait3A_633] : memref<10016x128xf32, #tpu.memory_space<vmem_shared>> -> memref<10016x128xf32, #tpu.memory_space<vmem_shared>>
        tpu.wait_indirect_dma semaphore(%run_scoped3A_622 : memref<!tpu.dma_semaphore, #tpu.memory_space<semaphore_mem>>) src(%arg12 : memref<80x128xf32, #tpu.memory_space<vmem>>) dst(%dma_wait3A_634 : memref<10016x128xf32, #tpu.memory_space<vmem_shared>>)
        tpu.yield
      }) : () -> ()
      "tpu.region"() ({
        %run_scoped3A_622 = tpu.sem_alloc : memref<!tpu.dma_semaphore, #tpu.memory_space<semaphore_mem>>
        %dma_start3A_623 = arith.constant 0 : i32
        %dma_start3A_624 = tpu.memref_slice %arg9[%mul3A_587, %dma_start3A_623] : memref<25x80xi32, #tpu.memory_space<vmem>> -> memref<1x80xi32, #tpu.memory_space<vmem>>
        %dma_start3A_625 = tpu.memref_squeeze %dma_start3A_624 : memref<1x80xi32, #tpu.memory_space<vmem>> -> memref<80xi32, #tpu.memory_space<vmem>>
        %dma_start3A_626 = arith.constant 0 : i32
        %dma_start3A_627 = tpu.memref_slice %arg17[%dma_start3A_626] : memref<10240xf32, #tpu.memory_space<vmem_shared>> -> memref<10240xf32, #tpu.memory_space<vmem_shared>>
        tpu.enqueue_indirect_dma source(%arg15 : memref<80xf32, #tpu.memory_space<vmem>>) target(%dma_start3A_627 : memref<10240xf32, #tpu.memory_space<vmem_shared>>) offsets(%dma_start3A_625 : memref<80xi32, #tpu.memory_space<vmem>>) semaphore(%run_scoped3A_622 : memref<!tpu.dma_semaphore, #tpu.memory_space<semaphore_mem>>) {add = true}
        %dma_wait3A_628 = arith.constant 0 : i32
        %dma_wait3A_629 = tpu.memref_slice %arg9[%mul3A_587, %dma_wait3A_628] : memref<25x80xi32, #tpu.memory_space<vmem>> -> memref<1x80xi32, #tpu.memory_space<vmem>>
        %dma_wait3A_630 = tpu.memref_squeeze %dma_wait3A_629 : memref<1x80xi32, #tpu.memory_space<vmem>> -> memref<80xi32, #tpu.memory_space<vmem>>
        %dma_wait3A_631 = arith.constant 0 : i32
        %dma_wait3A_632 = tpu.memref_slice %arg17[%dma_wait3A_631] : memref<10240xf32, #tpu.memory_space<vmem_shared>> -> memref<10240xf32, #tpu.memory_space<vmem_shared>>
        tpu.wait_indirect_dma semaphore(%run_scoped3A_622 : memref<!tpu.dma_semaphore, #tpu.memory_space<semaphore_mem>>) src(%arg15 : memref<80xf32, #tpu.memory_space<vmem>>) dst(%dma_wait3A_632 : memref<10240xf32, #tpu.memory_space<vmem_shared>>)
        tpu.yield
      }) : () -> ()
      %add3A_602 = arith.constant 2 : i32
      %add3A_603 = arith.addi %mul3A_587, %add3A_602 : i32
      %dma_start3A_604 = arith.constant 0 : i32
      %dma_start3A_605 = tpu.memref_slice %arg8[%add3A_603, %dma_start3A_604] : memref<25x80xi32, #tpu.memory_space<vmem>> -> memref<1x80xi32, #tpu.memory_space<vmem>>
      %dma_start3A_606 = tpu.memref_squeeze %dma_start3A_605 : memref<1x80xi32, #tpu.memory_space<vmem>> -> memref<80xi32, #tpu.memory_space<vmem>>
      %dma_start3A_607 = arith.constant 0 : i32
      %dma_start3A_608 = arith.constant 0 : i32
      %dma_start3A_609 = tpu.memref_slice %arg4[%dma_start3A_607, %dma_start3A_608] : memref<10000x128xf32, #tpu.memory_space<hbm>> -> memref<10000x128xf32, #tpu.memory_space<hbm>>
      tpu.enqueue_indirect_dma source(%dma_start3A_609 : memref<10000x128xf32, #tpu.memory_space<hbm>>) target(%arg12 : memref<80x128xf32, #tpu.memory_space<vmem>>) offsets(%dma_start3A_606 : memref<80xi32, #tpu.memory_space<vmem>>) semaphore(%arg18 : memref<!tpu.dma_semaphore, #tpu.memory_space<semaphore_mem>>)
      %add3A_610 = arith.constant 1 : i32
      %add3A_611 = arith.addi %mul3A_587, %add3A_610 : i32
      %dma_wait3A_612 = arith.constant 0 : i32
      %dma_wait3A_613 = tpu.memref_slice %arg8[%add3A_611, %dma_wait3A_612] : memref<25x80xi32, #tpu.memory_space<vmem>> -> memref<1x80xi32, #tpu.memory_space<vmem>>
      %dma_wait3A_614 = tpu.memref_squeeze %dma_wait3A_613 : memref<1x80xi32, #tpu.memory_space<vmem>> -> memref<80xi32, #tpu.memory_space<vmem>>
      %dma_wait3A_615 = arith.constant 0 : i32
      %dma_wait3A_616 = arith.constant 0 : i32
      %dma_wait3A_617 = tpu.memref_slice %arg4[%dma_wait3A_615, %dma_wait3A_616] : memref<10000x128xf32, #tpu.memory_space<hbm>> -> memref<10000x128xf32, #tpu.memory_space<hbm>>
      tpu.wait_indirect_dma semaphore(%arg19 : memref<!tpu.dma_semaphore, #tpu.memory_space<semaphore_mem>>) src(%dma_wait3A_617 : memref<10000x128xf32, #tpu.memory_space<hbm>>) dst(%arg13 : memref<80x128xf32, #tpu.memory_space<vmem>>)
      %add3A_618 = arith.constant 1 : i32
      %add3A_619 = arith.addi %mul3A_587, %add3A_618 : i32
      "tpu.region"() ({
        %run_scoped3A_622 = tpu.sem_alloc : memref<!tpu.dma_semaphore, #tpu.memory_space<semaphore_mem>>
        %dma_start3A_623 = arith.constant 0 : i32
        %dma_start3A_624 = tpu.memref_slice %arg9[%add3A_619, %dma_start3A_623] : memref<25x80xi32, #tpu.memory_space<vmem>> -> memref<1x80xi32, #tpu.memory_space<vmem>>
        %dma_start3A_625 = tpu.memref_squeeze %dma_start3A_624 : memref<1x80xi32, #tpu.memory_space<vmem>> -> memref<80xi32, #tpu.memory_space<vmem>>
        %dma_start3A_626 = arith.constant 0 : i32
        %dma_start3A_627 = arith.constant 0 : i32
        %dma_start3A_628 = tpu.memref_slice %arg16[%dma_start3A_626, %dma_start3A_627] : memref<10016x128xf32, #tpu.memory_space<vmem_shared>> -> memref<10016x128xf32, #tpu.memory_space<vmem_shared>>
        tpu.enqueue_indirect_dma source(%arg13 : memref<80x128xf32, #tpu.memory_space<vmem>>) target(%dma_start3A_628 : memref<10016x128xf32, #tpu.memory_space<vmem_shared>>) offsets(%dma_start3A_625 : memref<80xi32, #tpu.memory_space<vmem>>) semaphore(%run_scoped3A_622 : memref<!tpu.dma_semaphore, #tpu.memory_space<semaphore_mem>>) {add = true}
        %dma_wait3A_629 = arith.constant 0 : i32
        %dma_wait3A_630 = tpu.memref_slice %arg9[%add3A_619, %dma_wait3A_629] : memref<25x80xi32, #tpu.memory_space<vmem>> -> memref<1x80xi32, #tpu.memory_space<vmem>>
        %dma_wait3A_631 = tpu.memref_squeeze %dma_wait3A_630 : memref<1x80xi32, #tpu.memory_space<vmem>> -> memref<80xi32, #tpu.memory_space<vmem>>
        %dma_wait3A_632 = arith.constant 0 : i32
        %dma_wait3A_633 = arith.constant 0 : i32
        %dma_wait3A_634 = tpu.memref_slice %arg16[%dma_wait3A_632, %dma_wait3A_633] : memref<10016x128xf32, #tpu.memory_space<vmem_shared>> -> memref<10016x128xf32, #tpu.memory_space<vmem_shared>>
        tpu.wait_indirect_dma semaphore(%run_scoped3A_622 : memref<!tpu.dma_semaphore, #tpu.memory_space<semaphore_mem>>) src(%arg13 : memref<80x128xf32, #tpu.memory_space<vmem>>) dst(%dma_wait3A_634 : memref<10016x128xf32, #tpu.memory_space<vmem_shared>>)
        tpu.yield
      }) : () -> ()
      %add3A_620 = arith.constant 1 : i32
      %add3A_621 = arith.addi %mul3A_587, %add3A_620 : i32
      "tpu.region"() ({
        %run_scoped3A_622 = tpu.sem_alloc : memref<!tpu.dma_semaphore, #tpu.memory_space<semaphore_mem>>
        %dma_start3A_623 = arith.constant 0 : i32
        %dma_start3A_624 = tpu.memref_slice %arg9[%add3A_621, %dma_start3A_623] : memref<25x80xi32, #tpu.memory_space<vmem>> -> memref<1x80xi32, #tpu.memory_space<vmem>>
        %dma_start3A_625 = tpu.memref_squeeze %dma_start3A_624 : memref<1x80xi32, #tpu.memory_space<vmem>> -> memref<80xi32, #tpu.memory_space<vmem>>
        %dma_start3A_626 = arith.constant 0 : i32
        %dma_start3A_627 = tpu.memref_slice %arg17[%dma_start3A_626] : memref<10240xf32, #tpu.memory_space<vmem_shared>> -> memref<10240xf32, #tpu.memory_space<vmem_shared>>
        tpu.enqueue_indirect_dma source(%arg15 : memref<80xf32, #tpu.memory_space<vmem>>) target(%dma_start3A_627 : memref<10240xf32, #tpu.memory_space<vmem_shared>>) offsets(%dma_start3A_625 : memref<80xi32, #tpu.memory_space<vmem>>) semaphore(%run_scoped3A_622 : memref<!tpu.dma_semaphore, #tpu.memory_space<semaphore_mem>>) {add = true}
        %dma_wait3A_628 = arith.constant 0 : i32
        %dma_wait3A_629 = tpu.memref_slice %arg9[%add3A_621, %dma_wait3A_628] : memref<25x80xi32, #tpu.memory_space<vmem>> -> memref<1x80xi32, #tpu.memory_space<vmem>>
        %dma_wait3A_630 = tpu.memref_squeeze %dma_wait3A_629 : memref<1x80xi32, #tpu.memory_space<vmem>> -> memref<80xi32, #tpu.memory_space<vmem>>
        %dma_wait3A_631 = arith.constant 0 : i32
        %dma_wait3A_632 = tpu.memref_slice %arg17[%dma_wait3A_631] : memref<10240xf32, #tpu.memory_space<vmem_shared>> -> memref<10240xf32, #tpu.memory_space<vmem_shared>>
        tpu.wait_indirect_dma semaphore(%run_scoped3A_622 : memref<!tpu.dma_semaphore, #tpu.memory_space<semaphore_mem>>) src(%arg15 : memref<80xf32, #tpu.memory_space<vmem>>) dst(%dma_wait3A_632 : memref<10240xf32, #tpu.memory_space<vmem_shared>>)
        tpu.yield
      }) : () -> ()
    }
    %scan3A_407 = arith.constant 12 : i32
    %dma_wait3A_408 = arith.constant 24 : i32
    %dma_wait3A_409 = arith.constant 0 : i32
    %dma_wait3A_410 = tpu.memref_slice %arg8[%dma_wait3A_408, %dma_wait3A_409] : memref<25x80xi32, #tpu.memory_space<vmem>> -> memref<1x80xi32, #tpu.memory_space<vmem>>
    %dma_wait3A_411 = tpu.memref_squeeze %dma_wait3A_410 : memref<1x80xi32, #tpu.memory_space<vmem>> -> memref<80xi32, #tpu.memory_space<vmem>>
    %dma_wait3A_412 = arith.constant 0 : i32
    %dma_wait3A_413 = arith.constant 0 : i32
    %dma_wait3A_414 = tpu.memref_slice %arg4[%dma_wait3A_412, %dma_wait3A_413] : memref<10000x128xf32, #tpu.memory_space<hbm>> -> memref<10000x128xf32, #tpu.memory_space<hbm>>
    tpu.wait_indirect_dma semaphore(%arg18 : memref<!tpu.dma_semaphore, #tpu.memory_space<semaphore_mem>>) src(%dma_wait3A_414 : memref<10000x128xf32, #tpu.memory_space<hbm>>) dst(%arg12 : memref<80x128xf32, #tpu.memory_space<vmem>>)
    %run_scoped3A_415 = arith.constant 24 : i32
    "tpu.region"() ({
      %run_scoped3A_585 = tpu.sem_alloc : memref<!tpu.dma_semaphore, #tpu.memory_space<semaphore_mem>>
      %dma_start3A_586 = arith.constant 0 : i32
      %dma_start3A_587 = tpu.memref_slice %arg9[%run_scoped3A_415, %dma_start3A_586] : memref<25x80xi32, #tpu.memory_space<vmem>> -> memref<1x80xi32, #tpu.memory_space<vmem>>
      %dma_start3A_588 = tpu.memref_squeeze %dma_start3A_587 : memref<1x80xi32, #tpu.memory_space<vmem>> -> memref<80xi32, #tpu.memory_space<vmem>>
      %dma_start3A_589 = arith.constant 0 : i32
      %dma_start3A_590 = arith.constant 0 : i32
      %dma_start3A_591 = tpu.memref_slice %arg16[%dma_start3A_589, %dma_start3A_590] : memref<10016x128xf32, #tpu.memory_space<vmem_shared>> -> memref<10016x128xf32, #tpu.memory_space<vmem_shared>>
      tpu.enqueue_indirect_dma source(%arg12 : memref<80x128xf32, #tpu.memory_space<vmem>>) target(%dma_start3A_591 : memref<10016x128xf32, #tpu.memory_space<vmem_shared>>) offsets(%dma_start3A_588 : memref<80xi32, #tpu.memory_space<vmem>>) semaphore(%run_scoped3A_585 : memref<!tpu.dma_semaphore, #tpu.memory_space<semaphore_mem>>) {add = true}
      %dma_wait3A_592 = arith.constant 0 : i32
      %dma_wait3A_593 = tpu.memref_slice %arg9[%run_scoped3A_415, %dma_wait3A_592] : memref<25x80xi32, #tpu.memory_space<vmem>> -> memref<1x80xi32, #tpu.memory_space<vmem>>
      %dma_wait3A_594 = tpu.memref_squeeze %dma_wait3A_593 : memref<1x80xi32, #tpu.memory_space<vmem>> -> memref<80xi32, #tpu.memory_space<vmem>>
      %dma_wait3A_595 = arith.constant 0 : i32
      %dma_wait3A_596 = arith.constant 0 : i32
      %dma_wait3A_597 = tpu.memref_slice %arg16[%dma_wait3A_595, %dma_wait3A_596] : memref<10016x128xf32, #tpu.memory_space<vmem_shared>> -> memref<10016x128xf32, #tpu.memory_space<vmem_shared>>
      tpu.wait_indirect_dma semaphore(%run_scoped3A_585 : memref<!tpu.dma_semaphore, #tpu.memory_space<semaphore_mem>>) src(%arg12 : memref<80x128xf32, #tpu.memory_space<vmem>>) dst(%dma_wait3A_597 : memref<10016x128xf32, #tpu.memory_space<vmem_shared>>)
      tpu.yield
    }) : () -> ()
    %run_scoped3A_416 = arith.constant 24 : i32
    "tpu.region"() ({
      %run_scoped3A_585 = tpu.sem_alloc : memref<!tpu.dma_semaphore, #tpu.memory_space<semaphore_mem>>
      %dma_start3A_586 = arith.constant 0 : i32
      %dma_start3A_587 = tpu.memref_slice %arg9[%run_scoped3A_416, %dma_start3A_586] : memref<25x80xi32, #tpu.memory_space<vmem>> -> memref<1x80xi32, #tpu.memory_space<vmem>>
      %dma_start3A_588 = tpu.memref_squeeze %dma_start3A_587 : memref<1x80xi32, #tpu.memory_space<vmem>> -> memref<80xi32, #tpu.memory_space<vmem>>
      %dma_start3A_589 = arith.constant 0 : i32
      %dma_start3A_590 = tpu.memref_slice %arg17[%dma_start3A_589] : memref<10240xf32, #tpu.memory_space<vmem_shared>> -> memref<10240xf32, #tpu.memory_space<vmem_shared>>
      tpu.enqueue_indirect_dma source(%arg15 : memref<80xf32, #tpu.memory_space<vmem>>) target(%dma_start3A_590 : memref<10240xf32, #tpu.memory_space<vmem_shared>>) offsets(%dma_start3A_588 : memref<80xi32, #tpu.memory_space<vmem>>) semaphore(%run_scoped3A_585 : memref<!tpu.dma_semaphore, #tpu.memory_space<semaphore_mem>>) {add = true}
      %dma_wait3A_591 = arith.constant 0 : i32
      %dma_wait3A_592 = tpu.memref_slice %arg9[%run_scoped3A_416, %dma_wait3A_591] : memref<25x80xi32, #tpu.memory_space<vmem>> -> memref<1x80xi32, #tpu.memory_space<vmem>>
      %dma_wait3A_593 = tpu.memref_squeeze %dma_wait3A_592 : memref<1x80xi32, #tpu.memory_space<vmem>> -> memref<80xi32, #tpu.memory_space<vmem>>
      %dma_wait3A_594 = arith.constant 0 : i32
      %dma_wait3A_595 = tpu.memref_slice %arg17[%dma_wait3A_594] : memref<10240xf32, #tpu.memory_space<vmem_shared>> -> memref<10240xf32, #tpu.memory_space<vmem_shared>>
      tpu.wait_indirect_dma semaphore(%run_scoped3A_585 : memref<!tpu.dma_semaphore, #tpu.memory_space<semaphore_mem>>) src(%arg15 : memref<80xf32, #tpu.memory_space<vmem>>) dst(%dma_wait3A_595 : memref<10240xf32, #tpu.memory_space<vmem_shared>>)
      tpu.yield
    }) : () -> ()
    %barrier3A_417 = arith.constant 0 : index
    tpu.barrier barrier_id(%barrier3A_417)
    %dma_start3A_418 = arith.constant 0 : i32
    %dma_start3A_419 = tpu.memref_slice %arg16[%add3A_8, %dma_start3A_418] : memref<10016x128xf32, #tpu.memory_space<vmem_shared>> -> memref<80x128xf32, #tpu.memory_space<vmem_shared>>
    %dma_start3A_420 = arith.constant 0 : i32
    %dma_start3A_421 = tpu.memref_slice %arg16[%add3A_8, %dma_start3A_420] : memref<10016x128xf32, #tpu.memory_space<vmem_shared>> -> memref<80x128xf32, #tpu.memory_space<vmem_shared>>
    tpu.enqueue_dma source(%dma_start3A_421 : memref<80x128xf32, #tpu.memory_space<vmem_shared>>) target(%arg12 : memref<80x128xf32, #tpu.memory_space<vmem>>) target_semaphore(%arg18 : memref<!tpu.dma_semaphore, #tpu.memory_space<semaphore_mem>>)
    %dma_wait3A_422 = arith.constant 0 : i32
    %dma_wait3A_423 = tpu.memref_slice %arg16[%add3A_8, %dma_wait3A_422] : memref<10016x128xf32, #tpu.memory_space<vmem_shared>> -> memref<80x128xf32, #tpu.memory_space<vmem_shared>>
    %dma_wait3A_424 = arith.constant 0 : i32
    %dma_wait3A_425 = tpu.memref_slice %arg16[%add3A_8, %dma_wait3A_424] : memref<10016x128xf32, #tpu.memory_space<vmem_shared>> -> memref<80x128xf32, #tpu.memory_space<vmem_shared>>
    tpu.wait_dma2 semaphore(%arg18 : memref<!tpu.dma_semaphore, #tpu.memory_space<semaphore_mem>>) src(%dma_wait3A_425 : memref<80x128xf32, #tpu.memory_space<vmem_shared>>) dst(%arg12 : memref<80x128xf32, #tpu.memory_space<vmem>>)
    %dma_start3A_426 = arith.constant 0 : i32
    %dma_start3A_427 = tpu.memref_slice %arg5[%arg0, %add3A_8, %dma_start3A_426] : memref<2x10000x128xf32, #tpu.memory_space<hbm>> -> memref<1x80x128xf32, #tpu.memory_space<hbm>>
    %dma_start3A_428 = tpu.memref_squeeze %dma_start3A_427 : memref<1x80x128xf32, #tpu.memory_space<hbm>> -> memref<80x128xf32, #tpu.memory_space<hbm>>
    %dma_start3A_429 = arith.constant 0 : i32
    %dma_start3A_430 = tpu.memref_slice %arg5[%arg0, %add3A_8, %dma_start3A_429] : memref<2x10000x128xf32, #tpu.memory_space<hbm>> -> memref<1x80x128xf32, #tpu.memory_space<hbm>>
    %dma_start3A_431 = tpu.memref_squeeze %dma_start3A_430 : memref<1x80x128xf32, #tpu.memory_space<hbm>> -> memref<80x128xf32, #tpu.memory_space<hbm>>
    tpu.enqueue_dma source(%arg12 : memref<80x128xf32, #tpu.memory_space<vmem>>) target(%dma_start3A_431 : memref<80x128xf32, #tpu.memory_space<hbm>>) target_semaphore(%arg21 : memref<!tpu.dma_semaphore, #tpu.memory_space<semaphore_mem>>)
    %dma_start3A_432 = arith.constant 0 : i32
    %dma_start3A_433 = tpu.memref_slice %arg16[%add3A_10, %dma_start3A_432] : memref<10016x128xf32, #tpu.memory_space<vmem_shared>> -> memref<80x128xf32, #tpu.memory_space<vmem_shared>>
    %dma_start3A_434 = arith.constant 0 : i32
    %dma_start3A_435 = tpu.memref_slice %arg16[%add3A_10, %dma_start3A_434] : memref<10016x128xf32, #tpu.memory_space<vmem_shared>> -> memref<80x128xf32, #tpu.memory_space<vmem_shared>>
    tpu.enqueue_dma source(%dma_start3A_435 : memref<80x128xf32, #tpu.memory_space<vmem_shared>>) target(%arg13 : memref<80x128xf32, #tpu.memory_space<vmem>>) target_semaphore(%arg19 : memref<!tpu.dma_semaphore, #tpu.memory_space<semaphore_mem>>)
    %dma_wait3A_436 = arith.constant 0 : i32
    %dma_wait3A_437 = tpu.memref_slice %arg16[%add3A_10, %dma_wait3A_436] : memref<10016x128xf32, #tpu.memory_space<vmem_shared>> -> memref<80x128xf32, #tpu.memory_space<vmem_shared>>
    %dma_wait3A_438 = arith.constant 0 : i32
    %dma_wait3A_439 = tpu.memref_slice %arg16[%add3A_10, %dma_wait3A_438] : memref<10016x128xf32, #tpu.memory_space<vmem_shared>> -> memref<80x128xf32, #tpu.memory_space<vmem_shared>>
    tpu.wait_dma2 semaphore(%arg19 : memref<!tpu.dma_semaphore, #tpu.memory_space<semaphore_mem>>) src(%dma_wait3A_439 : memref<80x128xf32, #tpu.memory_space<vmem_shared>>) dst(%arg13 : memref<80x128xf32, #tpu.memory_space<vmem>>)
    %dma_start3A_440 = arith.constant 0 : i32
    %dma_start3A_441 = tpu.memref_slice %arg5[%arg0, %add3A_10, %dma_start3A_440] : memref<2x10000x128xf32, #tpu.memory_space<hbm>> -> memref<1x80x128xf32, #tpu.memory_space<hbm>>
    %dma_start3A_442 = tpu.memref_squeeze %dma_start3A_441 : memref<1x80x128xf32, #tpu.memory_space<hbm>> -> memref<80x128xf32, #tpu.memory_space<hbm>>
    %dma_start3A_443 = arith.constant 0 : i32
    %dma_start3A_444 = tpu.memref_slice %arg5[%arg0, %add3A_10, %dma_start3A_443] : memref<2x10000x128xf32, #tpu.memory_space<hbm>> -> memref<1x80x128xf32, #tpu.memory_space<hbm>>
    %dma_start3A_445 = tpu.memref_squeeze %dma_start3A_444 : memref<1x80x128xf32, #tpu.memory_space<hbm>> -> memref<80x128xf32, #tpu.memory_space<hbm>>
    tpu.enqueue_dma source(%arg13 : memref<80x128xf32, #tpu.memory_space<vmem>>) target(%dma_start3A_445 : memref<80x128xf32, #tpu.memory_space<hbm>>) target_semaphore(%arg21 : memref<!tpu.dma_semaphore, #tpu.memory_space<semaphore_mem>>)
    %dma_wait3A_446 = arith.constant 0 : i32
    %dma_wait3A_447 = tpu.memref_slice %arg5[%arg0, %add3A_8, %dma_wait3A_446] : memref<2x10000x128xf32, #tpu.memory_space<hbm>> -> memref<1x80x128xf32, #tpu.memory_space<hbm>>
    %dma_wait3A_448 = tpu.memref_squeeze %dma_wait3A_447 : memref<1x80x128xf32, #tpu.memory_space<hbm>> -> memref<80x128xf32, #tpu.memory_space<hbm>>
    %dma_wait3A_449 = arith.constant 0 : i32
    %dma_wait3A_450 = tpu.memref_slice %arg5[%arg0, %add3A_8, %dma_wait3A_449] : memref<2x10000x128xf32, #tpu.memory_space<hbm>> -> memref<1x80x128xf32, #tpu.memory_space<hbm>>
    %dma_wait3A_451 = tpu.memref_squeeze %dma_wait3A_450 : memref<1x80x128xf32, #tpu.memory_space<hbm>> -> memref<80x128xf32, #tpu.memory_space<hbm>>
    tpu.wait_dma2 semaphore(%arg21 : memref<!tpu.dma_semaphore, #tpu.memory_space<semaphore_mem>>) src(%arg12 : memref<80x128xf32, #tpu.memory_space<vmem>>) dst(%dma_wait3A_451 : memref<80x128xf32, #tpu.memory_space<hbm>>)
    %dma_start3A_452 = arith.constant 0 : i32
    %dma_start3A_453 = tpu.memref_slice %arg16[%add3A_12, %dma_start3A_452] : memref<10016x128xf32, #tpu.memory_space<vmem_shared>> -> memref<80x128xf32, #tpu.memory_space<vmem_shared>>
    %dma_start3A_454 = arith.constant 0 : i32
    %dma_start3A_455 = tpu.memref_slice %arg16[%add3A_12, %dma_start3A_454] : memref<10016x128xf32, #tpu.memory_space<vmem_shared>> -> memref<80x128xf32, #tpu.memory_space<vmem_shared>>
    tpu.enqueue_dma source(%dma_start3A_455 : memref<80x128xf32, #tpu.memory_space<vmem_shared>>) target(%arg12 : memref<80x128xf32, #tpu.memory_space<vmem>>) target_semaphore(%arg18 : memref<!tpu.dma_semaphore, #tpu.memory_space<semaphore_mem>>)
    %dma_wait3A_456 = arith.constant 0 : i32
    %dma_wait3A_457 = tpu.memref_slice %arg16[%add3A_12, %dma_wait3A_456] : memref<10016x128xf32, #tpu.memory_space<vmem_shared>> -> memref<80x128xf32, #tpu.memory_space<vmem_shared>>
    %dma_wait3A_458 = arith.constant 0 : i32
    %dma_wait3A_459 = tpu.memref_slice %arg16[%add3A_12, %dma_wait3A_458] : memref<10016x128xf32, #tpu.memory_space<vmem_shared>> -> memref<80x128xf32, #tpu.memory_space<vmem_shared>>
    tpu.wait_dma2 semaphore(%arg18 : memref<!tpu.dma_semaphore, #tpu.memory_space<semaphore_mem>>) src(%dma_wait3A_459 : memref<80x128xf32, #tpu.memory_space<vmem_shared>>) dst(%arg12 : memref<80x128xf32, #tpu.memory_space<vmem>>)
    %dma_start3A_460 = arith.constant 0 : i32
    %dma_start3A_461 = tpu.memref_slice %arg5[%arg0, %add3A_12, %dma_start3A_460] : memref<2x10000x128xf32, #tpu.memory_space<hbm>> -> memref<1x80x128xf32, #tpu.memory_space<hbm>>
    %dma_start3A_462 = tpu.memref_squeeze %dma_start3A_461 : memref<1x80x128xf32, #tpu.memory_space<hbm>> -> memref<80x128xf32, #tpu.memory_space<hbm>>
    %dma_start3A_463 = arith.constant 0 : i32
    %dma_start3A_464 = tpu.memref_slice %arg5[%arg0, %add3A_12, %dma_start3A_463] : memref<2x10000x128xf32, #tpu.memory_space<hbm>> -> memref<1x80x128xf32, #tpu.memory_space<hbm>>
    %dma_start3A_465 = tpu.memref_squeeze %dma_start3A_464 : memref<1x80x128xf32, #tpu.memory_space<hbm>> -> memref<80x128xf32, #tpu.memory_space<hbm>>
    tpu.enqueue_dma source(%arg12 : memref<80x128xf32, #tpu.memory_space<vmem>>) target(%dma_start3A_465 : memref<80x128xf32, #tpu.memory_space<hbm>>) target_semaphore(%arg21 : memref<!tpu.dma_semaphore, #tpu.memory_space<semaphore_mem>>)
    %dma_wait3A_466 = arith.constant 0 : i32
    %dma_wait3A_467 = tpu.memref_slice %arg5[%arg0, %add3A_10, %dma_wait3A_466] : memref<2x10000x128xf32, #tpu.memory_space<hbm>> -> memref<1x80x128xf32, #tpu.memory_space<hbm>>
    %dma_wait3A_468 = tpu.memref_squeeze %dma_wait3A_467 : memref<1x80x128xf32, #tpu.memory_space<hbm>> -> memref<80x128xf32, #tpu.memory_space<hbm>>
    %dma_wait3A_469 = arith.constant 0 : i32
    %dma_wait3A_470 = tpu.memref_slice %arg5[%arg0, %add3A_10, %dma_wait3A_469] : memref<2x10000x128xf32, #tpu.memory_space<hbm>> -> memref<1x80x128xf32, #tpu.memory_space<hbm>>
    %dma_wait3A_471 = tpu.memref_squeeze %dma_wait3A_470 : memref<1x80x128xf32, #tpu.memory_space<hbm>> -> memref<80x128xf32, #tpu.memory_space<hbm>>
    tpu.wait_dma2 semaphore(%arg21 : memref<!tpu.dma_semaphore, #tpu.memory_space<semaphore_mem>>) src(%arg13 : memref<80x128xf32, #tpu.memory_space<vmem>>) dst(%dma_wait3A_471 : memref<80x128xf32, #tpu.memory_space<hbm>>)
    %dma_start3A_472 = arith.constant 0 : i32
    %dma_start3A_473 = tpu.memref_slice %arg16[%add3A_14, %dma_start3A_472] : memref<10016x128xf32, #tpu.memory_space<vmem_shared>> -> memref<80x128xf32, #tpu.memory_space<vmem_shared>>
    %dma_start3A_474 = arith.constant 0 : i32
    %dma_start3A_475 = tpu.memref_slice %arg16[%add3A_14, %dma_start3A_474] : memref<10016x128xf32, #tpu.memory_space<vmem_shared>> -> memref<80x128xf32, #tpu.memory_space<vmem_shared>>
    tpu.enqueue_dma source(%dma_start3A_475 : memref<80x128xf32, #tpu.memory_space<vmem_shared>>) target(%arg13 : memref<80x128xf32, #tpu.memory_space<vmem>>) target_semaphore(%arg19 : memref<!tpu.dma_semaphore, #tpu.memory_space<semaphore_mem>>)
    %dma_wait3A_476 = arith.constant 0 : i32
    %dma_wait3A_477 = tpu.memref_slice %arg16[%add3A_14, %dma_wait3A_476] : memref<10016x128xf32, #tpu.memory_space<vmem_shared>> -> memref<80x128xf32, #tpu.memory_space<vmem_shared>>
    %dma_wait3A_478 = arith.constant 0 : i32
    %dma_wait3A_479 = tpu.memref_slice %arg16[%add3A_14, %dma_wait3A_478] : memref<10016x128xf32, #tpu.memory_space<vmem_shared>> -> memref<80x128xf32, #tpu.memory_space<vmem_shared>>
    tpu.wait_dma2 semaphore(%arg19 : memref<!tpu.dma_semaphore, #tpu.memory_space<semaphore_mem>>) src(%dma_wait3A_479 : memref<80x128xf32, #tpu.memory_space<vmem_shared>>) dst(%arg13 : memref<80x128xf32, #tpu.memory_space<vmem>>)
    %dma_start3A_480 = arith.constant 0 : i32
    %dma_start3A_481 = tpu.memref_slice %arg5[%arg0, %add3A_14, %dma_start3A_480] : memref<2x10000x128xf32, #tpu.memory_space<hbm>> -> memref<1x80x128xf32, #tpu.memory_space<hbm>>
    %dma_start3A_482 = tpu.memref_squeeze %dma_start3A_481 : memref<1x80x128xf32, #tpu.memory_space<hbm>> -> memref<80x128xf32, #tpu.memory_space<hbm>>
    %dma_start3A_483 = arith.constant 0 : i32
    %dma_start3A_484 = tpu.memref_slice %arg5[%arg0, %add3A_14, %dma_start3A_483] : memref<2x10000x128xf32, #tpu.memory_space<hbm>> -> memref<1x80x128xf32, #tpu.memory_space<hbm>>
    %dma_start3A_485 = tpu.memref_squeeze %dma_start3A_484 : memref<1x80x128xf32, #tpu.memory_space<hbm>> -> memref<80x128xf32, #tpu.memory_space<hbm>>
    tpu.enqueue_dma source(%arg13 : memref<80x128xf32, #tpu.memory_space<vmem>>) target(%dma_start3A_485 : memref<80x128xf32, #tpu.memory_space<hbm>>) target_semaphore(%arg21 : memref<!tpu.dma_semaphore, #tpu.memory_space<semaphore_mem>>)
    %dma_wait3A_486 = arith.constant 0 : i32
    %dma_wait3A_487 = tpu.memref_slice %arg5[%arg0, %add3A_12, %dma_wait3A_486] : memref<2x10000x128xf32, #tpu.memory_space<hbm>> -> memref<1x80x128xf32, #tpu.memory_space<hbm>>
    %dma_wait3A_488 = tpu.memref_squeeze %dma_wait3A_487 : memref<1x80x128xf32, #tpu.memory_space<hbm>> -> memref<80x128xf32, #tpu.memory_space<hbm>>
    %dma_wait3A_489 = arith.constant 0 : i32
    %dma_wait3A_490 = tpu.memref_slice %arg5[%arg0, %add3A_12, %dma_wait3A_489] : memref<2x10000x128xf32, #tpu.memory_space<hbm>> -> memref<1x80x128xf32, #tpu.memory_space<hbm>>
    %dma_wait3A_491 = tpu.memref_squeeze %dma_wait3A_490 : memref<1x80x128xf32, #tpu.memory_space<hbm>> -> memref<80x128xf32, #tpu.memory_space<hbm>>
    tpu.wait_dma2 semaphore(%arg21 : memref<!tpu.dma_semaphore, #tpu.memory_space<semaphore_mem>>) src(%arg12 : memref<80x128xf32, #tpu.memory_space<vmem>>) dst(%dma_wait3A_491 : memref<80x128xf32, #tpu.memory_space<hbm>>)
    %dma_start3A_492 = arith.constant 0 : i32
    %dma_start3A_493 = tpu.memref_slice %arg16[%add3A_16, %dma_start3A_492] : memref<10016x128xf32, #tpu.memory_space<vmem_shared>> -> memref<80x128xf32, #tpu.memory_space<vmem_shared>>
    %dma_start3A_494 = arith.constant 0 : i32
    %dma_start3A_495 = tpu.memref_slice %arg16[%add3A_16, %dma_start3A_494] : memref<10016x128xf32, #tpu.memory_space<vmem_shared>> -> memref<80x128xf32, #tpu.memory_space<vmem_shared>>
    tpu.enqueue_dma source(%dma_start3A_495 : memref<80x128xf32, #tpu.memory_space<vmem_shared>>) target(%arg12 : memref<80x128xf32, #tpu.memory_space<vmem>>) target_semaphore(%arg18 : memref<!tpu.dma_semaphore, #tpu.memory_space<semaphore_mem>>)
    %dma_wait3A_496 = arith.constant 0 : i32
    %dma_wait3A_497 = tpu.memref_slice %arg16[%add3A_16, %dma_wait3A_496] : memref<10016x128xf32, #tpu.memory_space<vmem_shared>> -> memref<80x128xf32, #tpu.memory_space<vmem_shared>>
    %dma_wait3A_498 = arith.constant 0 : i32
    %dma_wait3A_499 = tpu.memref_slice %arg16[%add3A_16, %dma_wait3A_498] : memref<10016x128xf32, #tpu.memory_space<vmem_shared>> -> memref<80x128xf32, #tpu.memory_space<vmem_shared>>
    tpu.wait_dma2 semaphore(%arg18 : memref<!tpu.dma_semaphore, #tpu.memory_space<semaphore_mem>>) src(%dma_wait3A_499 : memref<80x128xf32, #tpu.memory_space<vmem_shared>>) dst(%arg12 : memref<80x128xf32, #tpu.memory_space<vmem>>)
    %dma_start3A_500 = arith.constant 0 : i32
    %dma_start3A_501 = tpu.memref_slice %arg5[%arg0, %add3A_16, %dma_start3A_500] : memref<2x10000x128xf32, #tpu.memory_space<hbm>> -> memref<1x80x128xf32, #tpu.memory_space<hbm>>
    %dma_start3A_502 = tpu.memref_squeeze %dma_start3A_501 : memref<1x80x128xf32, #tpu.memory_space<hbm>> -> memref<80x128xf32, #tpu.memory_space<hbm>>
    %dma_start3A_503 = arith.constant 0 : i32
    %dma_start3A_504 = tpu.memref_slice %arg5[%arg0, %add3A_16, %dma_start3A_503] : memref<2x10000x128xf32, #tpu.memory_space<hbm>> -> memref<1x80x128xf32, #tpu.memory_space<hbm>>
    %dma_start3A_505 = tpu.memref_squeeze %dma_start3A_504 : memref<1x80x128xf32, #tpu.memory_space<hbm>> -> memref<80x128xf32, #tpu.memory_space<hbm>>
    tpu.enqueue_dma source(%arg12 : memref<80x128xf32, #tpu.memory_space<vmem>>) target(%dma_start3A_505 : memref<80x128xf32, #tpu.memory_space<hbm>>) target_semaphore(%arg21 : memref<!tpu.dma_semaphore, #tpu.memory_space<semaphore_mem>>)
    %dma_wait3A_506 = arith.constant 0 : i32
    %dma_wait3A_507 = tpu.memref_slice %arg5[%arg0, %add3A_14, %dma_wait3A_506] : memref<2x10000x128xf32, #tpu.memory_space<hbm>> -> memref<1x80x128xf32, #tpu.memory_space<hbm>>
    %dma_wait3A_508 = tpu.memref_squeeze %dma_wait3A_507 : memref<1x80x128xf32, #tpu.memory_space<hbm>> -> memref<80x128xf32, #tpu.memory_space<hbm>>
    %dma_wait3A_509 = arith.constant 0 : i32
    %dma_wait3A_510 = tpu.memref_slice %arg5[%arg0, %add3A_14, %dma_wait3A_509] : memref<2x10000x128xf32, #tpu.memory_space<hbm>> -> memref<1x80x128xf32, #tpu.memory_space<hbm>>
    %dma_wait3A_511 = tpu.memref_squeeze %dma_wait3A_510 : memref<1x80x128xf32, #tpu.memory_space<hbm>> -> memref<80x128xf32, #tpu.memory_space<hbm>>
    tpu.wait_dma2 semaphore(%arg21 : memref<!tpu.dma_semaphore, #tpu.memory_space<semaphore_mem>>) src(%arg13 : memref<80x128xf32, #tpu.memory_space<vmem>>) dst(%dma_wait3A_511 : memref<80x128xf32, #tpu.memory_space<hbm>>)
    %dma_start3A_512 = arith.constant 0 : i32
    %dma_start3A_513 = tpu.memref_slice %arg16[%add3A_18, %dma_start3A_512] : memref<10016x128xf32, #tpu.memory_space<vmem_shared>> -> memref<80x128xf32, #tpu.memory_space<vmem_shared>>
    %dma_start3A_514 = arith.constant 0 : i32
    %dma_start3A_515 = tpu.memref_slice %arg16[%add3A_18, %dma_start3A_514] : memref<10016x128xf32, #tpu.memory_space<vmem_shared>> -> memref<80x128xf32, #tpu.memory_space<vmem_shared>>
    tpu.enqueue_dma source(%dma_start3A_515 : memref<80x128xf32, #tpu.memory_space<vmem_shared>>) target(%arg13 : memref<80x128xf32, #tpu.memory_space<vmem>>) target_semaphore(%arg19 : memref<!tpu.dma_semaphore, #tpu.memory_space<semaphore_mem>>)
    %dma_wait3A_516 = arith.constant 0 : i32
    %dma_wait3A_517 = tpu.memref_slice %arg16[%add3A_18, %dma_wait3A_516] : memref<10016x128xf32, #tpu.memory_space<vmem_shared>> -> memref<80x128xf32, #tpu.memory_space<vmem_shared>>
    %dma_wait3A_518 = arith.constant 0 : i32
    %dma_wait3A_519 = tpu.memref_slice %arg16[%add3A_18, %dma_wait3A_518] : memref<10016x128xf32, #tpu.memory_space<vmem_shared>> -> memref<80x128xf32, #tpu.memory_space<vmem_shared>>
    tpu.wait_dma2 semaphore(%arg19 : memref<!tpu.dma_semaphore, #tpu.memory_space<semaphore_mem>>) src(%dma_wait3A_519 : memref<80x128xf32, #tpu.memory_space<vmem_shared>>) dst(%arg13 : memref<80x128xf32, #tpu.memory_space<vmem>>)
    %dma_start3A_520 = arith.constant 0 : i32
    %dma_start3A_521 = tpu.memref_slice %arg5[%arg0, %add3A_18, %dma_start3A_520] : memref<2x10000x128xf32, #tpu.memory_space<hbm>> -> memref<1x80x128xf32, #tpu.memory_space<hbm>>
    %dma_start3A_522 = tpu.memref_squeeze %dma_start3A_521 : memref<1x80x128xf32, #tpu.memory_space<hbm>> -> memref<80x128xf32, #tpu.memory_space<hbm>>
    %dma_start3A_523 = arith.constant 0 : i32
    %dma_start3A_524 = tpu.memref_slice %arg5[%arg0, %add3A_18, %dma_start3A_523] : memref<2x10000x128xf32, #tpu.memory_space<hbm>> -> memref<1x80x128xf32, #tpu.memory_space<hbm>>
    %dma_start3A_525 = tpu.memref_squeeze %dma_start3A_524 : memref<1x80x128xf32, #tpu.memory_space<hbm>> -> memref<80x128xf32, #tpu.memory_space<hbm>>
    tpu.enqueue_dma source(%arg13 : memref<80x128xf32, #tpu.memory_space<vmem>>) target(%dma_start3A_525 : memref<80x128xf32, #tpu.memory_space<hbm>>) target_semaphore(%arg21 : memref<!tpu.dma_semaphore, #tpu.memory_space<semaphore_mem>>)
    %dma_wait3A_526 = arith.constant 0 : i32
    %dma_wait3A_527 = tpu.memref_slice %arg5[%arg0, %add3A_16, %dma_wait3A_526] : memref<2x10000x128xf32, #tpu.memory_space<hbm>> -> memref<1x80x128xf32, #tpu.memory_space<hbm>>
    %dma_wait3A_528 = tpu.memref_squeeze %dma_wait3A_527 : memref<1x80x128xf32, #tpu.memory_space<hbm>> -> memref<80x128xf32, #tpu.memory_space<hbm>>
    %dma_wait3A_529 = arith.constant 0 : i32
    %dma_wait3A_530 = tpu.memref_slice %arg5[%arg0, %add3A_16, %dma_wait3A_529] : memref<2x10000x128xf32, #tpu.memory_space<hbm>> -> memref<1x80x128xf32, #tpu.memory_space<hbm>>
    %dma_wait3A_531 = tpu.memref_squeeze %dma_wait3A_530 : memref<1x80x128xf32, #tpu.memory_space<hbm>> -> memref<80x128xf32, #tpu.memory_space<hbm>>
    tpu.wait_dma2 semaphore(%arg21 : memref<!tpu.dma_semaphore, #tpu.memory_space<semaphore_mem>>) src(%arg12 : memref<80x128xf32, #tpu.memory_space<vmem>>) dst(%dma_wait3A_531 : memref<80x128xf32, #tpu.memory_space<hbm>>)
    %dma_start3A_532 = arith.constant 0 : i32
    %dma_start3A_533 = tpu.memref_slice %arg16[%add3A_20, %dma_start3A_532] : memref<10016x128xf32, #tpu.memory_space<vmem_shared>> -> memref<80x128xf32, #tpu.memory_space<vmem_shared>>
    %dma_start3A_534 = arith.constant 0 : i32
    %dma_start3A_535 = tpu.memref_slice %arg16[%add3A_20, %dma_start3A_534] : memref<10016x128xf32, #tpu.memory_space<vmem_shared>> -> memref<80x128xf32, #tpu.memory_space<vmem_shared>>
    tpu.enqueue_dma source(%dma_start3A_535 : memref<80x128xf32, #tpu.memory_space<vmem_shared>>) target(%arg12 : memref<80x128xf32, #tpu.memory_space<vmem>>) target_semaphore(%arg18 : memref<!tpu.dma_semaphore, #tpu.memory_space<semaphore_mem>>)
    %dma_wait3A_536 = arith.constant 0 : i32
    %dma_wait3A_537 = tpu.memref_slice %arg16[%add3A_20, %dma_wait3A_536] : memref<10016x128xf32, #tpu.memory_space<vmem_shared>> -> memref<80x128xf32, #tpu.memory_space<vmem_shared>>
    %dma_wait3A_538 = arith.constant 0 : i32
    %dma_wait3A_539 = tpu.memref_slice %arg16[%add3A_20, %dma_wait3A_538] : memref<10016x128xf32, #tpu.memory_space<vmem_shared>> -> memref<80x128xf32, #tpu.memory_space<vmem_shared>>
    tpu.wait_dma2 semaphore(%arg18 : memref<!tpu.dma_semaphore, #tpu.memory_space<semaphore_mem>>) src(%dma_wait3A_539 : memref<80x128xf32, #tpu.memory_space<vmem_shared>>) dst(%arg12 : memref<80x128xf32, #tpu.memory_space<vmem>>)
    %dma_start3A_540 = arith.constant 0 : i32
    %dma_start3A_541 = tpu.memref_slice %arg5[%arg0, %add3A_20, %dma_start3A_540] : memref<2x10000x128xf32, #tpu.memory_space<hbm>> -> memref<1x80x128xf32, #tpu.memory_space<hbm>>
    %dma_start3A_542 = tpu.memref_squeeze %dma_start3A_541 : memref<1x80x128xf32, #tpu.memory_space<hbm>> -> memref<80x128xf32, #tpu.memory_space<hbm>>
    %dma_start3A_543 = arith.constant 0 : i32
    %dma_start3A_544 = tpu.memref_slice %arg5[%arg0, %add3A_20, %dma_start3A_543] : memref<2x10000x128xf32, #tpu.memory_space<hbm>> -> memref<1x80x128xf32, #tpu.memory_space<hbm>>
    %dma_start3A_545 = tpu.memref_squeeze %dma_start3A_544 : memref<1x80x128xf32, #tpu.memory_space<hbm>> -> memref<80x128xf32, #tpu.memory_space<hbm>>
    tpu.enqueue_dma source(%arg12 : memref<80x128xf32, #tpu.memory_space<vmem>>) target(%dma_start3A_545 : memref<80x128xf32, #tpu.memory_space<hbm>>) target_semaphore(%arg21 : memref<!tpu.dma_semaphore, #tpu.memory_space<semaphore_mem>>)
    %dma_wait3A_546 = arith.constant 0 : i32
    %dma_wait3A_547 = tpu.memref_slice %arg5[%arg0, %add3A_18, %dma_wait3A_546] : memref<2x10000x128xf32, #tpu.memory_space<hbm>> -> memref<1x80x128xf32, #tpu.memory_space<hbm>>
    %dma_wait3A_548 = tpu.memref_squeeze %dma_wait3A_547 : memref<1x80x128xf32, #tpu.memory_space<hbm>> -> memref<80x128xf32, #tpu.memory_space<hbm>>
    %dma_wait3A_549 = arith.constant 0 : i32
    %dma_wait3A_550 = tpu.memref_slice %arg5[%arg0, %add3A_18, %dma_wait3A_549] : memref<2x10000x128xf32, #tpu.memory_space<hbm>> -> memref<1x80x128xf32, #tpu.memory_space<hbm>>
    %dma_wait3A_551 = tpu.memref_squeeze %dma_wait3A_550 : memref<1x80x128xf32, #tpu.memory_space<hbm>> -> memref<80x128xf32, #tpu.memory_space<hbm>>
    tpu.wait_dma2 semaphore(%arg21 : memref<!tpu.dma_semaphore, #tpu.memory_space<semaphore_mem>>) src(%arg13 : memref<80x128xf32, #tpu.memory_space<vmem>>) dst(%dma_wait3A_551 : memref<80x128xf32, #tpu.memory_space<hbm>>)
    %dma_start3A_552 = arith.constant 0 : i32
    %dma_start3A_553 = tpu.memref_slice %arg16[%add3A_22, %dma_start3A_552] : memref<10016x128xf32, #tpu.memory_space<vmem_shared>> -> memref<80x128xf32, #tpu.memory_space<vmem_shared>>
    %dma_start3A_554 = arith.constant 0 : i32
    %dma_start3A_555 = tpu.memref_slice %arg16[%add3A_22, %dma_start3A_554] : memref<10016x128xf32, #tpu.memory_space<vmem_shared>> -> memref<80x128xf32, #tpu.memory_space<vmem_shared>>
    tpu.enqueue_dma source(%dma_start3A_555 : memref<80x128xf32, #tpu.memory_space<vmem_shared>>) target(%arg13 : memref<80x128xf32, #tpu.memory_space<vmem>>) target_semaphore(%arg19 : memref<!tpu.dma_semaphore, #tpu.memory_space<semaphore_mem>>)
    %dma_wait3A_556 = arith.constant 0 : i32
    %dma_wait3A_557 = tpu.memref_slice %arg16[%add3A_22, %dma_wait3A_556] : memref<10016x128xf32, #tpu.memory_space<vmem_shared>> -> memref<80x128xf32, #tpu.memory_space<vmem_shared>>
    %dma_wait3A_558 = arith.constant 0 : i32
    %dma_wait3A_559 = tpu.memref_slice %arg16[%add3A_22, %dma_wait3A_558] : memref<10016x128xf32, #tpu.memory_space<vmem_shared>> -> memref<80x128xf32, #tpu.memory_space<vmem_shared>>
    tpu.wait_dma2 semaphore(%arg19 : memref<!tpu.dma_semaphore, #tpu.memory_space<semaphore_mem>>) src(%dma_wait3A_559 : memref<80x128xf32, #tpu.memory_space<vmem_shared>>) dst(%arg13 : memref<80x128xf32, #tpu.memory_space<vmem>>)
    %dma_start3A_560 = arith.constant 0 : i32
    %dma_start3A_561 = tpu.memref_slice %arg5[%arg0, %add3A_22, %dma_start3A_560] : memref<2x10000x128xf32, #tpu.memory_space<hbm>> -> memref<1x80x128xf32, #tpu.memory_space<hbm>>
    %dma_start3A_562 = tpu.memref_squeeze %dma_start3A_561 : memref<1x80x128xf32, #tpu.memory_space<hbm>> -> memref<80x128xf32, #tpu.memory_space<hbm>>
    %dma_start3A_563 = arith.constant 0 : i32
    %dma_start3A_564 = tpu.memref_slice %arg5[%arg0, %add3A_22, %dma_start3A_563] : memref<2x10000x128xf32, #tpu.memory_space<hbm>> -> memref<1x80x128xf32, #tpu.memory_space<hbm>>
    %dma_start3A_565 = tpu.memref_squeeze %dma_start3A_564 : memref<1x80x128xf32, #tpu.memory_space<hbm>> -> memref<80x128xf32, #tpu.memory_space<hbm>>
    tpu.enqueue_dma source(%arg13 : memref<80x128xf32, #tpu.memory_space<vmem>>) target(%dma_start3A_565 : memref<80x128xf32, #tpu.memory_space<hbm>>) target_semaphore(%arg21 : memref<!tpu.dma_semaphore, #tpu.memory_space<semaphore_mem>>)
    %dma_wait3A_566 = arith.constant 0 : i32
    %dma_wait3A_567 = tpu.memref_slice %arg5[%arg0, %add3A_20, %dma_wait3A_566] : memref<2x10000x128xf32, #tpu.memory_space<hbm>> -> memref<1x80x128xf32, #tpu.memory_space<hbm>>
    %dma_wait3A_568 = tpu.memref_squeeze %dma_wait3A_567 : memref<1x80x128xf32, #tpu.memory_space<hbm>> -> memref<80x128xf32, #tpu.memory_space<hbm>>
    %dma_wait3A_569 = arith.constant 0 : i32
    %dma_wait3A_570 = tpu.memref_slice %arg5[%arg0, %add3A_20, %dma_wait3A_569] : memref<2x10000x128xf32, #tpu.memory_space<hbm>> -> memref<1x80x128xf32, #tpu.memory_space<hbm>>
    %dma_wait3A_571 = tpu.memref_squeeze %dma_wait3A_570 : memref<1x80x128xf32, #tpu.memory_space<hbm>> -> memref<80x128xf32, #tpu.memory_space<hbm>>
    tpu.wait_dma2 semaphore(%arg21 : memref<!tpu.dma_semaphore, #tpu.memory_space<semaphore_mem>>) src(%arg12 : memref<80x128xf32, #tpu.memory_space<vmem>>) dst(%dma_wait3A_571 : memref<80x128xf32, #tpu.memory_space<hbm>>)
    %dma_wait3A_572 = arith.constant 0 : i32
    %dma_wait3A_573 = tpu.memref_slice %arg5[%arg0, %add3A_22, %dma_wait3A_572] : memref<2x10000x128xf32, #tpu.memory_space<hbm>> -> memref<1x80x128xf32, #tpu.memory_space<hbm>>
    %dma_wait3A_574 = tpu.memref_squeeze %dma_wait3A_573 : memref<1x80x128xf32, #tpu.memory_space<hbm>> -> memref<80x128xf32, #tpu.memory_space<hbm>>
    %dma_wait3A_575 = arith.constant 0 : i32
    %dma_wait3A_576 = tpu.memref_slice %arg5[%arg0, %add3A_22, %dma_wait3A_575] : memref<2x10000x128xf32, #tpu.memory_space<hbm>> -> memref<1x80x128xf32, #tpu.memory_space<hbm>>
    %dma_wait3A_577 = tpu.memref_squeeze %dma_wait3A_576 : memref<1x80x128xf32, #tpu.memory_space<hbm>> -> memref<80x128xf32, #tpu.memory_space<hbm>>
    tpu.wait_dma2 semaphore(%arg21 : memref<!tpu.dma_semaphore, #tpu.memory_space<semaphore_mem>>) src(%arg13 : memref<80x128xf32, #tpu.memory_space<vmem>>) dst(%dma_wait3A_577 : memref<80x128xf32, #tpu.memory_space<hbm>>)
    "tpu.region"() ({
      %run_scoped3A_585 = tpu.sem_alloc : memref<!tpu.dma_semaphore, #tpu.memory_space<semaphore_mem>>
      %dma_start3A_586 = tpu.memref_slice %arg17[%multiple_of3A_6] : memref<10240xf32, #tpu.memory_space<vmem_shared>> -> memref<640xf32, #tpu.memory_space<vmem_shared>>
      %dma_start3A_587 = tpu.memref_slice %arg17[%multiple_of3A_6] : memref<10240xf32, #tpu.memory_space<vmem_shared>> -> memref<640xf32, #tpu.memory_space<vmem_shared>>
      tpu.enqueue_dma source(%dma_start3A_587 : memref<640xf32, #tpu.memory_space<vmem_shared>>) target(%arg14 : memref<640xf32, #tpu.memory_space<vmem>>) target_semaphore(%run_scoped3A_585 : memref<!tpu.dma_semaphore, #tpu.memory_space<semaphore_mem>>)
      %dma_wait3A_588 = tpu.memref_slice %arg17[%multiple_of3A_6] : memref<10240xf32, #tpu.memory_space<vmem_shared>> -> memref<640xf32, #tpu.memory_space<vmem_shared>>
      %dma_wait3A_589 = tpu.memref_slice %arg17[%multiple_of3A_6] : memref<10240xf32, #tpu.memory_space<vmem_shared>> -> memref<640xf32, #tpu.memory_space<vmem_shared>>
      tpu.wait_dma2 semaphore(%run_scoped3A_585 : memref<!tpu.dma_semaphore, #tpu.memory_space<semaphore_mem>>) src(%dma_wait3A_589 : memref<640xf32, #tpu.memory_space<vmem_shared>>) dst(%arg14 : memref<640xf32, #tpu.memory_space<vmem>>)
      tpu.yield
    }) : () -> ()
    %eq3A = arith.constant 0 : i32
    %eq3A_578 = arith.cmpi eq, %arg0, %eq3A : i32
    %convert_element_type3A = arith.extui %eq3A_578 : i1 to i32
    %cond3A = arith.constant 0 : i32
    %cond3A_579 = arith.cmpi ne, %convert_element_type3A, %cond3A : i32
    scf.if %cond3A_579 {
      "tpu.region"() ({
        %run_scoped3A_585 = tpu.sem_alloc : memref<!tpu.dma_semaphore, #tpu.memory_space<semaphore_mem>>
        %dma_start3A_586 = tpu.memref_slice %arg6[%multiple_of3A_6] : memref<10240xf32, #tpu.memory_space<hbm>> -> memref<640xf32, #tpu.memory_space<hbm>>
        %dma_start3A_587 = tpu.memref_slice %arg6[%multiple_of3A_6] : memref<10240xf32, #tpu.memory_space<hbm>> -> memref<640xf32, #tpu.memory_space<hbm>>
        tpu.enqueue_dma source(%arg14 : memref<640xf32, #tpu.memory_space<vmem>>) target(%dma_start3A_587 : memref<640xf32, #tpu.memory_space<hbm>>) target_semaphore(%run_scoped3A_585 : memref<!tpu.dma_semaphore, #tpu.memory_space<semaphore_mem>>)
        %dma_wait3A_588 = tpu.memref_slice %arg6[%multiple_of3A_6] : memref<10240xf32, #tpu.memory_space<hbm>> -> memref<640xf32, #tpu.memory_space<hbm>>
        %dma_wait3A_589 = tpu.memref_slice %arg6[%multiple_of3A_6] : memref<10240xf32, #tpu.memory_space<hbm>> -> memref<640xf32, #tpu.memory_space<hbm>>
        tpu.wait_dma2 semaphore(%run_scoped3A_585 : memref<!tpu.dma_semaphore, #tpu.memory_space<semaphore_mem>>) src(%arg14 : memref<640xf32, #tpu.memory_space<vmem>>) dst(%dma_wait3A_589 : memref<640xf32, #tpu.memory_space<hbm>>)
        tpu.yield
      }) : () -> ()
    } else {
    }
    %eq3A_580 = arith.constant 1 : i32
    %eq3A_581 = arith.cmpi eq, %arg0, %eq3A_580 : i32
    %convert_element_type3A_582 = arith.extui %eq3A_581 : i1 to i32
    %cond3A_583 = arith.constant 0 : i32
    %cond3A_584 = arith.cmpi ne, %convert_element_type3A_582, %cond3A_583 : i32
    scf.if %cond3A_584 {
      "tpu.region"() ({
        %run_scoped3A_585 = tpu.sem_alloc : memref<!tpu.dma_semaphore, #tpu.memory_space<semaphore_mem>>
        %dma_start3A_586 = tpu.memref_slice %arg7[%multiple_of3A_6] : memref<10240xf32, #tpu.memory_space<hbm>> -> memref<640xf32, #tpu.memory_space<hbm>>
        %dma_start3A_587 = tpu.memref_slice %arg7[%multiple_of3A_6] : memref<10240xf32, #tpu.memory_space<hbm>> -> memref<640xf32, #tpu.memory_space<hbm>>
        tpu.enqueue_dma source(%arg14 : memref<640xf32, #tpu.memory_space<vmem>>) target(%dma_start3A_587 : memref<640xf32, #tpu.memory_space<hbm>>) target_semaphore(%run_scoped3A_585 : memref<!tpu.dma_semaphore, #tpu.memory_space<semaphore_mem>>)
        %dma_wait3A_588 = tpu.memref_slice %arg7[%multiple_of3A_6] : memref<10240xf32, #tpu.memory_space<hbm>> -> memref<640xf32, #tpu.memory_space<hbm>>
        %dma_wait3A_589 = tpu.memref_slice %arg7[%multiple_of3A_6] : memref<10240xf32, #tpu.memory_space<hbm>> -> memref<640xf32, #tpu.memory_space<hbm>>
        tpu.wait_dma2 semaphore(%run_scoped3A_585 : memref<!tpu.dma_semaphore, #tpu.memory_space<semaphore_mem>>) src(%arg14 : memref<640xf32, #tpu.memory_space<vmem>>) dst(%dma_wait3A_589 : memref<640xf32, #tpu.memory_space<hbm>>)
        tpu.yield
      }) : () -> ()
    } else {
    }
    return
  }
}

module attributes {stable_mosaic.version = 14 : i64} {
  func.func @_tc_self_body(%arg0: i32, %arg1: memref<2000x128xf32, #tpu.memory_space<vmem>>, %arg2: memref<128x128xf32, #tpu.memory_space<vmem>>, %arg3: memref<1x128xf32, #tpu.memory_space<vmem>>, %arg4: memref<2000x128xf32, #tpu.memory_space<vmem>>) attributes {dimension_semantics = [#tpu.dimension_semantics<arbitrary>], iteration_bounds = array<i64: 5>, scalar_prefetch = 0 : i64, scratch_operands = 0 : i64, tpu.core_type = #tpu.core_type<tc>, window_params = [{transform_indices = @transform_0, window_bounds = array<i64: 2000, 128>}, {pipeline_mode = #tpu.pipeline_mode<synchronous>, transform_indices = @transform_1, window_bounds = array<i64: 128, 128>}, {pipeline_mode = #tpu.pipeline_mode<synchronous>, transform_indices = @transform_2, window_bounds = array<i64: 1, 128>}, {transform_indices = @transform_3, window_bounds = array<i64: 2000, 128>}]} {
    %get3A = arith.constant 0 : index
    %get3A_0 = arith.constant 0 : index
    %get3A_1 = vector.load %arg1[%get3A, %get3A_0] : memref<2000x128xf32, #tpu.memory_space<vmem>>, vector<2000x128xf32>
    %get3A_2 = arith.constant 0 : index
    %get3A_3 = arith.constant 0 : index
    %get3A_4 = vector.load %arg2[%get3A_2, %get3A_3] : memref<128x128xf32, #tpu.memory_space<vmem>>, vector<128x128xf32>
    %dot_general3A = arith.constant dense<0.000000e+00> : vector<2000x128xf32>
    %dot_general3A_5 = tpu.matmul %get3A_1, %get3A_4, %dot_general3A {dimension_numbers = #tpu.dot_dimension_numbers<[1], [0], [0], [1], [0, 0, 1, 1], [], []>, transpose_lhs_hint = false} : vector<2000x128xf32>, vector<128x128xf32>, vector<2000x128xf32> -> vector<2000x128xf32>
    %get3A_6 = arith.constant 0 : index
    %get3A_7 = arith.constant 0 : index
    %get3A_8 = vector.load %arg3[%get3A_6, %get3A_7] : memref<1x128xf32, #tpu.memory_space<vmem>>, vector<1x128xf32>
    %add3A = vector.broadcast %get3A_8 : vector<1x128xf32> to vector<2000x128xf32>
    %add3A_9 = arith.addf %dot_general3A_5, %add3A : vector<2000x128xf32>
    %swap3A = arith.constant 0 : index
    %swap3A_10 = arith.constant 0 : index
    %swap3A_11 = vector.load %arg4[%swap3A, %swap3A_10] : memref<2000x128xf32, #tpu.memory_space<vmem>>, vector<2000x128xf32>
    tpu.vector_store %arg4[%swap3A, %swap3A_10], %add3A_9 {strides = array<i32>} : memref<2000x128xf32, #tpu.memory_space<vmem>>, vector<2000x128xf32>,
    return
  }
  func.func @transform_0(%arg0: i32) -> (i32, i32) {
    %c0_i32 = arith.constant 0 : i32
    %c0_i32_0 = arith.constant 0 : i32
    return %arg0, %c0_i32 : i32, i32
  }
  func.func @transform_1(%arg0: i32) -> (i32, i32) {
    %c0_i32 = arith.constant 0 : i32
    %c0_i32_0 = arith.constant 0 : i32
    %c0_i32_1 = arith.constant 0 : i32
    return %c0_i32, %c0_i32_0 : i32, i32
  }
  func.func @transform_2(%arg0: i32) -> (i32, i32) {
    %c0_i32 = arith.constant 0 : i32
    %c0_i32_0 = arith.constant 0 : i32
    %c0_i32_1 = arith.constant 0 : i32
    return %c0_i32, %c0_i32_0 : i32, i32
  }
  func.func @transform_3(%arg0: i32) -> (i32, i32) {
    %c0_i32 = arith.constant 0 : i32
    %c0_i32_0 = arith.constant 0 : i32
    return %arg0, %c0_i32 : i32, i32
  }
}

module attributes {stable_mosaic.version = 14 : i64} {
  func.func @_tc_body(%arg0: i32, %arg1: memref<2000x128xf32, #tpu.memory_space<vmem>>, %arg2: memref<2x2000x128xf32, #tpu.memory_space<vmem>>, %arg3: memref<2000x2xf32, #tpu.memory_space<vmem>>, %arg4: memref<128x128xf32, #tpu.memory_space<vmem>>, %arg5: memref<2000x128xf32, #tpu.memory_space<vmem>>) attributes {dimension_semantics = [#tpu.dimension_semantics<arbitrary>], iteration_bounds = array<i64: 5>, scalar_prefetch = 0 : i64, scratch_operands = 0 : i64, tpu.core_type = #tpu.core_type<tc>, window_params = [{transform_indices = @transform_0, window_bounds = array<i64: 2000, 128>}, {transform_indices = @transform_1, window_bounds = array<i64: 2, 2000, 128>}, {transform_indices = @transform_2, window_bounds = array<i64: 2000, 2>}, {pipeline_mode = #tpu.pipeline_mode<synchronous>, transform_indices = @transform_3, window_bounds = array<i64: 128, 128>}, {transform_indices = @transform_4, window_bounds = array<i64: 2000, 128>}]} {
    %get3A = arith.constant 0 : index
    %get3A_0 = arith.constant 0 : index
    %get3A_1 = vector.load %arg3[%get3A, %get3A_0] : memref<2000x2xf32, #tpu.memory_space<vmem>>, vector<2000x2xf32>
    %slice3A = vector.extract_strided_slice %get3A_1 {offsets = [0, 0], sizes = [2000, 1], strides = [1, 1]} : vector<2000x2xf32> to vector<2000x1xf32>
    %slice3A_2 = vector.extract_strided_slice %get3A_1 {offsets = [0, 1], sizes = [2000, 1], strides = [1, 1]} : vector<2000x2xf32> to vector<2000x1xf32>
    %add3A = arith.addf %slice3A, %slice3A_2 : vector<2000x1xf32>
    %max3A = arith.constant 1.000000e+00 : f32
    %max3A_3 = vector.broadcast %max3A : f32 to vector<2000x1xf32>
    %max3A_4 = arith.maximumf %add3A, %max3A_3 : vector<2000x1xf32>
    %div3A = arith.constant 1.000000e+00 : f32
    %div3A_5 = vector.broadcast %div3A : f32 to vector<2000x1xf32>
    %div3A_6 = arith.divf %div3A_5, %max3A_4 : vector<2000x1xf32>
    %get3A_7 = arith.constant 0 : index
    %get3A_8 = arith.constant 0 : index
    %get3A_9 = arith.constant 0 : index
    %get3A_10 = vector.load %arg2[%get3A_7, %get3A_8, %get3A_9] : memref<2x2000x128xf32, #tpu.memory_space<vmem>>, vector<1x2000x128xf32>
    %get3A_11 = vector.shape_cast %get3A_10 : vector<1x2000x128xf32> to vector<2000x128xf32>
    %get3A_12 = arith.constant 1 : index
    %get3A_13 = arith.constant 0 : index
    %get3A_14 = arith.constant 0 : index
    %get3A_15 = vector.load %arg2[%get3A_12, %get3A_13, %get3A_14] : memref<2x2000x128xf32, #tpu.memory_space<vmem>>, vector<1x2000x128xf32>
    %get3A_16 = vector.shape_cast %get3A_15 : vector<1x2000x128xf32> to vector<2000x128xf32>
    %add3A_17 = arith.addf %get3A_11, %get3A_16 : vector<2000x128xf32>
    %mul3A = vector.broadcast %div3A_6 : vector<2000x1xf32> to vector<2000x128xf32>
    %mul3A_18 = arith.mulf %add3A_17, %mul3A : vector<2000x128xf32>
    %get3A_19 = arith.constant 0 : index
    %get3A_20 = arith.constant 0 : index
    %get3A_21 = vector.load %arg1[%get3A_19, %get3A_20] : memref<2000x128xf32, #tpu.memory_space<vmem>>, vector<2000x128xf32>
    %get3A_22 = arith.constant 0 : index
    %get3A_23 = arith.constant 0 : index
    %get3A_24 = vector.load %arg4[%get3A_22, %get3A_23] : memref<128x128xf32, #tpu.memory_space<vmem>>, vector<128x128xf32>
    %dot_general3A = arith.constant dense<0.000000e+00> : vector<2000x128xf32>
    %dot_general3A_25 = tpu.matmul %mul3A_18, %get3A_24, %dot_general3A {dimension_numbers = #tpu.dot_dimension_numbers<[1], [0], [0], [1], [0, 0, 1, 1], [], []>, transpose_lhs_hint = false} : vector<2000x128xf32>, vector<128x128xf32>, vector<2000x128xf32> -> vector<2000x128xf32>
    %add3A_26 = arith.addf %get3A_21, %dot_general3A_25 : vector<2000x128xf32>
    %max3A_27 = arith.constant 0.000000e+00 : f32
    %max3A_28 = vector.broadcast %max3A_27 : f32 to vector<2000x128xf32>
    %max3A_29 = arith.maximumf %add3A_26, %max3A_28 : vector<2000x128xf32>
    %swap3A = arith.constant 0 : index
    %swap3A_30 = arith.constant 0 : index
    %swap3A_31 = vector.load %arg5[%swap3A, %swap3A_30] : memref<2000x128xf32, #tpu.memory_space<vmem>>, vector<2000x128xf32>
    tpu.vector_store %arg5[%swap3A, %swap3A_30], %max3A_29 {strides = array<i32>} : memref<2000x128xf32, #tpu.memory_space<vmem>>, vector<2000x128xf32>,
    return
  }
  func.func @transform_0(%arg0: i32) -> (i32, i32) {
    %c0_i32 = arith.constant 0 : i32
    %c0_i32_0 = arith.constant 0 : i32
    return %arg0, %c0_i32 : i32, i32
  }
  func.func @transform_1(%arg0: i32) -> (i32, i32, i32) {
    %c0_i32 = arith.constant 0 : i32
    %c0_i32_0 = arith.constant 0 : i32
    %c0_i32_1 = arith.constant 0 : i32
    return %c0_i32, %arg0, %c0_i32_0 : i32, i32, i32
  }
  func.func @transform_2(%arg0: i32) -> (i32, i32) {
    %c0_i32 = arith.constant 0 : i32
    %c0_i32_0 = arith.constant 0 : i32
    return %arg0, %c0_i32 : i32, i32
  }
  func.func @transform_3(%arg0: i32) -> (i32, i32) {
    %c0_i32 = arith.constant 0 : i32
    %c0_i32_0 = arith.constant 0 : i32
    %c0_i32_1 = arith.constant 0 : i32
    return %c0_i32, %c0_i32_0 : i32, i32
  }
  func.func @transform_4(%arg0: i32) -> (i32, i32) {
    %c0_i32 = arith.constant 0 : i32
    %c0_i32_0 = arith.constant 0 : i32
    return %arg0, %c0_i32 : i32, i32
  }
}

</mosaic_0001>

<sc_bundles>
// kernel: kernel.5.cloned.1.call-start
scs
__scs_entry_jumppad:
0x0: {  	(pc) =	sbr.rel $0x88, $3  }
0x1: {  	(tag) =	ssettag $0x0;
	lr =	simm.s32 $0x1  }
0x2: {  	[smem:$0x3F9C] =	sst lr;
	_ =	strace $0xD0000000  }
0x3: {  	_ = 	snop  }
0x4: {  	_ = 	snop  }
0x5: {  	_ = 	snop  }
0x6: {  	_ = 	snop  }
0x7: {  	_ = 	snop  }
__scs_overlays_trampoline_lowered:
0x8: {  	[smem:$0x3FAB] =	sst s0  }
0x9: {  	[smem:$0x3FAC] =	sst s1  }
0xa: {  	[smem:$0x3FAD] =	sst s2  }
0xb: {  	[smem:$0x3FAE] =	sst s3  }
0xc: {  	[smem:$0x3FAF] =	sst s4  }
0xd: {  	[smem:$0x3FB0] =	sst s5  }
0xe: {  	[smem:$0x3FB1] =	sst s6  }
0xf: {  	[smem:$0x3FB2] =	sst s7  }
0x10: {  	[smem:$0x3FB3] =	sst s8  }
0x11: {  	[smem:$0x3FB4] =	sst s9;
	s0 =	simm.s32 @!p0 $0x0  }
0x12: {  	s1 =	sld [smem:$0x3F9A];
	s0 =	simm.s32 @p0 $0x1  }
0x13: {  	[smem:$0x3FB5] =	sst s0;
	s0 =	simm.s32 @!p1 $0x0  }
0x14: {  	s2 =	sld [smem:$0x3F99];
	s0 =	simm.s32 @p1 $0x1  }
0x15: {  	[smem:$0x3FB6] =	sst s0;
	s0 =	simm.s32 @!p2 $0x0  }
0x16: {  	s3 =	sld [smem:$0x3FDB];
	s0 =	simm.s32 @p2 $0x1  }
0x17: {  	s4 =	simm.s32 $0x1BF5;
	[smem:$0x3FB8] =	sst s0  }
0x18: {  	s0 =	sld [smem:$0x3F9B];
	_ =	swait.ge [sflag:s4], $0x0  }
0x19: {  	s7 =	sld [smem:$0x3F9C]  }
0x1a: {  	s8 =	sadd.s32 $0xFFFFE003, lr  }
0x1b: {  	s9 =	sadd.s32 $0xFFFFFEF7, lr;
	s5 =	simm.s32 $0xFFFFFFFF;
	p2 =	slt.u32 s8, $0xFFFFF086  }
0x1c: {  	p1 =	slt.u32 s9, $0xF7A;
	s5 =	simm.s32 @!p2 $0x0  }
0x1d: {  	s5 =	simm.s32 @p1 $0x1;
	p0 =	seq.s32 s7, s2  }
0x1e: {  	s7 =	smul.u32 @!p0 $0xF7A, s2;
	p2 =	seq.s32 @!p0 s5, $0x0  }
0x1f: {  	s9 =	smul.u32 $0xF7A, s1;
	s8 =	simm.s32 @!p0 $0x1BF5;
	p2 =	por !p2, p0  }
0x20: {  	[sflag:s8] =	ssyncset.s32 @!p0 $0xFFFFF086;
	s6 =	sadd.s32 @!p0 s3, s7;
	s7 =	simm.s32 @!p0 $0x108  }
0x21: {  	s3 =	sadd.s32 s3, s9;
	s6 =	sadd.s32 @!p0 $0x88, s6;
	s7 =	simm.s32 @p2 $0x1082  }
0x22: {  	[simem:s7], [sflag:s8] =	dma.local @!p0 [hbm:s6], $0xF7A  }
0x23: {  	s9 =	sor.u32 $0xD0000000, s2;
	s6 =	simm.s32 $0x108;
	_ =	swait.ge @!p0 [sflag:s8], $0x0  }
0x24: {  	s3 =	sadd.s32 $0x88, s3;
	s6 =	simm.s32 @!p1 $0x1082;
	[sflag:s4] =	ssyncset.s32 $0xFFFFF086  }
0x25: {  	[simem:s6], [sflag:s4] =	dma.local [hbm:s3], $0xF7A  }
0x26: {  	[smem:$0x3F9C] =	sst s1;
	(tag) =	ssettag s2;
	_ =	strace s9  }
0x27: {  	s1 =	sld [smem:$0x3FAC]  }
0x28: {  	s2 =	sld [smem:$0x3FAD]  }
0x29: {  	s4 =	sld [smem:$0x3FAF]  }
0x2a: {  	p0 =	seq.s32 s5, $0x0;
	s5 =	sld [smem:$0x3FB0]  }
0x2b: {  	s6 =	sld [smem:$0x3FB1]  }
0x2c: {  	s7 =	sld [smem:$0x3FB2]  }
0x2d: {  	s3 =	simm.s32 $0x108;
	s8 =	sld [smem:$0x3FB3]  }
0x2e: {  	s3 =	simm.s32 @!p0 $0x1082;
	s9 =	sld [smem:$0x3FB4]  }
0x2f: {  	lr =	sadd.s32 s0, s3;
	s0 =	sld [smem:$0x3FAB]  }
0x30: {  	s3 =	sld [smem:$0x3FAE]  }
0x31: {  	[smem:$0x3FB7] =	sst s10  }
0x32: {  	s10 =	sld [smem:$0x3FB5];
	_ =	sdelay $0x3  }
0x33: {  	p0 =	seq.s32 s10, $0x1;
	s10 =	sld [smem:$0x3FB7];
	_ =	sdelay $0x3  }
0x34: {  	[smem:$0x3FB7] =	sst s10  }
0x35: {  	s10 =	sld [smem:$0x3FB6];
	_ =	sdelay $0x3  }
0x36: {  	p1 =	seq.s32 s10, $0x1;
	s10 =	sld [smem:$0x3FB7];
	_ =	sdelay $0x3  }
0x37: {  	[smem:$0x3FB7] =	sst s10  }
0x38: {  	s10 =	sld [smem:$0x3FB8]  }
0x39: {  	_ = 	snop;
	(pc) =	sbr.ind lr, $3  }
0x3a: {  	_ = 	snop  }
0x3b: {  	_ = 	snop  }
0x3c: {  	p2 =	seq.s32 s10, $0x1;
	s10 =	sld [smem:$0x3FB7]  }
0x3d: {  	_ =	shalt  }
0x3e: {  	_ =	shalt  }
0x3f: {  	_ =	shalt  }
0x40: {  	_ =	shalt  }
0x41: {  	_ =	shalt  }
0x42: {  	_ =	shalt  }
0x43: {  	_ =	shalt  }
0x44: {  	_ =	shalt  }
0x45: {  	_ =	shalt  }
0x46: {  	_ =	shalt  }
0x47: {  	_ =	shalt  }
0x48: {  	_ =	shalt  }
0x49: {  	_ =	shalt  }
0x4a: {  	_ =	shalt  }
0x4b: {  	_ =	shalt  }
0x4c: {  	_ =	shalt  }
0x4d: {  	_ =	shalt  }
0x4e: {  	_ =	shalt  }
0x4f: {  	_ =	shalt  }
0x50: {  	_ =	shalt  }
0x51: {  	_ =	shalt  }
0x52: {  	_ =	shalt  }
0x53: {  	_ =	shalt  }
0x54: {  	_ =	shalt  }
0x55: {  	_ =	shalt  }
0x56: {  	_ =	shalt  }
0x57: {  	_ =	shalt  }
0x58: {  	_ =	shalt  }
0x59: {  	_ =	shalt  }
0x5a: {  	_ =	shalt  }
0x5b: {  	_ =	shalt  }
0x5c: {  	_ =	shalt  }
0x5d: {  	_ =	shalt  }
0x5e: {  	_ =	shalt  }
0x5f: {  	_ =	shalt  }
0x60: {  	_ =	shalt  }
0x61: {  	_ =	shalt  }
0x62: {  	_ =	shalt  }
0x63: {  	_ =	shalt  }
0x64: {  	_ =	shalt  }
0x65: {  	_ =	shalt  }
0x66: {  	_ =	shalt  }
0x67: {  	_ =	shalt  }
0x68: {  	_ =	shalt  }
0x69: {  	_ =	shalt  }
0x6a: {  	_ =	shalt  }
0x6b: {  	_ =	shalt  }
0x6c: {  	_ =	shalt  }
0x6d: {  	_ =	shalt  }
0x6e: {  	_ =	shalt  }
0x6f: {  	_ =	shalt  }
0x70: {  	_ =	shalt  }
0x71: {  	_ =	shalt  }
0x72: {  	_ =	shalt  }
0x73: {  	_ =	shalt  }
0x74: {  	_ =	shalt  }
0x75: {  	_ =	shalt  }
0x76: {  	_ =	shalt  }
0x77: {  	_ =	shalt  }
0x78: {  	_ =	shalt  }
0x79: {  	_ =	shalt  }
0x7a: {  	_ =	shalt  }
0x7b: {  	_ =	shalt  }
0x7c: {  	_ =	shalt  }
0x7d: {  	_ =	shalt  }
0x7e: {  	_ =	shalt  }
0x7f: {  	_ =	shalt  }
0x80: {  	_ =	shalt  }
0x81: {  	_ =	shalt  }
0x82: {  	_ =	shalt  }
0x83: {  	_ =	shalt  }
0x84: {  	_ =	shalt  }
0x85: {  	_ =	shalt  }
0x86: {  	_ =	shalt  }
0x87: {  	_ =	shalt  }
.Lfunc_end0:
.L_simem_size_0:
called_computation_lowered:
.L_overlay_start_0:
0x88: {  	s2 =	sld [smem:$0x3FD9]  }
0x89: {  	s3 =	sld [smem:$0x3FFE];
	_ =	sdelay $0x1  }
0x8a: {  	s1 =	srdreg.scid  }
0x8b: {  	s0 =	sand.u32 $0x1, s1  }
0x8c: {  	s17 =	sshll.u32 s0, $0xA;
	s2 =	sadd.s32 s3, s2  }
0x8d: {  	s2 =	sadd.s32 s2, s17  }
0x8e: {  	[smem:$0x3FC3] =	sst s2  }
0x8f: {  	_ = 	snop  }
0x90: {  	s2 =	sld [smem:$0x3FC9]  }
0x91: {  	s18 =	sld [smem:$0x3FD0];
	(tm) =	ssettm $0x1  }
0x92: {  	s4 =	sld [smem:$0x3FFB];
	_ =	sdelay $0x3  }
0x93: {  	_ =	strace s4  }
0x94: {  	s4 =	sld [smem:$0x3FFC];
	_ =	sdelay $0x3  }
0x95: {  	_ =	strace s4  }
0x96: {  	s4 =	sld [smem:$0x3FFD];
	_ =	sdelay $0x3  }
0x97: {  	_ =	strace s4  }
0x98: {  	_ =	strace $0x8FFFFFFF  }
0x99: {  	s19 =	sld [smem:$0x3FDB];
	_ =	sdelay $0x1  }
0x9a: {  	s5 =	simm.s32 $_scs_section_size  }
0x9b: {  	s6 =	simm.s32 $_size__tile_overlayer_lowered;
	s7 =	simm.s32 $_tile_overlayer_lowered  }
0x9c: {  	s22 =	simm.s32 $0x1BFF;
	s21 =	sshll.u32 s7, $0x1;
	s4 =	sadd.s32 s5, s19  }
0x9d: {  	s8 =	simm.s32 $0x0;
	s20 =	sshll.u32 s6, $0x1;
	s6 =	sadd.s32 s21, s4  }
0x9e: {  	[timem:s8], [sflag:s22] =	dma.local [hbm:s6], s20  }
0x9f: {  	_ =	swait.ge [sflag:s22], s20  }
0xa0: {  	s5 =	ssub.s32 $0x0, s20;
	[sflag:s22] =	ssyncset.done $0x0  }
0xa1: {  	[sflag:s22] =	ssyncadd.s32 s5;
	_ =	sdelay $0x1  }
0xa2: {  	s23 =	simm.s32 $0x1B8B  }
0xa3: {  	_ =	swait.ge [sflag:s23], $0x1  }
0xa4: {  	[sflag:s23] =	ssyncset.done $0x0  }
0xa5: {  	s25 =	simm.s32 $0x1B8E;
	s24 =	sld [smem:$0x3FFE];
	[sflag:s23] =	ssyncadd.s32 $0xFFFFFFFF  }
0xa6: {  	s26 =	simm.s32 $execute0_lowered;
	[smem:$0x3FD2] =	sst s25  }
0xa7: {  	s6 =	sshll.u32 s26, $0x1;
	_ =	strace $0x80000046;
	[dreg:$0x1] =	wrdreg $0xFFFFFFFF  }
0xa8: {  	s28 =	simm.s32 $_size_execute0_lowered;
	s4 =	sadd.s32 s4, s6;
	[dreg:$0x0] =	wrdreg $0x0  }
0xa9: {  	s6 =	sshll.u32 s28, $0x1;
	[dreg:$0x2] =	wrdreg s4  }
0xaa: {  	[dreg:$0x3] =	wrdreg s6  }
0xab: {  	[dreg:$0x4] =	wrdreg $0xC0  }
0xac: {  	_ =	task [dreg:s8], $0x5FFFF  }
0xad: {  	[dreg:$0x1] =	wrdreg $0xFFFFFFFF  }
0xae: {  	[dreg:$0x0] =	wrdreg $0x60  }
0xaf: {  	[dreg:$0x2] =	wrdreg s18  }
0xb0: {  	[dreg:$0x3] =	wrdreg s24  }
0xb1: {  	[dreg:$0x4] =	wrdreg s2  }
0xb2: {  	[dreg:$0x5] =	wrdreg $0x93000  }
0xb3: {  	[dreg:$0x6] =	wrdreg $0x1CC000  }
0xb4: {  	[dreg:$0x7] =	wrdreg $0x9  }
0xb5: {  	_ =	task.clear_ibuf [dreg:s8], $0x8FFFF;
	_ =	strace $0x90000046  }
0xb6: {  	s29 =	simm.s32 $0x9;
	_ =	strace $0x80000048  }
0xb7: {  	_ =	swait.ge [sflag:s29], $0x1  }
0xb8: {  	[sflag:s29] =	ssyncadd.s32 $0xFFFFFFFF  }
0xb9: {  	_ =	strace $0x90000048  }
0xba: {  	_ =	sfence  }
0xbb: {  	s30 =	sld [smem:$0x0];
	_ =	sdelay $0x2  }
0xbc: {  	s31 =	sshll.u32 s1, $0xD;
	s1 =	sshrl.u32 s1, $0x2  }
0xbd: {  	s3 =	sand.u32 $0x4000, s31;
	s1 =	sadd.s32 s1, s30  }
0xbe: {  	s0 =	sor.u32 s3, s0;
	s1 =	sshll.u32 s1, $0x11  }
0xbf: {  	s0 =	sor.u32 s1, s0  }
0xc0: {  	s0 =	sadd.s32 $0x8F2B, s0  }
0xc1: {  	[sflag:s0] =	ssyncadd.remote.s32 $0x1  }
0xc2: {  	_ =	sfence.sel $0xFFFF  }
0xc3: {  	[dreg:$0x0] =	wrdreg $0xFFFFFFFF;
	(pc) =	sbr.abs _section_cstart, $3  }
0xc4: {  	[dreg:$0x1] =	wrdreg $0xFFFFFFFF  }
0xc5: {  	_ =	task.clear_ibuf [dreg:s8], $0x2FFFF;
	_ =	strace $0x9FFFFFFF  }
0xc6: {  	(tm) =	ssettm $0x7FFFFFFF  }
0xc7: {  	_ =	shalt  }
tec
execute0_lowered:
.L_overlay_start_1:
0x0: {  	(tag) =	ssettag $0x1  }
0x1: {  	s2 =	rddreg [dreg:$0x0]  }
0x2: {  	s1 =	rddreg [dreg:$0x1];
	s3 =	srdreg.scid  }
0x3: {  	s0 =	simm.s32 $0x0;
	s18 =	stileid.u32;
	s5 =	sand.u32 $0x1, s3  }
0x4: {  	[smem:$0x7FF] =	sst s0;
	s4 =	sadd.s32 $0x1000, s1;
	s6 =	sshll.u32 s5, $0x4  }
0x5: {  	s8 =	smul.u32 $0x13800, s18;
	s9 =	sadd.s32 $0x15C00, s1;
	s6 =	sor.u32 s18, s6  }
0x6: {  	s3 =	ssub.s32 $0x2, s5;
	p0 =	seq.s32 s5, $0x1;
	s6 =	smul.u32 $0x5000, s6  }
0x7: {  	s7 =	sshrl.u32 s3, $0x1;
	s10 =	sadd.s32 $0x5000, s8;
	s11 =	sadd.s32 $0x7800, s8  }
0x8: {  	s12 =	sadd.s32 $0xA000, s8;
	s13 =	sadd.s32 $0xC800, s8;
	s6 =	sshrl.u32 s6, $0x3  }
0x9: {  	s14 =	sadd.s32 $0xF000, s8;
	s15 =	sadd.s32 $0x11800, s8;
	s17 =	sadd.s32 s2, s6  }
0xa: {  	s16 =	sadd.s32 $0x200, s6;
	s22 =	sadd.s32 s4, s6;
	[dreg:$0x6] =	wrdreg s17  }
0xb: {  	s3 =	ssub.s32 s3, s7;
	[dreg:$0x7] =	wrdreg s22;
	s23 =	sadd.s32 s2, s16  }
0xc: {  	s24 =	sadd.s32 $0x400, s6;
	s16 =	sadd.s32 s4, s16;
	[dreg:$0x8] =	wrdreg s23  }
0xd: {  	s25 =	sadd.s32 $0x600, s6;
	s19 =	sadd.s32 s2, s24;
	[dreg:$0x9] =	wrdreg s16  }
0xe: {  	s6 =	sadd.s32 $0x800, s6;
	s26 =	sadd.s32 s2, s25;
	[dreg:$0xa] =	wrdreg s19  }
0xf: {  	s17 =	smul.u32 $0x138800, s5;
	s2 =	sadd.s32 s2, s6;
	[dreg:$0xc] =	wrdreg s26  }
0x10: {  	s7 =	sadd.s32 $0x2800, s8;
	s16 =	sadd.s32 s4, s24;
	[dreg:$0xe] =	wrdreg s2  }
0x11: {  	s3 =	smax.u32 s3, $0x1;
	[dreg:$0xb] =	wrdreg s16;
	s8 =	sadd.s32 s17, s8  }
0x12: {  	s16 =	sadd.s32 s4, s25;
	s4 =	sadd.s32 s4, s6;
	s21 =	sadd.s32 s17, s7  }
0x13: {  	s22 =	sadd.s32 s17, s10;
	s24 =	sadd.s32 s17, s11;
	s26 =	sadd.s32 s17, s12  }
0x14: {  	s5 =	sadd.s32 s17, s13;
	s19 =	sadd.s32 s17, s15;
	[dreg:$0xd] =	wrdreg s16  }
0x15: {  	s20 =	sshrl.u32 s8, $0x3;
	[dreg:$0xf] =	wrdreg s4;
	s23 =	sshrl.u32 s22, $0x3  }
0x16: {  	s25 =	sshrl.u32 s24, $0x3;
	s4 =	sshrl.u32 s26, $0x3;
	s6 =	sshrl.u32 s5, $0x3  }
0x17: {  	s8 =	sadd.s32 s17, s14;
	s24 =	smul.u32 $0x4E000, s18;
	s5 =	simm.s32 $0x9000  }
0x18: {  	s17 =	simm.s32 $0x3C00;
	s2 =	sadd.s32 s9, s20;
	s16 =	sshrl.u32 s8, $0x3  }
0x19: {  	s20 =	smul.u32 $0x280, s18;
	s8 =	simm.s32 $0x2;
	[dreg:$0x10] =	wrdreg s2  }
0x1a: {  	s18 =	simm.s32 $0x4;
	s2 =	sshrl.u32 s21, $0x3;
	s21 =	rddreg [dreg:$0x3]  }
0x1b: {  	s26 =	sshrl.u32 s24, $0x2;
	s2 =	sadd.s32 s9, s2;
	s28 =	sadd.s32 s10, s21  }
0x1c: {  	s29 =	sadd.s32 s11, s21;
	s30 =	sadd.s32 s12, s21;
	s31 =	sadd.s32 s13, s21  }
0x1d: {  	s22 =	sadd.s32 s14, s21;
	s10 =	simm.s32 $0x2000;
	[dreg:$0x11] =	wrdreg s2  }
0x1e: {  	s12 =	simm.s32 $0x50;
	s2 =	sadd.s32 s9, s23;
	s23 =	rddreg [dreg:$0x4]  }
0x1f: {  	s13 =	simm.s32 $0x6800;
	[dreg:$0x12] =	wrdreg s2;
	s2 =	sadd.s32 s9, s25  }
0x20: {  	s14 =	simm.s32 $0x5;
	[dreg:$0x13] =	wrdreg s2;
	s2 =	sadd.s32 s9, s4  }
0x21: {  	s4 =	simm.s32 $0x15600;
	[dreg:$0x14] =	wrdreg s2;
	s2 =	sadd.s32 s9, s6  }
0x22: {  	s25 =	sshrl.u32 s20, $0x3;
	s4 =	simm.s32 @!p0 $0x15000;
	[dreg:$0x15] =	wrdreg s2  }
0x23: {  	s2 =	sadd.s32 s9, s16;
	s1 =	sadd.s32 s4, s1;
	s4 =	simm.s32 $0x4000  }
0x24: {  	s16 =	simm.s32 $0x1C00;
	[dreg:$0x16] =	wrdreg s2;
	s2 =	sshrl.u32 s19, $0x3  }
0x25: {  	s19 =	rddreg [dreg:$0x2];
	s1 =	sadd.s32 s1, s25;
	s25 =	sadd.s32 s26, s21  }
0x26: {  	s26 =	sadd.s32 s7, s21;
	s7 =	simm.s32 $0x1;
	s2 =	sadd.s32 s9, s2  }
0x27: {  	[dreg:$0x18] =	wrdreg s1;
	s1 =	sadd.s32 s15, s21;
	s9 =	simm.s32 $0x3  }
0x28: {  	s15 =	simm.s32 $0x9280;
	[dreg:$0x17] =	wrdreg s2;
	s2 =	sadd.s32 s20, s23  }
0x29: {  	v0 =	vimm.f32 $0.0e+00;
	v1 =	vimm.f32 $1.000000000e+00;
	s20 =	simm.s32 $0x0;
	_ =	strace $0x80000047;
	[dreg:$0x19] =	wrdreg s3  }
.LBB2_1:
0x2a: {  	s24 =	simm.s32 $0x0;
	s11 =	simm.s32 $0x200  }
.LBB2_2:
0x2b: {  	p0 =	sne.s32 s11, $0x9E00;
	[tilespmem:s24+$0x4070] =	vst v0  }
0x2c: {  	[tilespmem:s24+$0x4000] =	vst v0  }
0x2d: {  	[tilespmem:s24+$0x4010] =	vst v0  }
.Ltmp0:
0x2e: {  	[tilespmem:s24+$0x4020] =	vst v0;
	(pc) =	sbr.rel @p0 .LBB2_2-.Ltmp0, $4  }
0x2f: {  	[tilespmem:s24+$0x4030] =	vst v0  }
0x30: {  	[tilespmem:s24+$0x4040] =	vst v0  }
0x31: {  	[tilespmem:s24+$0x4050] =	vst v0  }
0x32: {  	[tilespmem:s24+$0x4060] =	vst v0;
	s24 =	sshra.s32 s11, $0x2;
	s11 =	sadd.s32 $0x200, s11  }
0x33: {  	[tilespmem:s24+$0x4070] =	vst v0  }
0x34: {  	[tilespmem:s24+$0x4000] =	vst v0  }
0x35: {  	[tilespmem:s24+$0x4010] =	vst v0  }
0x36: {  	[tilespmem:s24+$0x4020] =	vst v0  }
0x37: {  	[tilespmem:s24+$0x4030] =	vst v0  }
0x38: {  	[tilespmem:s24+$0x4040] =	vst v0  }
0x39: {  	[tilespmem:s24+$0x4050] =	vst v0  }
0x3a: {  	[tilespmem:s24+$0x4060] =	vst v0  }
0x3b: {  	[tilespmem:$0x9000] =	vst v0  }
0x3c: {  	[tilespmem:$0x9010] =	vst v0  }
0x3d: {  	[tilespmem:$0x9020] =	vst v0  }
0x3e: {  	[tilespmem:$0x9030] =	vst v0  }
0x3f: {  	[tilespmem:$0x9040] =	vst v0  }
0x40: {  	[tilespmem:$0x9050] =	vst v0  }
0x41: {  	[tilespmem:$0x9060] =	vst v0  }
0x42: {  	[tilespmem:$0x9070] =	vst v0  }
0x43: {  	[tilespmem:$0x9080] =	vst v0  }
0x44: {  	[tilespmem:$0x9090] =	vst v0  }
0x45: {  	[tilespmem:$0x90A0] =	vst v0  }
0x46: {  	[tilespmem:$0x90B0] =	vst v0  }
0x47: {  	[tilespmem:$0x90C0] =	vst v0  }
0x48: {  	[tilespmem:$0x90D0] =	vst v0  }
0x49: {  	[tilespmem:$0x90E0] =	vst v0  }
0x4a: {  	[tilespmem:$0x90F0] =	vst v0  }
0x4b: {  	[tilespmem:$0x9100] =	vst v0  }
0x4c: {  	[tilespmem:$0x9110] =	vst v0  }
0x4d: {  	[tilespmem:$0x9120] =	vst v0  }
0x4e: {  	[tilespmem:$0x9130] =	vst v0  }
0x4f: {  	[tilespmem:$0x9140] =	vst v0  }
0x50: {  	[tilespmem:$0x9150] =	vst v0  }
0x51: {  	[tilespmem:$0x9160] =	vst v0  }
0x52: {  	[tilespmem:$0x9170] =	vst v0  }
0x53: {  	[tilespmem:$0x9180] =	vst v0  }
0x54: {  	[tilespmem:$0x9190] =	vst v0  }
0x55: {  	[tilespmem:$0x91A0] =	vst v0  }
0x56: {  	[tilespmem:$0x91B0] =	vst v0  }
0x57: {  	[tilespmem:$0x91C0] =	vst v0  }
0x58: {  	[tilespmem:$0x91D0] =	vst v0  }
0x59: {  	[tilespmem:$0x91E0] =	vst v0  }
0x5a: {  	[tilespmem:$0x91F0] =	vst v0  }
0x5b: {  	[tilespmem:$0x9200] =	vst v0  }
0x5c: {  	[tilespmem:$0x9210] =	vst v0  }
0x5d: {  	[tilespmem:$0x9220] =	vst v0  }
0x5e: {  	[tilespmem:$0x9230] =	vst v0  }
0x5f: {  	[tilespmem:$0x9240] =	vst v0  }
0x60: {  	[tilespmem:$0x9250] =	vst v0  }
0x61: {  	[tilespmem:$0x9260] =	vst v0  }
0x62: {  	[tilespmem:$0x9270] =	vst v0  }
0x63: {  	[tilespmem:$0x9280] =	vst v1  }
0x64: {  	[tilespmem:$0x9290] =	vst v1  }
0x65: {  	[tilespmem:$0x92A0] =	vst v1  }
0x66: {  	[tilespmem:$0x92B0] =	vst v1  }
0x67: {  	[tilespmem:$0x92C0] =	vst v1  }
0x68: {  	[spmem:s25] =	stream.linear.scatter [tilespmem:s4], [sflag:$0x1], $0x2800, $0x38;
	[tilespmem:$0x1CE80] =	vst v63  }
0x69: {  	_ = 	snop  }
0x6a: {  	[spmem:s26] =	stream.linear.scatter [tilespmem:s4], [sflag:$0x1], $0x2800, $0x38;
	[tilespmem:$0x1CE80] =	vst v63  }
0x6b: {  	_ = 	snop  }
0x6c: {  	[spmem:s28] =	stream.linear.scatter [tilespmem:s4], [sflag:$0x1], $0x2800, $0x38;
	[tilespmem:$0x1CE80] =	vst v63  }
0x6d: {  	_ = 	snop  }
0x6e: {  	[spmem:s29] =	stream.linear.scatter [tilespmem:s4], [sflag:$0x1], $0x2800, $0x38;
	[tilespmem:$0x1CE80] =	vst v63  }
0x6f: {  	_ = 	snop  }
0x70: {  	[spmem:s30] =	stream.linear.scatter [tilespmem:s4], [sflag:$0x1], $0x2800, $0x38;
	[tilespmem:$0x1CE80] =	vst v63  }
0x71: {  	_ = 	snop  }
0x72: {  	[spmem:s31] =	stream.linear.scatter [tilespmem:s4], [sflag:$0x1], $0x2800, $0x38;
	[tilespmem:$0x1CE80] =	vst v63  }
0x73: {  	_ = 	snop  }
0x74: {  	[spmem:s22] =	stream.linear.scatter [tilespmem:s4], [sflag:$0x1], $0x2800, $0x38;
	[tilespmem:$0x1CE80] =	vst v63  }
0x75: {  	_ = 	snop  }
0x76: {  	[spmem:s1] =	stream.linear.scatter [tilespmem:s4], [sflag:$0x1], $0x2800, $0x38;
	[tilespmem:$0x1CE80] =	vst v63  }
0x77: {  	_ = 	snop  }
0x78: {  	[spmem:s2] =	stream.linear.scatter [tilespmem:s5], [sflag:$0x2], $0x280, $0x38;
	[tilespmem:$0x1CE80] =	vst v63  }
0x79: {  	s11 =	simm.s32 $0x0;
	s3 =	rddreg [dreg:$0x6]  }
0x7a: {  	[tilespmem:s11], [sflag:$0x3] =	stream.linear.gather [hbm4b:s3+s11], $0xC80, $0x38;
	[tilespmem:$0x1CE80] =	vst v63  }
0x7b: {  	s6 =	rddreg [dreg:$0x7];
	s24 =	simm.s32 $0x1000  }
0x7c: {  	[tilespmem:s24], [sflag:$0x3] =	stream.linear.gather [hbm4b:s6+s11], $0xC80, $0x38;
	[tilespmem:$0x1CE80] =	vst v63  }
0x7d: {  	_ =	swait.ge [sflag:s7], $0x2800  }
0x7e: {  	[sflag:s7] =	ssyncset.done $0x0  }
0x7f: {  	[sflag:s7] =	ssyncadd.s32 $0xFFFFD800  }
0x80: {  	_ =	swait.ge [sflag:s7], $0x2800  }
0x81: {  	[sflag:s7] =	ssyncset.done $0x0  }
0x82: {  	[sflag:s7] =	ssyncadd.s32 $0xFFFFD800  }
0x83: {  	_ =	swait.ge [sflag:s7], $0x2800  }
0x84: {  	[sflag:s7] =	ssyncset.done $0x0  }
0x85: {  	[sflag:s7] =	ssyncadd.s32 $0xFFFFD800  }
0x86: {  	_ =	swait.ge [sflag:s7], $0x2800  }
0x87: {  	[sflag:s7] =	ssyncset.done $0x0  }
0x88: {  	[sflag:s7] =	ssyncadd.s32 $0xFFFFD800  }
0x89: {  	_ =	swait.ge [sflag:s7], $0x2800  }
0x8a: {  	[sflag:s7] =	ssyncset.done $0x0  }
0x8b: {  	[sflag:s7] =	ssyncadd.s32 $0xFFFFD800  }
0x8c: {  	_ =	swait.ge [sflag:s7], $0x2800  }
0x8d: {  	[sflag:s7] =	ssyncset.done $0x0  }
0x8e: {  	[sflag:s7] =	ssyncadd.s32 $0xFFFFD800  }
0x8f: {  	_ =	swait.ge [sflag:s7], $0x2800  }
0x90: {  	[sflag:s7] =	ssyncset.done $0x0  }
0x91: {  	[sflag:s7] =	ssyncadd.s32 $0xFFFFD800  }
0x92: {  	_ =	swait.ge [sflag:s7], $0x2800  }
0x93: {  	[sflag:s7] =	ssyncset.done $0x0  }
0x94: {  	[sflag:s7] =	ssyncadd.s32 $0xFFFFD800  }
0x95: {  	_ =	swait.ge [sflag:s8], $0x280  }
0x96: {  	[sflag:s8] =	ssyncset.done $0x0  }
0x97: {  	[sflag:s8] =	ssyncadd.s32 $0xFFFFFD80  }
0x98: {  	[bflag:$0x0] =	sbarrier.arrive $0xFFFF  }
0x99: {  	_ =	swait.ge [sflag:s9], $0xC80  }
0x9a: {  	[sflag:s9] =	ssyncset.done $0x0  }
0x9b: {  	[sflag:s9] =	ssyncadd.s32 $0xFFFFF380  }
0x9c: {  	_ =	swait.ge [sflag:s9], $0xC80  }
0x9d: {  	[sflag:s9] =	ssyncset.done $0x0  }
0x9e: {  	s5 =	rddreg [dreg:$0x8];
	[sflag:s9] =	ssyncadd.s32 $0xFFFFF380  }
0x9f: {  	[tilespmem:s10], [sflag:$0x3] =	stream.linear.gather [hbm4b:s5+s11], $0xC80, $0x38;
	[tilespmem:$0x1CE80] =	vst v63  }
0xa0: {  	s24 =	simm.s32 $0x3000;
	s6 =	rddreg [dreg:$0x9]  }
0xa1: {  	[tilespmem:s24], [sflag:$0x3] =	stream.linear.gather [hbm4b:s6+s11], $0xC80, $0x38;
	[tilespmem:$0x1CE80] =	vst v63  }
0xa2: {  	_ = 	snop  }
0xa3: {  	[tilespmem:s4], [sflag:$0x1] =	stream.indirect.gather [hbm4b:s19+s12], $0x80, s11, s12, $0xb8;
	[tilespmem:$0x1CE80] =	vst v63  }
0xa4: {  	s3 =	simm.s32 $0x80  }
0xa5: {  	[tilespmem:s13], [sflag:$0x2] =	stream.indirect.gather [hbm4b:s19+s12], $0x80, s3, s12, $0xb8;
	[tilespmem:$0x1CE80] =	vst v63  }
0xa6: {  	_ =	swait.ge [sflag:s7], $0x2800  }
0xa7: {  	[sflag:s7] =	ssyncset.done $0x0  }
0xa8: {  	s5 =	simm.s32 $0x1000;
	[sflag:s7] =	ssyncadd.s32 $0xFFFFD800  }
0xa9: {  	[spmem:s21] =	stream.indirect.scatter.add.f32 [tilespmem:s4], [sflag:$0x5], $0x80, s5, s12, $0xb8;
	[tilespmem:$0x1CE80] =	vst v63  }
0xaa: {  	_ =	swait.ge [sflag:s14], $0x2800  }
0xab: {  	[sflag:s14] =	ssyncset.done $0x0  }
0xac: {  	[sflag:s14] =	ssyncadd.s32 $0xFFFFD800  }
0xad: {  	[spmem:s23] =	stream.indirect.scatter.add.f32 [tilespmem:s15], [sflag:$0x5], $0x1, s5, s12, $0xb8;
	[tilespmem:$0x1CE80] =	vst v63  }
0xae: {  	_ =	swait.ge [sflag:s14], $0x50  }
0xaf: {  	[sflag:s14] =	ssyncset.done $0x0  }
0xb0: {  	s6 =	simm.s32 $0x100;
	[sflag:s14] =	ssyncadd.s32 $0xFFFFFFB0  }
0xb1: {  	[tilespmem:s4], [sflag:$0x1] =	stream.indirect.gather [hbm4b:s19+s12], $0x80, s6, s12, $0xb8;
	[tilespmem:$0x1CE80] =	vst v63  }
0xb2: {  	_ =	swait.ge [sflag:s8], $0x2800  }
0xb3: {  	[sflag:s8] =	ssyncset.done $0x0  }
0xb4: {  	s24 =	simm.s32 $0x1080;
	[sflag:s8] =	ssyncadd.s32 $0xFFFFD800  }
0xb5: {  	[spmem:s21] =	stream.indirect.scatter.add.f32 [tilespmem:s13], [sflag:$0x5], $0x80, s24, s12, $0xb8;
	[tilespmem:$0x1CE80] =	vst v63  }
0xb6: {  	_ =	swait.ge [sflag:s14], $0x2800  }
0xb7: {  	[sflag:s14] =	ssyncset.done $0x0  }
0xb8: {  	[sflag:s14] =	ssyncadd.s32 $0xFFFFD800  }
0xb9: {  	[spmem:s23] =	stream.indirect.scatter.add.f32 [tilespmem:s15], [sflag:$0x5], $0x1, s24, s12, $0xb8;
	[tilespmem:$0x1CE80] =	vst v63  }
0xba: {  	_ =	swait.ge [sflag:s14], $0x50  }
0xbb: {  	s11 =	simm.s32 $0x800;
	s24 =	simm.s32 $0x100;
	[sflag:s14] =	ssyncset.done $0x0  }
.LBB2_4:
0xbc: {  	s3 =	sadd.s32 $0x80, s24  }
0xbd: {  	[sflag:s14] =	ssyncadd.s32 $0xFFFFFFB0;
	s5 =	smov.u32 s11;
	s6 =	sadd.s32 $0x400, s11  }
0xbe: {  	[tilespmem:s13], [sflag:$0x2] =	stream.indirect.gather [hbm4b:s19+s12], $0x80, s3, s12, $0xb8;
	[tilespmem:$0x1CE80] =	vst v63  }
0xbf: {  	p0 =	sne.s32 s11, $0x2C00;
	_ =	swait.ge [sflag:s7], $0x2800  }
0xc0: {  	[sflag:s7] =	ssyncset.done $0x0  }
0xc1: {  	s3 =	sadd.s32 $0x1000, s24;
	[sflag:s7] =	ssyncadd.s32 $0xFFFFD800  }
0xc2: {  	[spmem:s21] =	stream.indirect.scatter.add.f32 [tilespmem:s4], [sflag:$0x5], $0x80, s3, s12, $0xb8;
	[tilespmem:$0x1CE80] =	vst v63  }
0xc3: {  	_ =	swait.ge [sflag:s14], $0x2800  }
0xc4: {  	[sflag:s14] =	ssyncset.done $0x0  }
0xc5: {  	[sflag:s14] =	ssyncadd.s32 $0xFFFFD800  }
0xc6: {  	[spmem:s23] =	stream.indirect.scatter.add.f32 [tilespmem:s15], [sflag:$0x5], $0x1, s3, s12, $0xb8;
	[tilespmem:$0x1CE80] =	vst v63  }
0xc7: {  	_ =	swait.ge [sflag:s14], $0x50  }
0xc8: {  	[sflag:s14] =	ssyncset.done $0x0  }
0xc9: {  	s3 =	sadd.s32 $0x100, s24;
	[sflag:s14] =	ssyncadd.s32 $0xFFFFFFB0  }
0xca: {  	[tilespmem:s4], [sflag:$0x1] =	stream.indirect.gather [hbm4b:s19+s12], $0x80, s3, s12, $0xb8;
	[tilespmem:$0x1CE80] =	vst v63  }
0xcb: {  	_ =	swait.ge [sflag:s8], $0x2800  }
0xcc: {  	[sflag:s8] =	ssyncset.done $0x0  }
0xcd: {  	s3 =	sadd.s32 $0x1080, s24;
	[sflag:s8] =	ssyncadd.s32 $0xFFFFD800  }
0xce: {  	[spmem:s21] =	stream.indirect.scatter.add.f32 [tilespmem:s13], [sflag:$0x5], $0x80, s3, s12, $0xb8;
	[tilespmem:$0x1CE80] =	vst v63  }
0xcf: {  	_ =	swait.ge [sflag:s14], $0x2800  }
.Ltmp1:
0xd0: {  	[sflag:s14] =	ssyncset.done $0x0;
	(pc) =	sbr.rel @p0 .LBB2_4-.Ltmp1, $4  }
0xd1: {  	[sflag:s14] =	ssyncadd.s32 $0xFFFFD800  }
0xd2: {  	[spmem:s23] =	stream.indirect.scatter.add.f32 [tilespmem:s15], [sflag:$0x5], $0x1, s3, s12, $0xb8;
	[tilespmem:$0x1CE80] =	vst v63  }
0xd3: {  	_ =	swait.ge [sflag:s14], $0x50  }
0xd4: {  	s11 =	smov.u32 s6;
	s24 =	sshra.s32 s5, $0x2;
	[sflag:s14] =	ssyncset.done $0x0  }
0xd5: {  	s3 =	sadd.s32 $0x80, s24;
	[sflag:s14] =	ssyncadd.s32 $0xFFFFFFB0  }
0xd6: {  	[tilespmem:s13], [sflag:$0x2] =	stream.indirect.gather [hbm4b:s19+s12], $0x80, s3, s12, $0xb8;
	[tilespmem:$0x1CE80] =	vst v63  }
0xd7: {  	_ =	swait.ge [sflag:s7], $0x2800  }
0xd8: {  	[sflag:s7] =	ssyncset.done $0x0  }
0xd9: {  	s11 =	sadd.s32 $0x1000, s24;
	[sflag:s7] =	ssyncadd.s32 $0xFFFFD800  }
0xda: {  	[spmem:s21] =	stream.indirect.scatter.add.f32 [tilespmem:s4], [sflag:$0x5], $0x80, s11, s12, $0xb8;
	[tilespmem:$0x1CE80] =	vst v63  }
0xdb: {  	_ =	swait.ge [sflag:s14], $0x2800  }
0xdc: {  	[sflag:s14] =	ssyncset.done $0x0  }
0xdd: {  	[sflag:s14] =	ssyncadd.s32 $0xFFFFD800  }
0xde: {  	[spmem:s23] =	stream.indirect.scatter.add.f32 [tilespmem:s15], [sflag:$0x5], $0x1, s11, s12, $0xb8;
	[tilespmem:$0x1CE80] =	vst v63  }
0xdf: {  	_ =	swait.ge [sflag:s14], $0x50  }
0xe0: {  	[sflag:s14] =	ssyncset.done $0x0  }
0xe1: {  	s5 =	sadd.s32 $0x100, s24;
	[sflag:s14] =	ssyncadd.s32 $0xFFFFFFB0  }
0xe2: {  	[tilespmem:s4], [sflag:$0x1] =	stream.indirect.gather [hbm4b:s19+s12], $0x80, s5, s12, $0xb8;
	[tilespmem:$0x1CE80] =	vst v63  }
0xe3: {  	_ =	swait.ge [sflag:s8], $0x2800  }
0xe4: {  	[sflag:s8] =	ssyncset.done $0x0  }
0xe5: {  	s6 =	sadd.s32 $0x1080, s24;
	[sflag:s8] =	ssyncadd.s32 $0xFFFFD800  }
0xe6: {  	[spmem:s21] =	stream.indirect.scatter.add.f32 [tilespmem:s13], [sflag:$0x5], $0x80, s6, s12, $0xb8;
	[tilespmem:$0x1CE80] =	vst v63  }
0xe7: {  	_ =	swait.ge [sflag:s14], $0x2800  }
0xe8: {  	[sflag:s14] =	ssyncset.done $0x0  }
0xe9: {  	[sflag:s14] =	ssyncadd.s32 $0xFFFFD800  }
0xea: {  	[spmem:s23] =	stream.indirect.scatter.add.f32 [tilespmem:s15], [sflag:$0x5], $0x1, s6, s12, $0xb8;
	[tilespmem:$0x1CE80] =	vst v63  }
0xeb: {  	_ =	swait.ge [sflag:s14], $0x50  }
0xec: {  	[sflag:s14] =	ssyncset.done $0x0  }
0xed: {  	[sflag:s14] =	ssyncadd.s32 $0xFFFFFFB0  }
0xee: {  	_ =	swait.ge [sflag:s7], $0x2800  }
0xef: {  	[sflag:s7] =	ssyncset.done $0x0  }
0xf0: {  	[sflag:s7] =	ssyncadd.s32 $0xFFFFD800  }
0xf1: {  	[spmem:s21] =	stream.indirect.scatter.add.f32 [tilespmem:s4], [sflag:$0x5], $0x80, s16, s12, $0xb8;
	[tilespmem:$0x1CE80] =	vst v63  }
0xf2: {  	_ =	swait.ge [sflag:s14], $0x2800  }
0xf3: {  	[sflag:s14] =	ssyncset.done $0x0  }
0xf4: {  	[sflag:s14] =	ssyncadd.s32 $0xFFFFD800  }
0xf5: {  	[spmem:s23] =	stream.indirect.scatter.add.f32 [tilespmem:s15], [sflag:$0x5], $0x1, s16, s12, $0xb8;
	[tilespmem:$0x1CE80] =	vst v63  }
0xf6: {  	_ =	swait.ge [sflag:s14], $0x50  }
0xf7: {  	[sflag:s14] =	ssyncset.done $0x0  }
0xf8: {  	[sflag:s14] =	ssyncadd.s32 $0xFFFFFFB0  }
0xf9: {  	_ =	swait.ge [sflag:s9], $0xC80  }
0xfa: {  	[sflag:s9] =	ssyncset.done $0x0  }
0xfb: {  	[sflag:s9] =	ssyncadd.s32 $0xFFFFF380  }
0xfc: {  	_ =	swait.ge [sflag:s9], $0xC80  }
0xfd: {  	[sflag:s9] =	ssyncset.done $0x0  }
0xfe: {  	s11 =	simm.s32 $0x0;
	s5 =	rddreg [dreg:$0xa];
	[sflag:s9] =	ssyncadd.s32 $0xFFFFF380  }
0xff: {  	[tilespmem:s11], [sflag:$0x3] =	stream.linear.gather [hbm4b:s5+s11], $0xC80, $0x38;
	[tilespmem:$0x1CE80] =	vst v63  }
0x100: {  	s6 =	simm.s32 $0x1000;
	s24 =	rddreg [dreg:$0xb]  }
0x101: {  	[tilespmem:s6], [sflag:$0x3] =	stream.linear.gather [hbm4b:s24+s11], $0xC80, $0x38;
	[tilespmem:$0x1CE80] =	vst v63  }
0x102: {  	_ = 	snop  }
0x103: {  	[tilespmem:s4], [sflag:$0x1] =	stream.indirect.gather [hbm4b:s19+s12], $0x80, s10, s12, $0xb8;
	[tilespmem:$0x1CE80] =	vst v63  }
0x104: {  	s5 =	simm.s32 $0x2080  }
0x105: {  	[tilespmem:s13], [sflag:$0x2] =	stream.indirect.gather [hbm4b:s19+s12], $0x80, s5, s12, $0xb8;
	[tilespmem:$0x1CE80] =	vst v63  }
0x106: {  	_ =	swait.ge [sflag:s7], $0x2800  }
0x107: {  	[sflag:s7] =	ssyncset.done $0x0  }
0x108: {  	s6 =	simm.s32 $0x3000;
	[sflag:s7] =	ssyncadd.s32 $0xFFFFD800  }
0x109: {  	[spmem:s21] =	stream.indirect.scatter.add.f32 [tilespmem:s4], [sflag:$0x5], $0x80, s6, s12, $0xb8;
	[tilespmem:$0x1CE80] =	vst v63  }
0x10a: {  	_ =	swait.ge [sflag:s14], $0x2800  }
0x10b: {  	[sflag:s14] =	ssyncset.done $0x0  }
0x10c: {  	[sflag:s14] =	ssyncadd.s32 $0xFFFFD800  }
0x10d: {  	[spmem:s23] =	stream.indirect.scatter.add.f32 [tilespmem:s15], [sflag:$0x5], $0x1, s6, s12, $0xb8;
	[tilespmem:$0x1CE80] =	vst v63  }
0x10e: {  	_ =	swait.ge [sflag:s14], $0x50  }
0x10f: {  	[sflag:s14] =	ssyncset.done $0x0  }
0x110: {  	s11 =	simm.s32 $0x2100;
	[sflag:s14] =	ssyncadd.s32 $0xFFFFFFB0  }
0x111: {  	[tilespmem:s4], [sflag:$0x1] =	stream.indirect.gather [hbm4b:s19+s12], $0x80, s11, s12, $0xb8;
	[tilespmem:$0x1CE80] =	vst v63  }
0x112: {  	_ =	swait.ge [sflag:s8], $0x2800  }
0x113: {  	[sflag:s8] =	ssyncset.done $0x0  }
0x114: {  	s24 =	simm.s32 $0x3080;
	[sflag:s8] =	ssyncadd.s32 $0xFFFFD800  }
0x115: {  	[spmem:s21] =	stream.indirect.scatter.add.f32 [tilespmem:s13], [sflag:$0x5], $0x80, s24, s12, $0xb8;
	[tilespmem:$0x1CE80] =	vst v63  }
0x116: {  	_ =	swait.ge [sflag:s14], $0x2800  }
0x117: {  	[sflag:s14] =	ssyncset.done $0x0  }
0x118: {  	[sflag:s14] =	ssyncadd.s32 $0xFFFFD800  }
0x119: {  	[spmem:s23] =	stream.indirect.scatter.add.f32 [tilespmem:s15], [sflag:$0x5], $0x1, s24, s12, $0xb8;
	[tilespmem:$0x1CE80] =	vst v63  }
0x11a: {  	_ =	swait.ge [sflag:s14], $0x50  }
0x11b: {  	s11 =	simm.s32 $0x800;
	s24 =	simm.s32 $0x100;
	[sflag:s14] =	ssyncset.done $0x0  }
.LBB2_6:
0x11c: {  	s3 =	sadd.s32 $0x2080, s24  }
0x11d: {  	[sflag:s14] =	ssyncadd.s32 $0xFFFFFFB0;
	s5 =	smov.u32 s11;
	s6 =	sadd.s32 $0x400, s11  }
0x11e: {  	[tilespmem:s13], [sflag:$0x2] =	stream.indirect.gather [hbm4b:s19+s12], $0x80, s3, s12, $0xb8;
	[tilespmem:$0x1CE80] =	vst v63  }
0x11f: {  	p0 =	sne.s32 s11, $0x2C00;
	_ =	swait.ge [sflag:s7], $0x2800  }
0x120: {  	[sflag:s7] =	ssyncset.done $0x0  }
0x121: {  	s3 =	sadd.s32 $0x3000, s24;
	[sflag:s7] =	ssyncadd.s32 $0xFFFFD800  }
0x122: {  	[spmem:s21] =	stream.indirect.scatter.add.f32 [tilespmem:s4], [sflag:$0x5], $0x80, s3, s12, $0xb8;
	[tilespmem:$0x1CE80] =	vst v63  }
0x123: {  	_ =	swait.ge [sflag:s14], $0x2800  }
0x124: {  	[sflag:s14] =	ssyncset.done $0x0  }
0x125: {  	[sflag:s14] =	ssyncadd.s32 $0xFFFFD800  }
0x126: {  	[spmem:s23] =	stream.indirect.scatter.add.f32 [tilespmem:s15], [sflag:$0x5], $0x1, s3, s12, $0xb8;
	[tilespmem:$0x1CE80] =	vst v63  }
0x127: {  	_ =	swait.ge [sflag:s14], $0x50  }
0x128: {  	[sflag:s14] =	ssyncset.done $0x0  }
0x129: {  	s3 =	sadd.s32 $0x2100, s24;
	[sflag:s14] =	ssyncadd.s32 $0xFFFFFFB0  }
0x12a: {  	[tilespmem:s4], [sflag:$0x1] =	stream.indirect.gather [hbm4b:s19+s12], $0x80, s3, s12, $0xb8;
	[tilespmem:$0x1CE80] =	vst v63  }
0x12b: {  	_ =	swait.ge [sflag:s8], $0x2800  }
0x12c: {  	[sflag:s8] =	ssyncset.done $0x0  }
0x12d: {  	s3 =	sadd.s32 $0x3080, s24;
	[sflag:s8] =	ssyncadd.s32 $0xFFFFD800  }
0x12e: {  	[spmem:s21] =	stream.indirect.scatter.add.f32 [tilespmem:s13], [sflag:$0x5], $0x80, s3, s12, $0xb8;
	[tilespmem:$0x1CE80] =	vst v63  }
0x12f: {  	_ =	swait.ge [sflag:s14], $0x2800  }
.Ltmp2:
0x130: {  	[sflag:s14] =	ssyncset.done $0x0;
	(pc) =	sbr.rel @p0 .LBB2_6-.Ltmp2, $4  }
0x131: {  	[sflag:s14] =	ssyncadd.s32 $0xFFFFD800  }
0x132: {  	[spmem:s23] =	stream.indirect.scatter.add.f32 [tilespmem:s15], [sflag:$0x5], $0x1, s3, s12, $0xb8;
	[tilespmem:$0x1CE80] =	vst v63  }
0x133: {  	_ =	swait.ge [sflag:s14], $0x50  }
0x134: {  	s11 =	smov.u32 s6;
	s24 =	sshra.s32 s5, $0x2;
	[sflag:s14] =	ssyncset.done $0x0  }
0x135: {  	s3 =	sadd.s32 $0x2080, s24;
	[sflag:s14] =	ssyncadd.s32 $0xFFFFFFB0  }
0x136: {  	[tilespmem:s13], [sflag:$0x2] =	stream.indirect.gather [hbm4b:s19+s12], $0x80, s3, s12, $0xb8;
	[tilespmem:$0x1CE80] =	vst v63  }
0x137: {  	_ =	swait.ge [sflag:s7], $0x2800  }
0x138: {  	[sflag:s7] =	ssyncset.done $0x0  }
0x139: {  	s11 =	sadd.s32 $0x3000, s24;
	[sflag:s7] =	ssyncadd.s32 $0xFFFFD800  }
0x13a: {  	[spmem:s21] =	stream.indirect.scatter.add.f32 [tilespmem:s4], [sflag:$0x5], $0x80, s11, s12, $0xb8;
	[tilespmem:$0x1CE80] =	vst v63  }
0x13b: {  	_ =	swait.ge [sflag:s14], $0x2800  }
0x13c: {  	[sflag:s14] =	ssyncset.done $0x0  }
0x13d: {  	[sflag:s14] =	ssyncadd.s32 $0xFFFFD800  }
0x13e: {  	[spmem:s23] =	stream.indirect.scatter.add.f32 [tilespmem:s15], [sflag:$0x5], $0x1, s11, s12, $0xb8;
	[tilespmem:$0x1CE80] =	vst v63  }
0x13f: {  	_ =	swait.ge [sflag:s14], $0x50  }
0x140: {  	[sflag:s14] =	ssyncset.done $0x0  }
0x141: {  	s5 =	sadd.s32 $0x2100, s24;
	[sflag:s14] =	ssyncadd.s32 $0xFFFFFFB0  }
0x142: {  	[tilespmem:s4], [sflag:$0x1] =	stream.indirect.gather [hbm4b:s19+s12], $0x80, s5, s12, $0xb8;
	[tilespmem:$0x1CE80] =	vst v63  }
0x143: {  	_ =	swait.ge [sflag:s8], $0x2800  }
0x144: {  	[sflag:s8] =	ssyncset.done $0x0  }
0x145: {  	s6 =	sadd.s32 $0x3080, s24;
	[sflag:s8] =	ssyncadd.s32 $0xFFFFD800  }
0x146: {  	[spmem:s21] =	stream.indirect.scatter.add.f32 [tilespmem:s13], [sflag:$0x5], $0x80, s6, s12, $0xb8;
	[tilespmem:$0x1CE80] =	vst v63  }
0x147: {  	_ =	swait.ge [sflag:s14], $0x2800  }
0x148: {  	[sflag:s14] =	ssyncset.done $0x0  }
0x149: {  	[sflag:s14] =	ssyncadd.s32 $0xFFFFD800  }
0x14a: {  	[spmem:s23] =	stream.indirect.scatter.add.f32 [tilespmem:s15], [sflag:$0x5], $0x1, s6, s12, $0xb8;
	[tilespmem:$0x1CE80] =	vst v63  }
0x14b: {  	_ =	swait.ge [sflag:s14], $0x50  }
0x14c: {  	[sflag:s14] =	ssyncset.done $0x0  }
0x14d: {  	[sflag:s14] =	ssyncadd.s32 $0xFFFFFFB0  }
0x14e: {  	_ =	swait.ge [sflag:s7], $0x2800  }
0x14f: {  	[sflag:s7] =	ssyncset.done $0x0  }
0x150: {  	[sflag:s7] =	ssyncadd.s32 $0xFFFFD800  }
0x151: {  	[spmem:s21] =	stream.indirect.scatter.add.f32 [tilespmem:s4], [sflag:$0x5], $0x80, s17, s12, $0xb8;
	[tilespmem:$0x1CE80] =	vst v63  }
0x152: {  	_ =	swait.ge [sflag:s14], $0x2800  }
0x153: {  	[sflag:s14] =	ssyncset.done $0x0  }
0x154: {  	[sflag:s14] =	ssyncadd.s32 $0xFFFFD800  }
0x155: {  	[spmem:s23] =	stream.indirect.scatter.add.f32 [tilespmem:s15], [sflag:$0x5], $0x1, s17, s12, $0xb8;
	[tilespmem:$0x1CE80] =	vst v63  }
0x156: {  	_ =	swait.ge [sflag:s14], $0x50  }
0x157: {  	[sflag:s14] =	ssyncset.done $0x0  }
0x158: {  	[sflag:s14] =	ssyncadd.s32 $0xFFFFFFB0  }
0x159: {  	_ =	swait.ge [sflag:s9], $0xC80  }
0x15a: {  	[sflag:s9] =	ssyncset.done $0x0  }
0x15b: {  	[sflag:s9] =	ssyncadd.s32 $0xFFFFF380  }
0x15c: {  	_ =	swait.ge [sflag:s9], $0xC80  }
0x15d: {  	[sflag:s9] =	ssyncset.done $0x0  }
0x15e: {  	s11 =	simm.s32 $0x0;
	s5 =	rddreg [dreg:$0xc];
	[sflag:s9] =	ssyncadd.s32 $0xFFFFF380  }
0x15f: {  	[tilespmem:s10], [sflag:$0x3] =	stream.linear.gather [hbm4b:s5+s11], $0xC80, $0x38;
	[tilespmem:$0x1CE80] =	vst v63  }
0x160: {  	s6 =	simm.s32 $0x3000;
	s24 =	rddreg [dreg:$0xd]  }
0x161: {  	[tilespmem:s6], [sflag:$0x3] =	stream.linear.gather [hbm4b:s24+s11], $0xC80, $0x38;
	[tilespmem:$0x1CE80] =	vst v63  }
0x162: {  	_ = 	snop  }
0x163: {  	[tilespmem:s4], [sflag:$0x1] =	stream.indirect.gather [hbm4b:s19+s12], $0x80, s11, s12, $0xb8;
	[tilespmem:$0x1CE80] =	vst v63  }
0x164: {  	s5 =	simm.s32 $0x80  }
0x165: {  	[tilespmem:s13], [sflag:$0x2] =	stream.indirect.gather [hbm4b:s19+s12], $0x80, s5, s12, $0xb8;
	[tilespmem:$0x1CE80] =	vst v63  }
0x166: {  	_ =	swait.ge [sflag:s7], $0x2800  }
0x167: {  	[sflag:s7] =	ssyncset.done $0x0  }
0x168: {  	s6 =	simm.s32 $0x1000;
	[sflag:s7] =	ssyncadd.s32 $0xFFFFD800  }
0x169: {  	[spmem:s21] =	stream.indirect.scatter.add.f32 [tilespmem:s4], [sflag:$0x5], $0x80, s6, s12, $0xb8;
	[tilespmem:$0x1CE80] =	vst v63  }
0x16a: {  	_ =	swait.ge [sflag:s14], $0x2800  }
0x16b: {  	[sflag:s14] =	ssyncset.done $0x0  }
0x16c: {  	[sflag:s14] =	ssyncadd.s32 $0xFFFFD800  }
0x16d: {  	[spmem:s23] =	stream.indirect.scatter.add.f32 [tilespmem:s15], [sflag:$0x5], $0x1, s6, s12, $0xb8;
	[tilespmem:$0x1CE80] =	vst v63  }
0x16e: {  	_ =	swait.ge [sflag:s14], $0x50  }
0x16f: {  	[sflag:s14] =	ssyncset.done $0x0  }
0x170: {  	s11 =	simm.s32 $0x100;
	[sflag:s14] =	ssyncadd.s32 $0xFFFFFFB0  }
0x171: {  	[tilespmem:s4], [sflag:$0x1] =	stream.indirect.gather [hbm4b:s19+s12], $0x80, s11, s12, $0xb8;
	[tilespmem:$0x1CE80] =	vst v63  }
0x172: {  	_ =	swait.ge [sflag:s8], $0x2800  }
0x173: {  	[sflag:s8] =	ssyncset.done $0x0  }
0x174: {  	s24 =	simm.s32 $0x1080;
	[sflag:s8] =	ssyncadd.s32 $0xFFFFD800  }
0x175: {  	[spmem:s21] =	stream.indirect.scatter.add.f32 [tilespmem:s13], [sflag:$0x5], $0x80, s24, s12, $0xb8;
	[tilespmem:$0x1CE80] =	vst v63  }
0x176: {  	_ =	swait.ge [sflag:s14], $0x2800  }
0x177: {  	[sflag:s14] =	ssyncset.done $0x0  }
0x178: {  	[sflag:s14] =	ssyncadd.s32 $0xFFFFD800  }
0x179: {  	[spmem:s23] =	stream.indirect.scatter.add.f32 [tilespmem:s15], [sflag:$0x5], $0x1, s24, s12, $0xb8;
	[tilespmem:$0x1CE80] =	vst v63  }
0x17a: {  	_ =	swait.ge [sflag:s14], $0x50  }
0x17b: {  	s11 =	simm.s32 $0x800;
	s24 =	simm.s32 $0x100;
	[sflag:s14] =	ssyncset.done $0x0  }
.LBB2_8:
0x17c: {  	s3 =	sadd.s32 $0x80, s24  }
0x17d: {  	[sflag:s14] =	ssyncadd.s32 $0xFFFFFFB0;
	s5 =	smov.u32 s11;
	s6 =	sadd.s32 $0x400, s11  }
0x17e: {  	[tilespmem:s13], [sflag:$0x2] =	stream.indirect.gather [hbm4b:s19+s12], $0x80, s3, s12, $0xb8;
	[tilespmem:$0x1CE80] =	vst v63  }
0x17f: {  	p0 =	sne.s32 s11, $0x2C00;
	_ =	swait.ge [sflag:s7], $0x2800  }
0x180: {  	[sflag:s7] =	ssyncset.done $0x0  }
0x181: {  	s3 =	sadd.s32 $0x1000, s24;
	[sflag:s7] =	ssyncadd.s32 $0xFFFFD800  }
0x182: {  	[spmem:s21] =	stream.indirect.scatter.add.f32 [tilespmem:s4], [sflag:$0x5], $0x80, s3, s12, $0xb8;
	[tilespmem:$0x1CE80] =	vst v63  }
0x183: {  	_ =	swait.ge [sflag:s14], $0x2800  }
0x184: {  	[sflag:s14] =	ssyncset.done $0x0  }
0x185: {  	[sflag:s14] =	ssyncadd.s32 $0xFFFFD800  }
0x186: {  	[spmem:s23] =	stream.indirect.scatter.add.f32 [tilespmem:s15], [sflag:$0x5], $0x1, s3, s12, $0xb8;
	[tilespmem:$0x1CE80] =	vst v63  }
0x187: {  	_ =	swait.ge [sflag:s14], $0x50  }
0x188: {  	[sflag:s14] =	ssyncset.done $0x0  }
0x189: {  	s3 =	sadd.s32 $0x100, s24;
	[sflag:s14] =	ssyncadd.s32 $0xFFFFFFB0  }
0x18a: {  	[tilespmem:s4], [sflag:$0x1] =	stream.indirect.gather [hbm4b:s19+s12], $0x80, s3, s12, $0xb8;
	[tilespmem:$0x1CE80] =	vst v63  }
0x18b: {  	_ =	swait.ge [sflag:s8], $0x2800  }
0x18c: {  	[sflag:s8] =	ssyncset.done $0x0  }
0x18d: {  	s3 =	sadd.s32 $0x1080, s24;
	[sflag:s8] =	ssyncadd.s32 $0xFFFFD800  }
0x18e: {  	[spmem:s21] =	stream.indirect.scatter.add.f32 [tilespmem:s13], [sflag:$0x5], $0x80, s3, s12, $0xb8;
	[tilespmem:$0x1CE80] =	vst v63  }
0x18f: {  	_ =	swait.ge [sflag:s14], $0x2800  }
.Ltmp3:
0x190: {  	[sflag:s14] =	ssyncset.done $0x0;
	(pc) =	sbr.rel @p0 .LBB2_8-.Ltmp3, $4  }
0x191: {  	[sflag:s14] =	ssyncadd.s32 $0xFFFFD800  }
0x192: {  	[spmem:s23] =	stream.indirect.scatter.add.f32 [tilespmem:s15], [sflag:$0x5], $0x1, s3, s12, $0xb8;
	[tilespmem:$0x1CE80] =	vst v63  }
0x193: {  	_ =	swait.ge [sflag:s14], $0x50  }
0x194: {  	s11 =	smov.u32 s6;
	s24 =	sshra.s32 s5, $0x2;
	[sflag:s14] =	ssyncset.done $0x0  }
0x195: {  	s3 =	sadd.s32 $0x80, s24;
	[sflag:s14] =	ssyncadd.s32 $0xFFFFFFB0  }
0x196: {  	[tilespmem:s13], [sflag:$0x2] =	stream.indirect.gather [hbm4b:s19+s12], $0x80, s3, s12, $0xb8;
	[tilespmem:$0x1CE80] =	vst v63  }
0x197: {  	_ =	swait.ge [sflag:s7], $0x2800  }
0x198: {  	[sflag:s7] =	ssyncset.done $0x0  }
0x199: {  	s11 =	sadd.s32 $0x1000, s24;
	[sflag:s7] =	ssyncadd.s32 $0xFFFFD800  }
0x19a: {  	[spmem:s21] =	stream.indirect.scatter.add.f32 [tilespmem:s4], [sflag:$0x5], $0x80, s11, s12, $0xb8;
	[tilespmem:$0x1CE80] =	vst v63  }
0x19b: {  	_ =	swait.ge [sflag:s14], $0x2800  }
0x19c: {  	[sflag:s14] =	ssyncset.done $0x0  }
0x19d: {  	[sflag:s14] =	ssyncadd.s32 $0xFFFFD800  }
0x19e: {  	[spmem:s23] =	stream.indirect.scatter.add.f32 [tilespmem:s15], [sflag:$0x5], $0x1, s11, s12, $0xb8;
	[tilespmem:$0x1CE80] =	vst v63  }
0x19f: {  	_ =	swait.ge [sflag:s14], $0x50  }
0x1a0: {  	[sflag:s14] =	ssyncset.done $0x0  }
0x1a1: {  	s5 =	sadd.s32 $0x100, s24;
	[sflag:s14] =	ssyncadd.s32 $0xFFFFFFB0  }
0x1a2: {  	[tilespmem:s4], [sflag:$0x1] =	stream.indirect.gather [hbm4b:s19+s12], $0x80, s5, s12, $0xb8;
	[tilespmem:$0x1CE80] =	vst v63  }
0x1a3: {  	_ =	swait.ge [sflag:s8], $0x2800  }
0x1a4: {  	[sflag:s8] =	ssyncset.done $0x0  }
0x1a5: {  	s6 =	sadd.s32 $0x1080, s24;
	[sflag:s8] =	ssyncadd.s32 $0xFFFFD800  }
0x1a6: {  	[spmem:s21] =	stream.indirect.scatter.add.f32 [tilespmem:s13], [sflag:$0x5], $0x80, s6, s12, $0xb8;
	[tilespmem:$0x1CE80] =	vst v63  }
0x1a7: {  	_ =	swait.ge [sflag:s14], $0x2800  }
0x1a8: {  	[sflag:s14] =	ssyncset.done $0x0  }
0x1a9: {  	[sflag:s14] =	ssyncadd.s32 $0xFFFFD800  }
0x1aa: {  	[spmem:s23] =	stream.indirect.scatter.add.f32 [tilespmem:s15], [sflag:$0x5], $0x1, s6, s12, $0xb8;
	[tilespmem:$0x1CE80] =	vst v63  }
0x1ab: {  	_ =	swait.ge [sflag:s14], $0x50  }
0x1ac: {  	[sflag:s14] =	ssyncset.done $0x0  }
0x1ad: {  	[sflag:s14] =	ssyncadd.s32 $0xFFFFFFB0  }
0x1ae: {  	_ =	swait.ge [sflag:s7], $0x2800  }
0x1af: {  	[sflag:s7] =	ssyncset.done $0x0  }
0x1b0: {  	[sflag:s7] =	ssyncadd.s32 $0xFFFFD800  }
0x1b1: {  	[spmem:s21] =	stream.indirect.scatter.add.f32 [tilespmem:s4], [sflag:$0x5], $0x80, s16, s12, $0xb8;
	[tilespmem:$0x1CE80] =	vst v63  }
0x1b2: {  	_ =	swait.ge [sflag:s14], $0x2800  }
0x1b3: {  	[sflag:s14] =	ssyncset.done $0x0  }
0x1b4: {  	[sflag:s14] =	ssyncadd.s32 $0xFFFFD800  }
0x1b5: {  	[spmem:s23] =	stream.indirect.scatter.add.f32 [tilespmem:s15], [sflag:$0x5], $0x1, s16, s12, $0xb8;
	[tilespmem:$0x1CE80] =	vst v63  }
0x1b6: {  	_ =	swait.ge [sflag:s14], $0x50  }
0x1b7: {  	[sflag:s14] =	ssyncset.done $0x0  }
0x1b8: {  	[sflag:s14] =	ssyncadd.s32 $0xFFFFFFB0  }
0x1b9: {  	_ =	swait.ge [sflag:s9], $0xC80  }
0x1ba: {  	[sflag:s9] =	ssyncset.done $0x0  }
0x1bb: {  	[sflag:s9] =	ssyncadd.s32 $0xFFFFF380  }
0x1bc: {  	_ =	swait.ge [sflag:s9], $0xC80  }
0x1bd: {  	[sflag:s9] =	ssyncset.done $0x0  }
0x1be: {  	s11 =	simm.s32 $0x0;
	s5 =	rddreg [dreg:$0xe];
	[sflag:s9] =	ssyncadd.s32 $0xFFFFF380  }
0x1bf: {  	[tilespmem:s11], [sflag:$0x3] =	stream.linear.gather [hbm4b:s5+s11], $0xC80, $0x38;
	[tilespmem:$0x1CE80] =	vst v63  }
0x1c0: {  	s6 =	simm.s32 $0x1000;
	s24 =	rddreg [dreg:$0xf]  }
0x1c1: {  	[tilespmem:s6], [sflag:$0x3] =	stream.linear.gather [hbm4b:s24+s11], $0xC80, $0x38;
	[tilespmem:$0x1CE80] =	vst v63  }
0x1c2: {  	_ = 	snop  }
0x1c3: {  	[tilespmem:s4], [sflag:$0x1] =	stream.indirect.gather [hbm4b:s19+s12], $0x80, s10, s12, $0xb8;
	[tilespmem:$0x1CE80] =	vst v63  }
0x1c4: {  	s5 =	simm.s32 $0x2080  }
0x1c5: {  	[tilespmem:s13], [sflag:$0x2] =	stream.indirect.gather [hbm4b:s19+s12], $0x80, s5, s12, $0xb8;
	[tilespmem:$0x1CE80] =	vst v63  }
0x1c6: {  	_ =	swait.ge [sflag:s7], $0x2800  }
0x1c7: {  	[sflag:s7] =	ssyncset.done $0x0  }
0x1c8: {  	s6 =	simm.s32 $0x3000;
	[sflag:s7] =	ssyncadd.s32 $0xFFFFD800  }
0x1c9: {  	[spmem:s21] =	stream.indirect.scatter.add.f32 [tilespmem:s4], [sflag:$0x5], $0x80, s6, s12, $0xb8;
	[tilespmem:$0x1CE80] =	vst v63  }
0x1ca: {  	_ =	swait.ge [sflag:s14], $0x2800  }
0x1cb: {  	[sflag:s14] =	ssyncset.done $0x0  }
0x1cc: {  	[sflag:s14] =	ssyncadd.s32 $0xFFFFD800  }
0x1cd: {  	[spmem:s23] =	stream.indirect.scatter.add.f32 [tilespmem:s15], [sflag:$0x5], $0x1, s6, s12, $0xb8;
	[tilespmem:$0x1CE80] =	vst v63  }
0x1ce: {  	_ =	swait.ge [sflag:s14], $0x50  }
0x1cf: {  	[sflag:s14] =	ssyncset.done $0x0  }
0x1d0: {  	s11 =	simm.s32 $0x2100;
	[sflag:s14] =	ssyncadd.s32 $0xFFFFFFB0  }
0x1d1: {  	[tilespmem:s4], [sflag:$0x1] =	stream.indirect.gather [hbm4b:s19+s12], $0x80, s11, s12, $0xb8;
	[tilespmem:$0x1CE80] =	vst v63  }
0x1d2: {  	_ =	swait.ge [sflag:s8], $0x2800  }
0x1d3: {  	[sflag:s8] =	ssyncset.done $0x0  }
0x1d4: {  	s24 =	simm.s32 $0x3080;
	[sflag:s8] =	ssyncadd.s32 $0xFFFFD800  }
0x1d5: {  	[spmem:s21] =	stream.indirect.scatter.add.f32 [tilespmem:s13], [sflag:$0x5], $0x80, s24, s12, $0xb8;
	[tilespmem:$0x1CE80] =	vst v63  }
0x1d6: {  	_ =	swait.ge [sflag:s14], $0x2800  }
0x1d7: {  	[sflag:s14] =	ssyncset.done $0x0  }
0x1d8: {  	[sflag:s14] =	ssyncadd.s32 $0xFFFFD800  }
0x1d9: {  	[spmem:s23] =	stream.indirect.scatter.add.f32 [tilespmem:s15], [sflag:$0x5], $0x1, s24, s12, $0xb8;
	[tilespmem:$0x1CE80] =	vst v63  }
0x1da: {  	_ =	swait.ge [sflag:s14], $0x50  }
0x1db: {  	s11 =	simm.s32 $0x800;
	s24 =	simm.s32 $0x100;
	[sflag:s14] =	ssyncset.done $0x0  }
.LBB2_10:
0x1dc: {  	s3 =	sadd.s32 $0x2080, s24  }
0x1dd: {  	[sflag:s14] =	ssyncadd.s32 $0xFFFFFFB0;
	s5 =	smov.u32 s11;
	s6 =	sadd.s32 $0x400, s11  }
0x1de: {  	[tilespmem:s13], [sflag:$0x2] =	stream.indirect.gather [hbm4b:s19+s12], $0x80, s3, s12, $0xb8;
	[tilespmem:$0x1CE80] =	vst v63  }
0x1df: {  	p0 =	sne.s32 s11, $0x2C00;
	_ =	swait.ge [sflag:s7], $0x2800  }
0x1e0: {  	[sflag:s7] =	ssyncset.done $0x0  }
0x1e1: {  	s3 =	sadd.s32 $0x3000, s24;
	[sflag:s7] =	ssyncadd.s32 $0xFFFFD800  }
0x1e2: {  	[spmem:s21] =	stream.indirect.scatter.add.f32 [tilespmem:s4], [sflag:$0x5], $0x80, s3, s12, $0xb8;
	[tilespmem:$0x1CE80] =	vst v63  }
0x1e3: {  	_ =	swait.ge [sflag:s14], $0x2800  }
0x1e4: {  	[sflag:s14] =	ssyncset.done $0x0  }
0x1e5: {  	[sflag:s14] =	ssyncadd.s32 $0xFFFFD800  }
0x1e6: {  	[spmem:s23] =	stream.indirect.scatter.add.f32 [tilespmem:s15], [sflag:$0x5], $0x1, s3, s12, $0xb8;
	[tilespmem:$0x1CE80] =	vst v63  }
0x1e7: {  	_ =	swait.ge [sflag:s14], $0x50  }
0x1e8: {  	[sflag:s14] =	ssyncset.done $0x0  }
0x1e9: {  	s3 =	sadd.s32 $0x2100, s24;
	[sflag:s14] =	ssyncadd.s32 $0xFFFFFFB0  }
0x1ea: {  	[tilespmem:s4], [sflag:$0x1] =	stream.indirect.gather [hbm4b:s19+s12], $0x80, s3, s12, $0xb8;
	[tilespmem:$0x1CE80] =	vst v63  }
0x1eb: {  	_ =	swait.ge [sflag:s8], $0x2800  }
0x1ec: {  	[sflag:s8] =	ssyncset.done $0x0  }
0x1ed: {  	s3 =	sadd.s32 $0x3080, s24;
	[sflag:s8] =	ssyncadd.s32 $0xFFFFD800  }
0x1ee: {  	[spmem:s21] =	stream.indirect.scatter.add.f32 [tilespmem:s13], [sflag:$0x5], $0x80, s3, s12, $0xb8;
	[tilespmem:$0x1CE80] =	vst v63  }
0x1ef: {  	_ =	swait.ge [sflag:s14], $0x2800  }
.Ltmp4:
0x1f0: {  	[sflag:s14] =	ssyncset.done $0x0;
	(pc) =	sbr.rel @p0 .LBB2_10-.Ltmp4, $4  }
0x1f1: {  	[sflag:s14] =	ssyncadd.s32 $0xFFFFD800  }
0x1f2: {  	[spmem:s23] =	stream.indirect.scatter.add.f32 [tilespmem:s15], [sflag:$0x5], $0x1, s3, s12, $0xb8;
	[tilespmem:$0x1CE80] =	vst v63  }
0x1f3: {  	_ =	swait.ge [sflag:s14], $0x50  }
0x1f4: {  	s11 =	smov.u32 s6;
	s24 =	sshra.s32 s5, $0x2;
	[sflag:s14] =	ssyncset.done $0x0  }
0x1f5: {  	s3 =	sadd.s32 $0x2080, s24;
	[sflag:s14] =	ssyncadd.s32 $0xFFFFFFB0  }
0x1f6: {  	[tilespmem:s13], [sflag:$0x2] =	stream.indirect.gather [hbm4b:s19+s12], $0x80, s3, s12, $0xb8;
	[tilespmem:$0x1CE80] =	vst v63  }
0x1f7: {  	_ =	swait.ge [sflag:s7], $0x2800  }
0x1f8: {  	[sflag:s7] =	ssyncset.done $0x0  }
0x1f9: {  	s5 =	sadd.s32 $0x3000, s24;
	[sflag:s7] =	ssyncadd.s32 $0xFFFFD800  }
0x1fa: {  	[spmem:s21] =	stream.indirect.scatter.add.f32 [tilespmem:s4], [sflag:$0x5], $0x80, s5, s12, $0xb8;
	[tilespmem:$0x1CE80] =	vst v63  }
0x1fb: {  	_ =	swait.ge [sflag:s14], $0x2800  }
0x1fc: {  	[sflag:s14] =	ssyncset.done $0x0  }
0x1fd: {  	[sflag:s14] =	ssyncadd.s32 $0xFFFFD800  }
0x1fe: {  	[spmem:s23] =	stream.indirect.scatter.add.f32 [tilespmem:s15], [sflag:$0x5], $0x1, s5, s12, $0xb8;
	[tilespmem:$0x1CE80] =	vst v63  }
0x1ff: {  	_ =	swait.ge [sflag:s14], $0x50  }
0x200: {  	[sflag:s14] =	ssyncset.done $0x0  }
0x201: {  	s6 =	sadd.s32 $0x2100, s24;
	[sflag:s14] =	ssyncadd.s32 $0xFFFFFFB0  }
0x202: {  	[tilespmem:s4], [sflag:$0x1] =	stream.indirect.gather [hbm4b:s19+s12], $0x80, s6, s12, $0xb8;
	[tilespmem:$0x1CE80] =	vst v63  }
0x203: {  	_ =	swait.ge [sflag:s8], $0x2800  }
0x204: {  	[sflag:s8] =	ssyncset.done $0x0  }
0x205: {  	s11 =	sadd.s32 $0x3080, s24;
	[sflag:s8] =	ssyncadd.s32 $0xFFFFD800  }
0x206: {  	[spmem:s21] =	stream.indirect.scatter.add.f32 [tilespmem:s13], [sflag:$0x5], $0x80, s11, s12, $0xb8;
	[tilespmem:$0x1CE80] =	vst v63  }
0x207: {  	_ =	swait.ge [sflag:s14], $0x2800  }
0x208: {  	[sflag:s14] =	ssyncset.done $0x0  }
0x209: {  	[sflag:s14] =	ssyncadd.s32 $0xFFFFD800  }
0x20a: {  	[spmem:s23] =	stream.indirect.scatter.add.f32 [tilespmem:s15], [sflag:$0x5], $0x1, s11, s12, $0xb8;
	[tilespmem:$0x1CE80] =	vst v63  }
0x20b: {  	_ =	swait.ge [sflag:s14], $0x50  }
0x20c: {  	[sflag:s14] =	ssyncset.done $0x0  }
0x20d: {  	[sflag:s14] =	ssyncadd.s32 $0xFFFFFFB0  }
0x20e: {  	_ =	swait.ge [sflag:s7], $0x2800  }
0x20f: {  	[sflag:s7] =	ssyncset.done $0x0  }
0x210: {  	[sflag:s7] =	ssyncadd.s32 $0xFFFFD800  }
0x211: {  	[spmem:s21] =	stream.indirect.scatter.add.f32 [tilespmem:s4], [sflag:$0x5], $0x80, s17, s12, $0xb8;
	[tilespmem:$0x1CE80] =	vst v63  }
0x212: {  	_ =	swait.ge [sflag:s14], $0x2800  }
0x213: {  	[sflag:s14] =	ssyncset.done $0x0  }
0x214: {  	[sflag:s14] =	ssyncadd.s32 $0xFFFFD800  }
0x215: {  	[spmem:s23] =	stream.indirect.scatter.add.f32 [tilespmem:s15], [sflag:$0x5], $0x1, s17, s12, $0xb8;
	[tilespmem:$0x1CE80] =	vst v63  }
0x216: {  	_ =	swait.ge [sflag:s14], $0x50  }
0x217: {  	[sflag:s14] =	ssyncset.done $0x0  }
0x218: {  	[sflag:s14] =	ssyncadd.s32 $0xFFFFFFB0  }
0x219: {  	_ =	swait.ge [sflag:s9], $0xC80  }
0x21a: {  	[sflag:s9] =	ssyncset.done $0x0  }
0x21b: {  	[sflag:s9] =	ssyncadd.s32 $0xFFFFF380  }
0x21c: {  	_ =	swait.ge [sflag:s9], $0xC80  }
0x21d: {  	[sflag:s9] =	ssyncset.done $0x0  }
0x21e: {  	s24 =	simm.s32 $0x0;
	[sflag:s9] =	ssyncadd.s32 $0xFFFFF380  }
0x21f: {  	[tilespmem:s4], [sflag:$0x1] =	stream.indirect.gather [hbm4b:s19+s12], $0x80, s24, s12, $0xb8;
	[tilespmem:$0x1CE80] =	vst v63  }
0x220: {  	s5 =	simm.s32 $0x80  }
0x221: {  	[tilespmem:s13], [sflag:$0x2] =	stream.indirect.gather [hbm4b:s19+s12], $0x80, s5, s12, $0xb8;
	[tilespmem:$0x1CE80] =	vst v63  }
0x222: {  	_ =	swait.ge [sflag:s7], $0x2800  }
0x223: {  	[sflag:s7] =	ssyncset.done $0x0  }
0x224: {  	s6 =	simm.s32 $0x1000;
	[sflag:s7] =	ssyncadd.s32 $0xFFFFD800  }
0x225: {  	[spmem:s21] =	stream.indirect.scatter.add.f32 [tilespmem:s4], [sflag:$0x5], $0x80, s6, s12, $0xb8;
	[tilespmem:$0x1CE80] =	vst v63  }
0x226: {  	_ =	swait.ge [sflag:s14], $0x2800  }
0x227: {  	[sflag:s14] =	ssyncset.done $0x0  }
0x228: {  	[sflag:s14] =	ssyncadd.s32 $0xFFFFD800  }
0x229: {  	[spmem:s23] =	stream.indirect.scatter.add.f32 [tilespmem:s15], [sflag:$0x5], $0x1, s6, s12, $0xb8;
	[tilespmem:$0x1CE80] =	vst v63  }
0x22a: {  	_ =	swait.ge [sflag:s14], $0x50  }
0x22b: {  	[sflag:s14] =	ssyncset.done $0x0  }
0x22c: {  	s11 =	simm.s32 $0x100;
	[sflag:s14] =	ssyncadd.s32 $0xFFFFFFB0  }
0x22d: {  	[tilespmem:s4], [sflag:$0x1] =	stream.indirect.gather [hbm4b:s19+s12], $0x80, s11, s12, $0xb8;
	[tilespmem:$0x1CE80] =	vst v63  }
0x22e: {  	_ =	swait.ge [sflag:s8], $0x2800  }
0x22f: {  	[sflag:s8] =	ssyncset.done $0x0  }
0x230: {  	s24 =	simm.s32 $0x1080;
	[sflag:s8] =	ssyncadd.s32 $0xFFFFD800  }
0x231: {  	[spmem:s21] =	stream.indirect.scatter.add.f32 [tilespmem:s13], [sflag:$0x5], $0x80, s24, s12, $0xb8;
	[tilespmem:$0x1CE80] =	vst v63  }
0x232: {  	_ =	swait.ge [sflag:s14], $0x2800  }
0x233: {  	[sflag:s14] =	ssyncset.done $0x0  }
0x234: {  	[sflag:s14] =	ssyncadd.s32 $0xFFFFD800  }
0x235: {  	[spmem:s23] =	stream.indirect.scatter.add.f32 [tilespmem:s15], [sflag:$0x5], $0x1, s24, s12, $0xb8;
	[tilespmem:$0x1CE80] =	vst v63  }
0x236: {  	_ =	swait.ge [sflag:s14], $0x50  }
0x237: {  	s11 =	simm.s32 $0x800;
	s24 =	simm.s32 $0x100;
	[sflag:s14] =	ssyncset.done $0x0  }
.LBB2_12:
0x238: {  	s3 =	sadd.s32 $0x80, s24  }
0x239: {  	[sflag:s14] =	ssyncadd.s32 $0xFFFFFFB0;
	s5 =	smov.u32 s11;
	s6 =	sadd.s32 $0x400, s11  }
0x23a: {  	[tilespmem:s13], [sflag:$0x2] =	stream.indirect.gather [hbm4b:s19+s12], $0x80, s3, s12, $0xb8;
	[tilespmem:$0x1CE80] =	vst v63  }
0x23b: {  	p0 =	sne.s32 s11, $0x2C00;
	_ =	swait.ge [sflag:s7], $0x2800  }
0x23c: {  	[sflag:s7] =	ssyncset.done $0x0  }
0x23d: {  	s3 =	sadd.s32 $0x1000, s24;
	[sflag:s7] =	ssyncadd.s32 $0xFFFFD800  }
0x23e: {  	[spmem:s21] =	stream.indirect.scatter.add.f32 [tilespmem:s4], [sflag:$0x5], $0x80, s3, s12, $0xb8;
	[tilespmem:$0x1CE80] =	vst v63  }
0x23f: {  	_ =	swait.ge [sflag:s14], $0x2800  }
0x240: {  	[sflag:s14] =	ssyncset.done $0x0  }
0x241: {  	[sflag:s14] =	ssyncadd.s32 $0xFFFFD800  }
0x242: {  	[spmem:s23] =	stream.indirect.scatter.add.f32 [tilespmem:s15], [sflag:$0x5], $0x1, s3, s12, $0xb8;
	[tilespmem:$0x1CE80] =	vst v63  }
0x243: {  	_ =	swait.ge [sflag:s14], $0x50  }
0x244: {  	[sflag:s14] =	ssyncset.done $0x0  }
0x245: {  	s3 =	sadd.s32 $0x100, s24;
	[sflag:s14] =	ssyncadd.s32 $0xFFFFFFB0  }
0x246: {  	[tilespmem:s4], [sflag:$0x1] =	stream.indirect.gather [hbm4b:s19+s12], $0x80, s3, s12, $0xb8;
	[tilespmem:$0x1CE80] =	vst v63  }
0x247: {  	_ =	swait.ge [sflag:s8], $0x2800  }
0x248: {  	[sflag:s8] =	ssyncset.done $0x0  }
0x249: {  	s3 =	sadd.s32 $0x1080, s24;
	[sflag:s8] =	ssyncadd.s32 $0xFFFFD800  }
0x24a: {  	[spmem:s21] =	stream.indirect.scatter.add.f32 [tilespmem:s13], [sflag:$0x5], $0x80, s3, s12, $0xb8;
	[tilespmem:$0x1CE80] =	vst v63  }
0x24b: {  	_ =	swait.ge [sflag:s14], $0x2800  }
.Ltmp5:
0x24c: {  	[sflag:s14] =	ssyncset.done $0x0;
	(pc) =	sbr.rel @p0 .LBB2_12-.Ltmp5, $4  }
0x24d: {  	[sflag:s14] =	ssyncadd.s32 $0xFFFFD800  }
0x24e: {  	[spmem:s23] =	stream.indirect.scatter.add.f32 [tilespmem:s15], [sflag:$0x5], $0x1, s3, s12, $0xb8;
	[tilespmem:$0x1CE80] =	vst v63  }
0x24f: {  	_ =	swait.ge [sflag:s14], $0x50  }
0x250: {  	s11 =	smov.u32 s6;
	s24 =	sshra.s32 s5, $0x2;
	[sflag:s14] =	ssyncset.done $0x0  }
0x251: {  	s3 =	sadd.s32 $0x80, s24;
	[sflag:s14] =	ssyncadd.s32 $0xFFFFFFB0  }
0x252: {  	[tilespmem:s13], [sflag:$0x2] =	stream.indirect.gather [hbm4b:s19+s12], $0x80, s3, s12, $0xb8;
	[tilespmem:$0x1CE80] =	vst v63  }
0x253: {  	_ =	swait.ge [sflag:s7], $0x2800  }
0x254: {  	[sflag:s7] =	ssyncset.done $0x0  }
0x255: {  	s11 =	sadd.s32 $0x1000, s24;
	[sflag:s7] =	ssyncadd.s32 $0xFFFFD800  }
0x256: {  	[spmem:s21] =	stream.indirect.scatter.add.f32 [tilespmem:s4], [sflag:$0x5], $0x80, s11, s12, $0xb8;
	[tilespmem:$0x1CE80] =	vst v63  }
0x257: {  	_ =	swait.ge [sflag:s14], $0x2800  }
0x258: {  	[sflag:s14] =	ssyncset.done $0x0  }
0x259: {  	[sflag:s14] =	ssyncadd.s32 $0xFFFFD800  }
0x25a: {  	[spmem:s23] =	stream.indirect.scatter.add.f32 [tilespmem:s15], [sflag:$0x5], $0x1, s11, s12, $0xb8;
	[tilespmem:$0x1CE80] =	vst v63  }
0x25b: {  	_ =	swait.ge [sflag:s14], $0x50  }
0x25c: {  	[sflag:s14] =	ssyncset.done $0x0  }
0x25d: {  	s5 =	sadd.s32 $0x100, s24;
	[sflag:s14] =	ssyncadd.s32 $0xFFFFFFB0  }
0x25e: {  	[tilespmem:s4], [sflag:$0x1] =	stream.indirect.gather [hbm4b:s19+s12], $0x80, s5, s12, $0xb8;
	[tilespmem:$0x1CE80] =	vst v63  }
0x25f: {  	_ =	swait.ge [sflag:s8], $0x2800  }
0x260: {  	[sflag:s8] =	ssyncset.done $0x0  }
0x261: {  	s6 =	sadd.s32 $0x1080, s24;
	[sflag:s8] =	ssyncadd.s32 $0xFFFFD800  }
0x262: {  	[spmem:s21] =	stream.indirect.scatter.add.f32 [tilespmem:s13], [sflag:$0x5], $0x80, s6, s12, $0xb8;
	[tilespmem:$0x1CE80] =	vst v63  }
0x263: {  	_ =	swait.ge [sflag:s14], $0x2800  }
0x264: {  	[sflag:s14] =	ssyncset.done $0x0  }
0x265: {  	[sflag:s14] =	ssyncadd.s32 $0xFFFFD800  }
0x266: {  	[spmem:s23] =	stream.indirect.scatter.add.f32 [tilespmem:s15], [sflag:$0x5], $0x1, s6, s12, $0xb8;
	[tilespmem:$0x1CE80] =	vst v63  }
0x267: {  	_ =	swait.ge [sflag:s14], $0x50  }
0x268: {  	[sflag:s14] =	ssyncset.done $0x0  }
0x269: {  	[sflag:s14] =	ssyncadd.s32 $0xFFFFFFB0  }
0x26a: {  	_ =	swait.ge [sflag:s7], $0x2800  }
0x26b: {  	[sflag:s7] =	ssyncset.done $0x0  }
0x26c: {  	[sflag:s7] =	ssyncadd.s32 $0xFFFFD800  }
0x26d: {  	[spmem:s21] =	stream.indirect.scatter.add.f32 [tilespmem:s4], [sflag:$0x5], $0x80, s16, s12, $0xb8;
	[tilespmem:$0x1CE80] =	vst v63  }
0x26e: {  	_ =	swait.ge [sflag:s14], $0x2800  }
0x26f: {  	[sflag:s14] =	ssyncset.done $0x0  }
0x270: {  	[sflag:s14] =	ssyncadd.s32 $0xFFFFD800  }
0x271: {  	[spmem:s23] =	stream.indirect.scatter.add.f32 [tilespmem:s15], [sflag:$0x5], $0x1, s16, s12, $0xb8;
	[tilespmem:$0x1CE80] =	vst v63  }
0x272: {  	_ =	swait.ge [sflag:s14], $0x50  }
0x273: {  	[sflag:s14] =	ssyncset.done $0x0  }
0x274: {  	[sflag:s14] =	ssyncadd.s32 $0xFFFFFFB0  }
0x275: {  	[bflag:$0x0] =	sbarrier.arrive $0xFFFF  }
0x276: {  	[tilespmem:s4], [sflag:$0x1] =	stream.linear.gather [spmem:s25], $0x2800, $0x38;
	[tilespmem:$0x1CE80] =	vst v63  }
0x277: {  	_ =	swait.ge [sflag:s7], $0x2800  }
0x278: {  	[sflag:s7] =	ssyncset.done $0x0  }
0x279: {  	s11 =	rddreg [dreg:$0x10];
	[sflag:s7] =	ssyncadd.s32 $0xFFFFD800  }
0x27a: {  	[hbm4b:s11+s0] =	stream.linear.scatter [tilespmem:s4], [sflag:$0x4], $0x2800, $0x38;
	[tilespmem:$0x1CE80] =	vst v63  }
0x27b: {  	_ = 	snop  }
0x27c: {  	[tilespmem:s13], [sflag:$0x2] =	stream.linear.gather [spmem:s26], $0x2800, $0x38;
	[tilespmem:$0x1CE80] =	vst v63  }
0x27d: {  	_ =	swait.ge [sflag:s8], $0x2800  }
0x27e: {  	[sflag:s8] =	ssyncset.done $0x0  }
0x27f: {  	s24 =	rddreg [dreg:$0x11];
	[sflag:s8] =	ssyncadd.s32 $0xFFFFD800  }
0x280: {  	[hbm4b:s24+s0] =	stream.linear.scatter [tilespmem:s13], [sflag:$0x4], $0x2800, $0x38;
	[tilespmem:$0x1CE80] =	vst v63  }
0x281: {  	_ =	swait.ge [sflag:s18], $0x2800  }
0x282: {  	[sflag:s18] =	ssyncset.done $0x0  }
0x283: {  	[sflag:s18] =	ssyncadd.s32 $0xFFFFD800  }
0x284: {  	[tilespmem:s4], [sflag:$0x1] =	stream.linear.gather [spmem:s28], $0x2800, $0x38;
	[tilespmem:$0x1CE80] =	vst v63  }
0x285: {  	_ =	swait.ge [sflag:s7], $0x2800  }
0x286: {  	[sflag:s7] =	ssyncset.done $0x0  }
0x287: {  	s5 =	rddreg [dreg:$0x12];
	[sflag:s7] =	ssyncadd.s32 $0xFFFFD800  }
0x288: {  	[hbm4b:s5+s0] =	stream.linear.scatter [tilespmem:s4], [sflag:$0x4], $0x2800, $0x38;
	[tilespmem:$0x1CE80] =	vst v63  }
0x289: {  	_ =	swait.ge [sflag:s18], $0x2800  }
0x28a: {  	[sflag:s18] =	ssyncset.done $0x0  }
0x28b: {  	[sflag:s18] =	ssyncadd.s32 $0xFFFFD800  }
0x28c: {  	[tilespmem:s13], [sflag:$0x2] =	stream.linear.gather [spmem:s29], $0x2800, $0x38;
	[tilespmem:$0x1CE80] =	vst v63  }
0x28d: {  	_ =	swait.ge [sflag:s8], $0x2800  }
0x28e: {  	[sflag:s8] =	ssyncset.done $0x0  }
0x28f: {  	s6 =	rddreg [dreg:$0x13];
	[sflag:s8] =	ssyncadd.s32 $0xFFFFD800  }
0x290: {  	[hbm4b:s6+s0] =	stream.linear.scatter [tilespmem:s13], [sflag:$0x4], $0x2800, $0x38;
	[tilespmem:$0x1CE80] =	vst v63  }
0x291: {  	_ =	swait.ge [sflag:s18], $0x2800  }
0x292: {  	[sflag:s18] =	ssyncset.done $0x0  }
0x293: {  	[sflag:s18] =	ssyncadd.s32 $0xFFFFD800  }
0x294: {  	[tilespmem:s4], [sflag:$0x1] =	stream.linear.gather [spmem:s30], $0x2800, $0x38;
	[tilespmem:$0x1CE80] =	vst v63  }
0x295: {  	_ =	swait.ge [sflag:s7], $0x2800  }
0x296: {  	[sflag:s7] =	ssyncset.done $0x0  }
0x297: {  	s11 =	rddreg [dreg:$0x14];
	[sflag:s7] =	ssyncadd.s32 $0xFFFFD800  }
0x298: {  	[hbm4b:s11+s0] =	stream.linear.scatter [tilespmem:s4], [sflag:$0x4], $0x2800, $0x38;
	[tilespmem:$0x1CE80] =	vst v63  }
0x299: {  	_ =	swait.ge [sflag:s18], $0x2800  }
0x29a: {  	[sflag:s18] =	ssyncset.done $0x0  }
0x29b: {  	[sflag:s18] =	ssyncadd.s32 $0xFFFFD800  }
0x29c: {  	[tilespmem:s13], [sflag:$0x2] =	stream.linear.gather [spmem:s31], $0x2800, $0x38;
	[tilespmem:$0x1CE80] =	vst v63  }
0x29d: {  	_ =	swait.ge [sflag:s8], $0x2800  }
0x29e: {  	[sflag:s8] =	ssyncset.done $0x0  }
0x29f: {  	s24 =	rddreg [dreg:$0x15];
	[sflag:s8] =	ssyncadd.s32 $0xFFFFD800  }
0x2a0: {  	[hbm4b:s24+s0] =	stream.linear.scatter [tilespmem:s13], [sflag:$0x4], $0x2800, $0x38;
	[tilespmem:$0x1CE80] =	vst v63  }
0x2a1: {  	_ =	swait.ge [sflag:s18], $0x2800  }
0x2a2: {  	[sflag:s18] =	ssyncset.done $0x0  }
0x2a3: {  	[sflag:s18] =	ssyncadd.s32 $0xFFFFD800  }
0x2a4: {  	[tilespmem:s4], [sflag:$0x1] =	stream.linear.gather [spmem:s22], $0x2800, $0x38;
	[tilespmem:$0x1CE80] =	vst v63  }
0x2a5: {  	_ =	swait.ge [sflag:s7], $0x2800  }
0x2a6: {  	[sflag:s7] =	ssyncset.done $0x0  }
0x2a7: {  	s5 =	rddreg [dreg:$0x16];
	[sflag:s7] =	ssyncadd.s32 $0xFFFFD800  }
0x2a8: {  	[hbm4b:s5+s0] =	stream.linear.scatter [tilespmem:s4], [sflag:$0x4], $0x2800, $0x38;
	[tilespmem:$0x1CE80] =	vst v63  }
0x2a9: {  	_ =	swait.ge [sflag:s18], $0x2800  }
0x2aa: {  	[sflag:s18] =	ssyncset.done $0x0  }
0x2ab: {  	[sflag:s18] =	ssyncadd.s32 $0xFFFFD800  }
0x2ac: {  	[tilespmem:s13], [sflag:$0x2] =	stream.linear.gather [spmem:s1], $0x2800, $0x38;
	[tilespmem:$0x1CE80] =	vst v63  }
0x2ad: {  	_ =	swait.ge [sflag:s8], $0x2800  }
0x2ae: {  	[sflag:s8] =	ssyncset.done $0x0  }
0x2af: {  	s6 =	rddreg [dreg:$0x17];
	[sflag:s8] =	ssyncadd.s32 $0xFFFFD800  }
0x2b0: {  	[hbm4b:s6+s0] =	stream.linear.scatter [tilespmem:s13], [sflag:$0x4], $0x2800, $0x38;
	[tilespmem:$0x1CE80] =	vst v63  }
0x2b1: {  	_ =	swait.ge [sflag:s18], $0x2800  }
0x2b2: {  	[sflag:s18] =	ssyncset.done $0x0  }
0x2b3: {  	[sflag:s18] =	ssyncadd.s32 $0xFFFFD800  }
0x2b4: {  	_ =	swait.ge [sflag:s18], $0x2800  }
0x2b5: {  	[sflag:s18] =	ssyncset.done $0x0  }
0x2b6: {  	s5 =	simm.s32 $0x9000;
	[sflag:s18] =	ssyncadd.s32 $0xFFFFD800  }
0x2b7: {  	[tilespmem:s5], [sflag:$0x5] =	stream.linear.gather [spmem:s2], $0x280, $0x38;
	[tilespmem:$0x1CE80] =	vst v63  }
0x2b8: {  	_ =	swait.ge [sflag:s14], $0x280  }
0x2b9: {  	[sflag:s14] =	ssyncset.done $0x0  }
0x2ba: {  	s11 =	rddreg [dreg:$0x18];
	[sflag:s14] =	ssyncadd.s32 $0xFFFFFD80  }
0x2bb: {  	[hbm4b:s11+s0] =	stream.linear.scatter [tilespmem:s5], [sflag:$0x5], $0x280, $0x38;
	[tilespmem:$0x1CE80] =	vst v63  }
0x2bc: {  	_ =	swait.ge [sflag:s14], $0x280  }
0x2bd: {  	s20 =	sadd.s32 $0x1, s20;
	s24 =	rddreg [dreg:$0x19]  }
0x2be: {  	p0 =	sne.s32 s20, s24  }
.Ltmp6:
0x2bf: {  	_ = 	snop;
	(pc) =	sbr.rel @p0 .LBB2_1-.Ltmp6, $3  }
0x2c0: {  	_ =	sdelay $0x1  }
0x2c1: {  	[sflag:s14] =	ssyncset.done $0x0  }
0x2c2: {  	[sflag:s14] =	ssyncadd.s32 $0xFFFFFD80  }
0x2c3: {  	_ =	sfence.sel $0x180000  }
0x2c4: {  	[bflag:$0x0] =	sbarrier.arrive $0xFFFF  }
0x2c5: {  	_ =	strace $0x90000047  }
0x2c6: {  	s0 =	stileid.u32;
	[bflag:$0x2] =	sbarrier.arrive $0xFFFF  }
0x2c7: {  	p0 =	sne.s32 s0, $0x0;
	s0 =	rddreg [dreg:$0x5]  }
0x2c8: {  	s0 =	sadd.s32 @!p0 $0x100000, s0  }
0x2c9: {  	[sflag:s0] =	ssyncadd.tile.s32 @!p0 $0x1;
	_ =	shalt  }
.Lfunc_end2:
_tile_overlayer_lowered:
.L_overlay_start_2:
0x2ca: {  	(tag) =	ssettag $0x2  }
0x2cb: {  	s0 =	rddreg [dreg:$0x0];
	s2 =	stileid.u32  }
0x2cc: {  	s1 =	rddreg [dreg:$0x1];
	p0 =	sne.s32 s2, $0x0  }
0x2cd: {  	s3 =	rddreg [dreg:$0x2];
	[bflag:$0x3] =	sbarrier.arrive $0xFFFF;
	s2 =	simm.s32 @!p0 $0x1C05  }
0x2ce: {  	[timem:s3], [sflag:s2] =	dma.local @!p0 [hbm:s0], s1  }
0x2cf: {  	s0 =	simm.s32 @!p0 $0x5  }
0x2d0: {  	_ =	swait.ge @!p0 [sflag:s0], s1  }
0x2d1: {  	s1 =	ssub.s32 @!p0 $0x0, s1;
	[sflag:s0] =	ssyncset.done @!p0 $0x0  }
0x2d2: {  	[sflag:s0] =	ssyncadd.s32 @!p0 s1  }
0x2d3: {  	[bflag:$0x3] =	sbarrier.arrive $0xFFFF  }
0x2d4: {  	_ =	shalt  }

</sc_bundles>
